<compile_context>
chip_gen: v7x
topology: tpu7x:2x2x1
jax: 0.10.2.dev20260603
libtpu: 0.0.44.dev20260713+nightly
codegen_flags: <defaults>
</compile_context>

<pallas_src>
import functools

import jax
import jax.numpy as jnp
from jax import lax
from jax.experimental import pallas as pl
from jax.experimental.pallas import tpu as pltpu
from jax.experimental.pallas import tpu_sc as plsc

N = 50000
E = 800000
NC = 2
NS = 16
NW = NC * NS
EPT = E // NW
EB = 125
NB = EPT // EB
NPAD = 50048
RPT = NPAD // NS
SB = 40
NSB = NB // SB
BLK = 2000
GRID = N // BLK
EPS_BN = 1e-5


def _make_segsum(n_chunks, width):
    mesh = plsc.VectorSubcoreMesh(core_axis_name="c", subcore_axis_name="s")
    out_type = [jax.ShapeDtypeStruct((NC, NPAD, width), jnp.float32)
                for _ in range(n_chunks)]
    scratch = [
        pltpu.VMEM((EB, width), jnp.float32),
        pltpu.VMEM((EB, width), jnp.float32),
        pltpu.VMEM((SB, EB), jnp.int32),
        pltpu.VMEM((SB, EB), jnp.int32),
        pltpu.SemaphoreType.DMA,
        pltpu.SemaphoreType.DMA,
        pltpu.VMEM_SHARED((NPAD, width), jnp.float32),
    ]

    @functools.partial(
        pl.kernel, mesh=mesh, out_type=out_type, scratch_types=scratch,
        compiler_params=pltpu.CompilerParams(use_tc_tiling_on_sc=False))
    def seg_kernel(src_h, dst_h, zero_h, *rest):
        tables = rest[:n_chunks]
        outs = rest[n_chunks:2 * n_chunks]
        g0, g1, si, di, s0, s1, acc = rest[2 * n_chunks:]
        cid = lax.axis_index("c")
        sid = lax.axis_index("s")
        wid = cid * NS + sid
        r0 = sid * RPT
        rows = pl.ds(r0, RPT)

        for c in range(n_chunks):
            tab = tables[c]
            out = outs[c]
            pltpu.sync_copy(zero_h, acc.at[rows])
            plsc.subcore_barrier()

            def super_body(sb, carry):
                bat = pl.ds(sb * SB, SB)
                pltpu.sync_copy(src_h.at[wid, bat], si)
                pltpu.sync_copy(dst_h.at[wid, bat], di)
                pltpu.async_copy(tab.at[si.at[0]], g0, s0)

                def edge_body(i, c2):
                    b0 = 2 * i
                    b1 = b0 + 1
                    pltpu.async_copy(tab.at[si.at[b1]], g1, s1)
                    pltpu.make_async_copy(tab.at[si.at[b0]], g0, s0).wait()
                    pltpu.sync_copy(g0, acc.at[di.at[b0]], add=True)

                    @pl.when(b0 + 2 < SB)
                    def _():
                        pltpu.async_copy(tab.at[si.at[b0 + 2]], g0, s0)

                    pltpu.make_async_copy(tab.at[si.at[b1]], g1, s1).wait()
                    pltpu.sync_copy(g1, acc.at[di.at[b1]], add=True)
                    return c2

                lax.fori_loop(0, SB // 2, edge_body, 0)
                return carry

            lax.fori_loop(0, NSB, super_body, 0)
            plsc.subcore_barrier()
            pltpu.sync_copy(acc.at[rows], out.at[cid, rows])

    return seg_kernel


_SEGSUM_CACHE = {}


def _run_segsum(src3, dst3, tables, width):
    key = (len(tables), width)
    if key not in _SEGSUM_CACHE:
        _SEGSUM_CACHE[key] = _make_segsum(*key)
    zero_rows = jnp.zeros((RPT, width), jnp.float32)
    res = _SEGSUM_CACHE[key](src3, dst3, zero_rows, *tables)
    return res if isinstance(res, (list, tuple)) else (res,)


def _full(shape):
    return pl.BlockSpec(shape, lambda i: tuple(0 for _ in shape))


def _rows(width):
    return pl.BlockSpec((BLK, width), lambda i: (i, 0))


def _pair(width):
    return pl.BlockSpec((NC, BLK, width), lambda i: (0, i, 0))


def _norm_stats(step, raw, hn_ref, st_ref):
    nrm = jnp.sqrt(jnp.sum(raw * raw, axis=-1, keepdims=True))
    hn = raw / jnp.maximum(nrm, 1e-12)
    hn_ref[...] = hn

    @pl.when(step == 0)
    def _():
        st_ref[...] = jnp.zeros_like(st_ref)

    st_ref[0:1, :] += jnp.sum(hn, axis=0, keepdims=True)
    st_ref[1:2, :] += jnp.sum(hn * hn, axis=0, keepdims=True)


def _bn_apply(hn, st_ref, g_ref, b_ref):
    mu = st_ref[0:1, :] / N
    var = st_ref[1:2, :] / N - mu * mu
    scale = g_ref[...] / jnp.sqrt(var + EPS_BN)
    shift = b_ref[...] - mu * scale
    return hn * scale + shift


def _tc1_body(s0_ref, x_ref, wl_ref, bl_ref, wr_ref,
              hn_ref, st_ref, dinv_ref):
    i = pl.program_id(0)
    s = s0_ref[0] + s0_ref[1]
    dinv = 1.0 / jnp.maximum(s[:, 12:13], 1.0)
    mean = s[:, :12] * dinv
    raw = (jnp.dot(mean, wl_ref[...], preferred_element_type=jnp.float32)
           + bl_ref[...]
           + jnp.dot(x_ref[...], wr_ref[...],
                     preferred_element_type=jnp.float32))
    _norm_stats(i, raw, hn_ref, st_ref)
    dinv_ref[...] = dinv


def _tc2_body(hn_ref, st_ref, g_ref, b_ref, t0, t1, t2, t3):
    hp = jnp.maximum(_bn_apply(hn_ref[...], st_ref, g_ref, b_ref), 0.0)
    t0[...] = hp[:, 0:32]
    t1[...] = hp[:, 32:64]
    t2[...] = hp[:, 64:96]
    t3[...] = hp[:, 96:128]


def _tc3_body(s0, s1, s2, s3, dinv_ref, t0, t1, t2, t3,
              wl_ref, bl_ref, wr_ref, hn_ref, st_ref):
    i = pl.program_id(0)
    s = jnp.concatenate([s0[0] + s0[1], s1[0] + s1[1],
                         s2[0] + s2[1], s3[0] + s3[1]], axis=1)
    mean = s * dinv_ref[...]
    h0 = jnp.concatenate([t0[...], t1[...], t2[...], t3[...]], axis=1)
    raw = (jnp.dot(mean, wl_ref[...], preferred_element_type=jnp.float32)
           + bl_ref[...]
           + jnp.dot(h0, wr_ref[...], preferred_element_type=jnp.float32))
    _norm_stats(i, raw, hn_ref, st_ref)


def _tc4_body(hn_ref, st_ref, g_ref, b_ref, wl2_ref, bl2_ref, wr2_ref,
              v0, v1, r2_ref):
    hp = jnp.maximum(_bn_apply(hn_ref[...], st_ref, g_ref, b_ref), 0.0)
    v2 = jnp.dot(hp, wl2_ref[...], preferred_element_type=jnp.float32)
    v0[...] = v2[:, 0:32]
    v1[...] = v2[:, 32:64]
    r2_ref[...] = (jnp.dot(hp, wr2_ref[...],
                           preferred_element_type=jnp.float32)
                   + bl2_ref[...])


def _tc5_body(s0, s1, dinv_ref, r2_ref, hn_ref, st_ref):
    i = pl.program_id(0)
    s = jnp.concatenate([s0[0] + s0[1], s1[0] + s1[1]], axis=1)
    raw = s * dinv_ref[...] + r2_ref[...]
    _norm_stats(i, raw, hn_ref, st_ref)


def _tc6_body(hn_ref, st_ref, g_ref, b_ref, w0_ref, b0_ref,
              w1_ref, b1_ref, w2_ref, b2_ref, out_ref):
    hp = _bn_apply(hn_ref[...], st_ref, g_ref, b_ref)
    a = jnp.maximum(jnp.dot(hp, w0_ref[...],
                            preferred_element_type=jnp.float32)
                    + b0_ref[...], 0.0)
    a = jnp.maximum(jnp.dot(a, w1_ref[...],
                            preferred_element_type=jnp.float32)
                    + b1_ref[...], 0.0)
    out_ref[...] = (jnp.dot(a, w2_ref[...],
                            preferred_element_type=jnp.float32)
                    + b2_ref[...])


def _tc_call(body, in_specs, out_specs, out_shapes, args):
    return pl.pallas_call(
        body,
        grid=(GRID,),
        in_specs=in_specs,
        out_specs=out_specs,
        out_shape=out_shapes,
    )(*args)


def kernel(x, edge_index, W_l0, b_l0, W_r0, bn_g0, bn_b0,
           W_l1, b_l1, W_r1, bn_g1, bn_b1,
           W_l2, b_l2, W_r2, bn_g2, bn_b2,
           W_c0, b_c0, W_c1, b_c1, W_c2, b_c2):
    f32 = jnp.float32
    src3 = edge_index[0].reshape(NW, NB, EB)
    dst3 = edge_index[1].reshape(NW, NB, EB)
    tx = jnp.concatenate(
        [x, jnp.ones((N, 1), f32), jnp.zeros((N, 3), f32)], axis=1)

    (s0,) = _run_segsum(src3, dst3, (tx,), 16)

    hn0, st0, dinv = _tc_call(
        _tc1_body,
        [_pair(16), _rows(12), _full((12, 128)), _full((1, 128)),
         _full((12, 128))],
        [_rows(128), _full((8, 128)), _rows(1)],
        [jax.ShapeDtypeStruct((N, 128), f32),
         jax.ShapeDtypeStruct((8, 128), f32),
         jax.ShapeDtypeStruct((N, 1), f32)],
        (s0, x, W_l0.T, b_l0.reshape(1, 128), W_r0.T))

    t0 = _tc_call(
        _tc2_body,
        [_rows(128), _full((8, 128)), _full((1, 128)), _full((1, 128))],
        [_rows(32)] * 4,
        [jax.ShapeDtypeStruct((N, 32), f32)] * 4,
        (hn0, st0, bn_g0.reshape(1, 128), bn_b0.reshape(1, 128)))

    s1 = _run_segsum(src3, dst3, t0, 32)

    hn1, st1 = _tc_call(
        _tc3_body,
        [_pair(32)] * 4 + [_rows(1)] + [_rows(32)] * 4
        + [_full((128, 128)), _full((1, 128)), _full((128, 128))],
        [_rows(128), _full((8, 128))],
        [jax.ShapeDtypeStruct((N, 128), f32),
         jax.ShapeDtypeStruct((8, 128), f32)],
        (*s1, dinv, *t0, W_l1.T, b_l1.reshape(1, 128), W_r1.T))

    v2c0, v2c1, r2 = _tc_call(
        _tc4_body,
        [_rows(128), _full((8, 128)), _full((1, 128)), _full((1, 128)),
         _full((128, 64)), _full((1, 64)), _full((128, 64))],
        [_rows(32), _rows(32), _rows(64)],
        [jax.ShapeDtypeStruct((N, 32), f32),
         jax.ShapeDtypeStruct((N, 32), f32),
         jax.ShapeDtypeStruct((N, 64), f32)],
        (hn1, st1, bn_g1.reshape(1, 128), bn_b1.reshape(1, 128),
         W_l2.T, b_l2.reshape(1, 64), W_r2.T))

    s2 = _run_segsum(src3, dst3, (v2c0, v2c1), 32)

    hn2, st2 = _tc_call(
        _tc5_body,
        [_pair(32)] * 2 + [_rows(1), _rows(64)],
        [_rows(64), _full((8, 64))],
        [jax.ShapeDtypeStruct((N, 64), f32),
         jax.ShapeDtypeStruct((8, 64), f32)],
        (*s2, dinv, r2))

    (logits,) = _tc_call(
        _tc6_body,
        [_rows(64), _full((8, 64)), _full((1, 64)), _full((1, 64)),
         _full((64, 64)), _full((1, 64)), _full((64, 32)), _full((1, 32)),
         _full((32, 1)), _full((1, 1))],
        [_rows(1)],
        [jax.ShapeDtypeStruct((N, 1), f32)],
        (hn2, st2, bn_g2.reshape(1, 64), bn_b2.reshape(1, 64),
         W_c0.T, b_c0.reshape(1, 64), W_c1.T, b_c1.reshape(1, 32),
         W_c2.T, b_c2.reshape(1, 1)))

    return logits[:, 0]

# --- scband reference (transcript-rebuilt; emitter-appended) ---
"""Pipeline reference for scband-ablation-gnn-32916629356558 (READ-ONLY COPY).

The authoritative reference and input builder live on the scoring server;
editing this copy changes nothing except your own understanding.
"""

import jax, jax.numpy as jnp
import numpy as np

N = 50000
E = 800000
IN_DIM = 12
HID = 128
OUT_DIM = 64
EPS_BN = 1e-5


def _sage(x, src, dst, Wl, bl, Wr):
    # PyG SAGEConv(aggr='mean', normalize=True): lin_l(mean_j x_j) + lin_r(x), then L2-normalize
    msgs = jnp.take(x, src, axis=0)
    s = jax.ops.segment_sum(msgs, dst, num_segments=N)
    deg = jax.ops.segment_sum(jnp.ones((src.shape[0],), dtype=x.dtype), dst, num_segments=N)
    mean = s / jnp.maximum(deg, 1.0)[:, None]
    out = mean @ Wl.T + bl + x @ Wr.T
    nrm = jnp.maximum(jnp.linalg.norm(out, axis=-1, keepdims=True), 1e-12)
    return out / nrm


def _bn(x, g, b):
    # BatchNorm1d over nodes (training-mode batch statistics, biased var)
    mu = jnp.mean(x, axis=0, keepdims=True)
    var = jnp.mean((x - mu) ** 2, axis=0, keepdims=True)
    return (x - mu) / jnp.sqrt(var + EPS_BN) * g + b


def setup_inputs(seed: int = 0):
    key = jax.random.key(seed)
    ks = jax.random.split(key, 24)
    inp = {}
    inp['x'] = jax.random.normal(ks[0], (N, IN_DIM), dtype=jnp.float32)
    inp['edge_index'] = jax.random.randint(ks[1], (2, E), 0, N, dtype=jnp.int32)
    dims = [(IN_DIM, HID), (HID, HID), (HID, OUT_DIM)]
    for i, (di, do) in enumerate(dims):
        inp['W_l%d' % i] = jax.random.normal(ks[2 + 3 * i], (do, di), dtype=jnp.float32) / np.sqrt(di)
        inp['b_l%d' % i] = jnp.zeros((do,), dtype=jnp.float32)
        inp['W_r%d' % i] = jax.random.normal(ks[3 + 3 * i], (do, di), dtype=jnp.float32) / np.sqrt(di)
        inp['bn_g%d' % i] = jnp.ones((do,), dtype=jnp.float32)
        inp['bn_b%d' % i] = jnp.zeros((do,), dtype=jnp.float32)
    cdims = [(OUT_DIM, OUT_DIM), (OUT_DIM, OUT_DIM // 2), (OUT_DIM // 2, 1)]
    for i, (di, do) in enumerate(cdims):
        inp['W_c%d' % i] = jax.random.normal(ks[12 + 2 * i], (do, di), dtype=jnp.float32) / np.sqrt(di)
        inp['b_c%d' % i] = jnp.zeros((do,), dtype=jnp.float32)
    return inp


def reference(x, edge_index, W_l0, b_l0, W_r0, bn_g0, bn_b0, W_l1, b_l1, W_r1, bn_g1, bn_b1, W_l2, b_l2, W_r2, bn_g2, bn_b2, W_c0, b_c0, W_c1, b_c1, W_c2, b_c2):
    src = edge_index[0]
    dst = edge_index[1]
    convs = [
        (W_l0, b_l0, W_r0, bn_g0, bn_b0),
        (W_l1, b_l1, W_r1, bn_g1, bn_b1),
        (W_l2, b_l2, W_r2, bn_g2, bn_b2),
    ]
    h = x
    for i, (Wl, bl, Wr, g, b) in enumerate(convs):
        h = _sage(h, src, dst, Wl, bl, Wr)
        h = _bn(h, g, b)
        if i < len(convs) - 1:
            h = jax.nn.relu(h)
            # dropout is identity in eval mode
    h = jax.nn.relu(h @ W_c0.T + b_c0)
    h = jax.nn.relu(h @ W_c1.T + b_c1)
    logits = (h @ W_c2.T + b_c2).squeeze(-1)
    return logits

if __name__ == "__main__":
    import jax
    _d = setup_inputs()
    print(jax.jit(kernel)(*tuple(_d.values())))

</pallas_src>

<mosaic_0001>
#map = affine_map<(d0, d1) -> (0, 0, 0)>
#map1 = affine_map<(d0, d1) -> (0, 0)>
module attributes {stable_mosaic.version = 14 : i64} {
  func.func @seg_kernel(%arg0: i32, %arg1: i32, %arg2: memref<32x200x125xi32, #tpu.memory_space<hbm>>, %arg3: memref<32x200x125xi32, #tpu.memory_space<hbm>>, %arg4: memref<3128x16xf32, #tpu.memory_space<hbm>>, %arg5: memref<50000x16xf32, #tpu.memory_space<hbm>>, %arg6: memref<2x50048x16xf32, #tpu.memory_space<hbm>>, %arg7: memref<125x16xf32, #tpu.memory_space<vmem>>, %arg8: memref<125x16xf32, #tpu.memory_space<vmem>>, %arg9: memref<40x125xi32, #tpu.memory_space<vmem>>, %arg10: memref<40x125xi32, #tpu.memory_space<vmem>>, %arg11: memref<!tpu.dma_semaphore, #tpu.memory_space<semaphore_mem>>, %arg12: memref<!tpu.dma_semaphore, #tpu.memory_space<semaphore_mem>>, %arg13: memref<50048x16xf32, #tpu.memory_space<vmem_shared>>) attributes {dimension_semantics = [#tpu.dimension_semantics<core_parallel>, #tpu.dimension_semantics<subcore_parallel>], iteration_bounds = array<i64: 2, 16>, scalar_prefetch = 0 : i64, scratch_operands = 7 : i64, tpu.core_type = #tpu.core_type<sc_vector_subcore>, window_params = [{transform_indices = #map}, {transform_indices = #map}, {transform_indices = #map1}, {transform_indices = #map1}, {transform_indices = #map}]} {
    %mul3A = arith.constant 16 : i32
    %mul3A_0 = arith.muli %arg0, %mul3A : i32
    %add3A = arith.addi %mul3A_0, %arg1 : i32
    %mul3A_1 = arith.constant 3128 : i32
    %mul3A_2 = arith.muli %arg1, %mul3A_1 : i32
    "tpu.region"() ({
      %run_scoped3A = tpu.sem_alloc : memref<!tpu.dma_semaphore, #tpu.memory_space<semaphore_mem>>
      %dma_start3A = arith.constant 0 : i32
      %dma_start3A_9 = tpu.memref_slice %arg13[%mul3A_2, %dma_start3A] : memref<50048x16xf32, #tpu.memory_space<vmem_shared>> -> memref<3128x16xf32, #tpu.memory_space<vmem_shared>>
      tpu.enqueue_dma source(%arg4 : memref<3128x16xf32, #tpu.memory_space<hbm>>) target(%dma_start3A_9 : memref<3128x16xf32, #tpu.memory_space<vmem_shared>>) target_semaphore(%run_scoped3A : memref<!tpu.dma_semaphore, #tpu.memory_space<semaphore_mem>>)
      %dma_wait3A = arith.constant 0 : i32
      %dma_wait3A_10 = tpu.memref_slice %arg13[%mul3A_2, %dma_wait3A] : memref<50048x16xf32, #tpu.memory_space<vmem_shared>> -> memref<3128x16xf32, #tpu.memory_space<vmem_shared>>
      tpu.wait_dma2 semaphore(%run_scoped3A : memref<!tpu.dma_semaphore, #tpu.memory_space<semaphore_mem>>) src(%arg4 : memref<3128x16xf32, #tpu.memory_space<hbm>>) dst(%dma_wait3A_10 : memref<3128x16xf32, #tpu.memory_space<vmem_shared>>)
      tpu.yield
    }) : () -> ()
    %barrier3A = arith.constant 0 : index
    tpu.barrier barrier_id(%barrier3A)
    %scan3A = arith.constant 0 : i32
    %scan3A_3 = arith.constant 0 : i32
    %scan3A_4 = arith.constant 5 : i32
    %scan3A_5 = arith.addi %scan3A_3, %scan3A_4 : i32
    %scan3A_6 = arith.constant 1 : i32
    scf.for %scan3A_9 = %scan3A_3 to %scan3A_5 step %scan3A_6  : i32 {
      %mul3A_10 = arith.constant 40 : i32
      %mul3A_11 = arith.muli %scan3A_9, %mul3A_10 : i32
      "tpu.region"() ({
        %run_scoped3A = tpu.sem_alloc : memref<!tpu.dma_semaphore, #tpu.memory_space<semaphore_mem>>
        %dma_start3A_24 = arith.constant 0 : i32
        %dma_start3A_25 = tpu.memref_slice %arg2[%add3A, %mul3A_11, %dma_start3A_24] : memref<32x200x125xi32, #tpu.memory_space<hbm>> -> memref<1x40x125xi32, #tpu.memory_space<hbm>>
        %dma_start3A_26 = tpu.memref_squeeze %dma_start3A_25 : memref<1x40x125xi32, #tpu.memory_space<hbm>> -> memref<40x125xi32, #tpu.memory_space<hbm>>
        %dma_start3A_27 = arith.constant 0 : i32
        %dma_start3A_28 = tpu.memref_slice %arg2[%add3A, %mul3A_11, %dma_start3A_27] : memref<32x200x125xi32, #tpu.memory_space<hbm>> -> memref<1x40x125xi32, #tpu.memory_space<hbm>>
        %dma_start3A_29 = tpu.memref_squeeze %dma_start3A_28 : memref<1x40x125xi32, #tpu.memory_space<hbm>> -> memref<40x125xi32, #tpu.memory_space<hbm>>
        tpu.enqueue_dma source(%dma_start3A_29 : memref<40x125xi32, #tpu.memory_space<hbm>>) target(%arg9 : memref<40x125xi32, #tpu.memory_space<vmem>>) target_semaphore(%run_scoped3A : memref<!tpu.dma_semaphore, #tpu.memory_space<semaphore_mem>>)
        %dma_wait3A = arith.constant 0 : i32
        %dma_wait3A_30 = tpu.memref_slice %arg2[%add3A, %mul3A_11, %dma_wait3A] : memref<32x200x125xi32, #tpu.memory_space<hbm>> -> memref<1x40x125xi32, #tpu.memory_space<hbm>>
        %dma_wait3A_31 = tpu.memref_squeeze %dma_wait3A_30 : memref<1x40x125xi32, #tpu.memory_space<hbm>> -> memref<40x125xi32, #tpu.memory_space<hbm>>
        %dma_wait3A_32 = arith.constant 0 : i32
        %dma_wait3A_33 = tpu.memref_slice %arg2[%add3A, %mul3A_11, %dma_wait3A_32] : memref<32x200x125xi32, #tpu.memory_space<hbm>> -> memref<1x40x125xi32, #tpu.memory_space<hbm>>
        %dma_wait3A_34 = tpu.memref_squeeze %dma_wait3A_33 : memref<1x40x125xi32, #tpu.memory_space<hbm>> -> memref<40x125xi32, #tpu.memory_space<hbm>>
        tpu.wait_dma2 semaphore(%run_scoped3A : memref<!tpu.dma_semaphore, #tpu.memory_space<semaphore_mem>>) src(%dma_wait3A_34 : memref<40x125xi32, #tpu.memory_space<hbm>>) dst(%arg9 : memref<40x125xi32, #tpu.memory_space<vmem>>)
        tpu.yield
      }) : () -> ()
      "tpu.region"() ({
        %run_scoped3A = tpu.sem_alloc : memref<!tpu.dma_semaphore, #tpu.memory_space<semaphore_mem>>
        %dma_start3A_24 = arith.constant 0 : i32
        %dma_start3A_25 = tpu.memref_slice %arg3[%add3A, %mul3A_11, %dma_start3A_24] : memref<32x200x125xi32, #tpu.memory_space<hbm>> -> memref<1x40x125xi32, #tpu.memory_space<hbm>>
        %dma_start3A_26 = tpu.memref_squeeze %dma_start3A_25 : memref<1x40x125xi32, #tpu.memory_space<hbm>> -> memref<40x125xi32, #tpu.memory_space<hbm>>
        %dma_start3A_27 = arith.constant 0 : i32
        %dma_start3A_28 = tpu.memref_slice %arg3[%add3A, %mul3A_11, %dma_start3A_27] : memref<32x200x125xi32, #tpu.memory_space<hbm>> -> memref<1x40x125xi32, #tpu.memory_space<hbm>>
        %dma_start3A_29 = tpu.memref_squeeze %dma_start3A_28 : memref<1x40x125xi32, #tpu.memory_space<hbm>> -> memref<40x125xi32, #tpu.memory_space<hbm>>
        tpu.enqueue_dma source(%dma_start3A_29 : memref<40x125xi32, #tpu.memory_space<hbm>>) target(%arg10 : memref<40x125xi32, #tpu.memory_space<vmem>>) target_semaphore(%run_scoped3A : memref<!tpu.dma_semaphore, #tpu.memory_space<semaphore_mem>>)
        %dma_wait3A = arith.constant 0 : i32
        %dma_wait3A_30 = tpu.memref_slice %arg3[%add3A, %mul3A_11, %dma_wait3A] : memref<32x200x125xi32, #tpu.memory_space<hbm>> -> memref<1x40x125xi32, #tpu.memory_space<hbm>>
        %dma_wait3A_31 = tpu.memref_squeeze %dma_wait3A_30 : memref<1x40x125xi32, #tpu.memory_space<hbm>> -> memref<40x125xi32, #tpu.memory_space<hbm>>
        %dma_wait3A_32 = arith.constant 0 : i32
        %dma_wait3A_33 = tpu.memref_slice %arg3[%add3A, %mul3A_11, %dma_wait3A_32] : memref<32x200x125xi32, #tpu.memory_space<hbm>> -> memref<1x40x125xi32, #tpu.memory_space<hbm>>
        %dma_wait3A_34 = tpu.memref_squeeze %dma_wait3A_33 : memref<1x40x125xi32, #tpu.memory_space<hbm>> -> memref<40x125xi32, #tpu.memory_space<hbm>>
        tpu.wait_dma2 semaphore(%run_scoped3A : memref<!tpu.dma_semaphore, #tpu.memory_space<semaphore_mem>>) src(%dma_wait3A_34 : memref<40x125xi32, #tpu.memory_space<hbm>>) dst(%arg10 : memref<40x125xi32, #tpu.memory_space<vmem>>)
        tpu.yield
      }) : () -> ()
      %dma_start3A = arith.constant 0 : i32
      %dma_start3A_12 = arith.constant 0 : i32
      %dma_start3A_13 = tpu.memref_slice %arg9[%dma_start3A, %dma_start3A_12] : memref<40x125xi32, #tpu.memory_space<vmem>> -> memref<1x125xi32, #tpu.memory_space<vmem>>
      %dma_start3A_14 = tpu.memref_squeeze %dma_start3A_13 : memref<1x125xi32, #tpu.memory_space<vmem>> -> memref<125xi32, #tpu.memory_space<vmem>>
      %dma_start3A_15 = arith.constant 0 : i32
      %dma_start3A_16 = arith.constant 0 : i32
      %dma_start3A_17 = tpu.memref_slice %arg5[%dma_start3A_15, %dma_start3A_16] : memref<50000x16xf32, #tpu.memory_space<hbm>> -> memref<50000x16xf32, #tpu.memory_space<hbm>>
      tpu.enqueue_indirect_dma source(%dma_start3A_17 : memref<50000x16xf32, #tpu.memory_space<hbm>>) target(%arg7 : memref<125x16xf32, #tpu.memory_space<vmem>>) offsets(%dma_start3A_14 : memref<125xi32, #tpu.memory_space<vmem>>) semaphore(%arg11 : memref<!tpu.dma_semaphore, #tpu.memory_space<semaphore_mem>>)
      %scan3A_18 = arith.constant 0 : i32
      %scan3A_19 = arith.constant 0 : i32
      %scan3A_20 = arith.constant 20 : i32
      %scan3A_21 = arith.addi %scan3A_19, %scan3A_20 : i32
      %scan3A_22 = arith.constant 1 : i32
      scf.for %scan3A_24 = %scan3A_19 to %scan3A_21 step %scan3A_22  : i32 {
        %mul3A_25 = arith.constant 2 : i32
        %mul3A_26 = arith.muli %mul3A_25, %scan3A_24 : i32
        %add3A_27 = arith.constant 1 : i32
        %add3A_28 = arith.addi %mul3A_26, %add3A_27 : i32
        %dma_start3A_29 = arith.constant 0 : i32
        %dma_start3A_30 = tpu.memref_slice %arg9[%add3A_28, %dma_start3A_29] : memref<40x125xi32, #tpu.memory_space<vmem>> -> memref<1x125xi32, #tpu.memory_space<vmem>>
        %dma_start3A_31 = tpu.memref_squeeze %dma_start3A_30 : memref<1x125xi32, #tpu.memory_space<vmem>> -> memref<125xi32, #tpu.memory_space<vmem>>
        %dma_start3A_32 = arith.constant 0 : i32
        %dma_start3A_33 = arith.constant 0 : i32
        %dma_start3A_34 = tpu.memref_slice %arg5[%dma_start3A_32, %dma_start3A_33] : memref<50000x16xf32, #tpu.memory_space<hbm>> -> memref<50000x16xf32, #tpu.memory_space<hbm>>
        tpu.enqueue_indirect_dma source(%dma_start3A_34 : memref<50000x16xf32, #tpu.memory_space<hbm>>) target(%arg8 : memref<125x16xf32, #tpu.memory_space<vmem>>) offsets(%dma_start3A_31 : memref<125xi32, #tpu.memory_space<vmem>>) semaphore(%arg12 : memref<!tpu.dma_semaphore, #tpu.memory_space<semaphore_mem>>)
        %dma_wait3A = arith.constant 0 : i32
        %dma_wait3A_35 = tpu.memref_slice %arg9[%mul3A_26, %dma_wait3A] : memref<40x125xi32, #tpu.memory_space<vmem>> -> memref<1x125xi32, #tpu.memory_space<vmem>>
        %dma_wait3A_36 = tpu.memref_squeeze %dma_wait3A_35 : memref<1x125xi32, #tpu.memory_space<vmem>> -> memref<125xi32, #tpu.memory_space<vmem>>
        %dma_wait3A_37 = arith.constant 0 : i32
        %dma_wait3A_38 = arith.constant 0 : i32
        %dma_wait3A_39 = tpu.memref_slice %arg5[%dma_wait3A_37, %dma_wait3A_38] : memref<50000x16xf32, #tpu.memory_space<hbm>> -> memref<50000x16xf32, #tpu.memory_space<hbm>>
        tpu.wait_indirect_dma semaphore(%arg11 : memref<!tpu.dma_semaphore, #tpu.memory_space<semaphore_mem>>) src(%dma_wait3A_39 : memref<50000x16xf32, #tpu.memory_space<hbm>>) dst(%arg7 : memref<125x16xf32, #tpu.memory_space<vmem>>)
        "tpu.region"() ({
          %run_scoped3A = tpu.sem_alloc : memref<!tpu.dma_semaphore, #tpu.memory_space<semaphore_mem>>
          %dma_start3A_50 = arith.constant 0 : i32
          %dma_start3A_51 = tpu.memref_slice %arg10[%mul3A_26, %dma_start3A_50] : memref<40x125xi32, #tpu.memory_space<vmem>> -> memref<1x125xi32, #tpu.memory_space<vmem>>
          %dma_start3A_52 = tpu.memref_squeeze %dma_start3A_51 : memref<1x125xi32, #tpu.memory_space<vmem>> -> memref<125xi32, #tpu.memory_space<vmem>>
          %dma_start3A_53 = arith.constant 0 : i32
          %dma_start3A_54 = arith.constant 0 : i32
          %dma_start3A_55 = tpu.memref_slice %arg13[%dma_start3A_53, %dma_start3A_54] : memref<50048x16xf32, #tpu.memory_space<vmem_shared>> -> memref<50048x16xf32, #tpu.memory_space<vmem_shared>>
          tpu.enqueue_indirect_dma source(%arg7 : memref<125x16xf32, #tpu.memory_space<vmem>>) target(%dma_start3A_55 : memref<50048x16xf32, #tpu.memory_space<vmem_shared>>) offsets(%dma_start3A_52 : memref<125xi32, #tpu.memory_space<vmem>>) semaphore(%run_scoped3A : memref<!tpu.dma_semaphore, #tpu.memory_space<semaphore_mem>>) {add = true}
          %dma_wait3A_56 = arith.constant 0 : i32
          %dma_wait3A_57 = tpu.memref_slice %arg10[%mul3A_26, %dma_wait3A_56] : memref<40x125xi32, #tpu.memory_space<vmem>> -> memref<1x125xi32, #tpu.memory_space<vmem>>
          %dma_wait3A_58 = tpu.memref_squeeze %dma_wait3A_57 : memref<1x125xi32, #tpu.memory_space<vmem>> -> memref<125xi32, #tpu.memory_space<vmem>>
          %dma_wait3A_59 = arith.constant 0 : i32
          %dma_wait3A_60 = arith.constant 0 : i32
          %dma_wait3A_61 = tpu.memref_slice %arg13[%dma_wait3A_59, %dma_wait3A_60] : memref<50048x16xf32, #tpu.memory_space<vmem_shared>> -> memref<50048x16xf32, #tpu.memory_space<vmem_shared>>
          tpu.wait_indirect_dma semaphore(%run_scoped3A : memref<!tpu.dma_semaphore, #tpu.memory_space<semaphore_mem>>) src(%arg7 : memref<125x16xf32, #tpu.memory_space<vmem>>) dst(%dma_wait3A_61 : memref<50048x16xf32, #tpu.memory_space<vmem_shared>>)
          tpu.yield
        }) : () -> ()
        %add3A_40 = arith.constant 2 : i32
        %add3A_41 = arith.addi %mul3A_26, %add3A_40 : i32
        %lt3A = arith.constant 40 : i32
        %lt3A_42 = arith.cmpi slt, %add3A_41, %lt3A : i32
        %convert_element_type3A = arith.extui %lt3A_42 : i1 to i32
        %cond3A = arith.constant 0 : i32
        %cond3A_43 = arith.cmpi ne, %convert_element_type3A, %cond3A : i32
        scf.if %cond3A_43 {
          %add3A_50 = arith.constant 2 : i32
          %add3A_51 = arith.addi %mul3A_26, %add3A_50 : i32
          %dma_start3A_52 = arith.constant 0 : i32
          %dma_start3A_53 = tpu.memref_slice %arg9[%add3A_51, %dma_start3A_52] : memref<40x125xi32, #tpu.memory_space<vmem>> -> memref<1x125xi32, #tpu.memory_space<vmem>>
          %dma_start3A_54 = tpu.memref_squeeze %dma_start3A_53 : memref<1x125xi32, #tpu.memory_space<vmem>> -> memref<125xi32, #tpu.memory_space<vmem>>
          %dma_start3A_55 = arith.constant 0 : i32
          %dma_start3A_56 = arith.constant 0 : i32
          %dma_start3A_57 = tpu.memref_slice %arg5[%dma_start3A_55, %dma_start3A_56] : memref<50000x16xf32, #tpu.memory_space<hbm>> -> memref<50000x16xf32, #tpu.memory_space<hbm>>
          tpu.enqueue_indirect_dma source(%dma_start3A_57 : memref<50000x16xf32, #tpu.memory_space<hbm>>) target(%arg7 : memref<125x16xf32, #tpu.memory_space<vmem>>) offsets(%dma_start3A_54 : memref<125xi32, #tpu.memory_space<vmem>>) semaphore(%arg11 : memref<!tpu.dma_semaphore, #tpu.memory_space<semaphore_mem>>)
        } else {
        }
        %dma_wait3A_44 = arith.constant 0 : i32
        %dma_wait3A_45 = tpu.memref_slice %arg9[%add3A_28, %dma_wait3A_44] : memref<40x125xi32, #tpu.memory_space<vmem>> -> memref<1x125xi32, #tpu.memory_space<vmem>>
        %dma_wait3A_46 = tpu.memref_squeeze %dma_wait3A_45 : memref<1x125xi32, #tpu.memory_space<vmem>> -> memref<125xi32, #tpu.memory_space<vmem>>
        %dma_wait3A_47 = arith.constant 0 : i32
        %dma_wait3A_48 = arith.constant 0 : i32
        %dma_wait3A_49 = tpu.memref_slice %arg5[%dma_wait3A_47, %dma_wait3A_48] : memref<50000x16xf32, #tpu.memory_space<hbm>> -> memref<50000x16xf32, #tpu.memory_space<hbm>>
        tpu.wait_indirect_dma semaphore(%arg12 : memref<!tpu.dma_semaphore, #tpu.memory_space<semaphore_mem>>) src(%dma_wait3A_49 : memref<50000x16xf32, #tpu.memory_space<hbm>>) dst(%arg8 : memref<125x16xf32, #tpu.memory_space<vmem>>)
        "tpu.region"() ({
          %run_scoped3A = tpu.sem_alloc : memref<!tpu.dma_semaphore, #tpu.memory_space<semaphore_mem>>
          %dma_start3A_50 = arith.constant 0 : i32
          %dma_start3A_51 = tpu.memref_slice %arg10[%add3A_28, %dma_start3A_50] : memref<40x125xi32, #tpu.memory_space<vmem>> -> memref<1x125xi32, #tpu.memory_space<vmem>>
          %dma_start3A_52 = tpu.memref_squeeze %dma_start3A_51 : memref<1x125xi32, #tpu.memory_space<vmem>> -> memref<125xi32, #tpu.memory_space<vmem>>
          %dma_start3A_53 = arith.constant 0 : i32
          %dma_start3A_54 = arith.constant 0 : i32
          %dma_start3A_55 = tpu.memref_slice %arg13[%dma_start3A_53, %dma_start3A_54] : memref<50048x16xf32, #tpu.memory_space<vmem_shared>> -> memref<50048x16xf32, #tpu.memory_space<vmem_shared>>
          tpu.enqueue_indirect_dma source(%arg8 : memref<125x16xf32, #tpu.memory_space<vmem>>) target(%dma_start3A_55 : memref<50048x16xf32, #tpu.memory_space<vmem_shared>>) offsets(%dma_start3A_52 : memref<125xi32, #tpu.memory_space<vmem>>) semaphore(%run_scoped3A : memref<!tpu.dma_semaphore, #tpu.memory_space<semaphore_mem>>) {add = true}
          %dma_wait3A_56 = arith.constant 0 : i32
          %dma_wait3A_57 = tpu.memref_slice %arg10[%add3A_28, %dma_wait3A_56] : memref<40x125xi32, #tpu.memory_space<vmem>> -> memref<1x125xi32, #tpu.memory_space<vmem>>
          %dma_wait3A_58 = tpu.memref_squeeze %dma_wait3A_57 : memref<1x125xi32, #tpu.memory_space<vmem>> -> memref<125xi32, #tpu.memory_space<vmem>>
          %dma_wait3A_59 = arith.constant 0 : i32
          %dma_wait3A_60 = arith.constant 0 : i32
          %dma_wait3A_61 = tpu.memref_slice %arg13[%dma_wait3A_59, %dma_wait3A_60] : memref<50048x16xf32, #tpu.memory_space<vmem_shared>> -> memref<50048x16xf32, #tpu.memory_space<vmem_shared>>
          tpu.wait_indirect_dma semaphore(%run_scoped3A : memref<!tpu.dma_semaphore, #tpu.memory_space<semaphore_mem>>) src(%arg8 : memref<125x16xf32, #tpu.memory_space<vmem>>) dst(%dma_wait3A_61 : memref<50048x16xf32, #tpu.memory_space<vmem_shared>>)
          tpu.yield
        }) : () -> ()
      }
      %scan3A_23 = arith.constant 20 : i32
    }
    %scan3A_7 = arith.constant 5 : i32
    %barrier3A_8 = arith.constant 0 : index
    tpu.barrier barrier_id(%barrier3A_8)
    "tpu.region"() ({
      %run_scoped3A = tpu.sem_alloc : memref<!tpu.dma_semaphore, #tpu.memory_space<semaphore_mem>>
      %dma_start3A = arith.constant 0 : i32
      %dma_start3A_9 = tpu.memref_slice %arg6[%arg0, %mul3A_2, %dma_start3A] : memref<2x50048x16xf32, #tpu.memory_space<hbm>> -> memref<1x3128x16xf32, #tpu.memory_space<hbm>>
      %dma_start3A_10 = tpu.memref_squeeze %dma_start3A_9 : memref<1x3128x16xf32, #tpu.memory_space<hbm>> -> memref<3128x16xf32, #tpu.memory_space<hbm>>
      %dma_start3A_11 = arith.constant 0 : i32
      %dma_start3A_12 = tpu.memref_slice %arg13[%mul3A_2, %dma_start3A_11] : memref<50048x16xf32, #tpu.memory_space<vmem_shared>> -> memref<3128x16xf32, #tpu.memory_space<vmem_shared>>
      tpu.enqueue_dma source(%dma_start3A_12 : memref<3128x16xf32, #tpu.memory_space<vmem_shared>>) target(%dma_start3A_10 : memref<3128x16xf32, #tpu.memory_space<hbm>>) target_semaphore(%run_scoped3A : memref<!tpu.dma_semaphore, #tpu.memory_space<semaphore_mem>>)
      %dma_wait3A = arith.constant 0 : i32
      %dma_wait3A_13 = tpu.memref_slice %arg6[%arg0, %mul3A_2, %dma_wait3A] : memref<2x50048x16xf32, #tpu.memory_space<hbm>> -> memref<1x3128x16xf32, #tpu.memory_space<hbm>>
      %dma_wait3A_14 = tpu.memref_squeeze %dma_wait3A_13 : memref<1x3128x16xf32, #tpu.memory_space<hbm>> -> memref<3128x16xf32, #tpu.memory_space<hbm>>
      %dma_wait3A_15 = arith.constant 0 : i32
      %dma_wait3A_16 = tpu.memref_slice %arg13[%mul3A_2, %dma_wait3A_15] : memref<50048x16xf32, #tpu.memory_space<vmem_shared>> -> memref<3128x16xf32, #tpu.memory_space<vmem_shared>>
      tpu.wait_dma2 semaphore(%run_scoped3A : memref<!tpu.dma_semaphore, #tpu.memory_space<semaphore_mem>>) src(%dma_wait3A_16 : memref<3128x16xf32, #tpu.memory_space<vmem_shared>>) dst(%dma_wait3A_14 : memref<3128x16xf32, #tpu.memory_space<hbm>>)
      tpu.yield
    }) : () -> ()
    return
  }
}

#map = affine_map<(d0, d1) -> (0, 0, 0)>
#map1 = affine_map<(d0, d1) -> (0, 0)>
module attributes {stable_mosaic.version = 14 : i64} {
  func.func @seg_kernel(%arg0: i32, %arg1: i32, %arg2: memref<32x200x125xi32, #tpu.memory_space<hbm>>, %arg3: memref<32x200x125xi32, #tpu.memory_space<hbm>>, %arg4: memref<3128x32xf32, #tpu.memory_space<hbm>>, %arg5: memref<50000x32xf32, #tpu.memory_space<hbm>>, %arg6: memref<50000x32xf32, #tpu.memory_space<hbm>>, %arg7: memref<2x50048x32xf32, #tpu.memory_space<hbm>>, %arg8: memref<2x50048x32xf32, #tpu.memory_space<hbm>>, %arg9: memref<125x32xf32, #tpu.memory_space<vmem>>, %arg10: memref<125x32xf32, #tpu.memory_space<vmem>>, %arg11: memref<40x125xi32, #tpu.memory_space<vmem>>, %arg12: memref<40x125xi32, #tpu.memory_space<vmem>>, %arg13: memref<!tpu.dma_semaphore, #tpu.memory_space<semaphore_mem>>, %arg14: memref<!tpu.dma_semaphore, #tpu.memory_space<semaphore_mem>>, %arg15: memref<50048x32xf32, #tpu.memory_space<vmem_shared>>) attributes {dimension_semantics = [#tpu.dimension_semantics<core_parallel>, #tpu.dimension_semantics<subcore_parallel>], iteration_bounds = array<i64: 2, 16>, scalar_prefetch = 0 : i64, scratch_operands = 7 : i64, tpu.core_type = #tpu.core_type<sc_vector_subcore>, window_params = [{transform_indices = #map}, {transform_indices = #map}, {transform_indices = #map1}, {transform_indices = #map1}, {transform_indices = #map1}, {transform_indices = #map}, {transform_indices = #map}]} {
    %mul3A = arith.constant 16 : i32
    %mul3A_0 = arith.muli %arg0, %mul3A : i32
    %add3A = arith.addi %mul3A_0, %arg1 : i32
    %mul3A_1 = arith.constant 3128 : i32
    %mul3A_2 = arith.muli %arg1, %mul3A_1 : i32
    "tpu.region"() ({
      %run_scoped3A = tpu.sem_alloc : memref<!tpu.dma_semaphore, #tpu.memory_space<semaphore_mem>>
      %dma_start3A = arith.constant 0 : i32
      %dma_start3A_17 = tpu.memref_slice %arg15[%mul3A_2, %dma_start3A] : memref<50048x32xf32, #tpu.memory_space<vmem_shared>> -> memref<3128x32xf32, #tpu.memory_space<vmem_shared>>
      tpu.enqueue_dma source(%arg4 : memref<3128x32xf32, #tpu.memory_space<hbm>>) target(%dma_start3A_17 : memref<3128x32xf32, #tpu.memory_space<vmem_shared>>) target_semaphore(%run_scoped3A : memref<!tpu.dma_semaphore, #tpu.memory_space<semaphore_mem>>)
      %dma_wait3A = arith.constant 0 : i32
      %dma_wait3A_18 = tpu.memref_slice %arg15[%mul3A_2, %dma_wait3A] : memref<50048x32xf32, #tpu.memory_space<vmem_shared>> -> memref<3128x32xf32, #tpu.memory_space<vmem_shared>>
      tpu.wait_dma2 semaphore(%run_scoped3A : memref<!tpu.dma_semaphore, #tpu.memory_space<semaphore_mem>>) src(%arg4 : memref<3128x32xf32, #tpu.memory_space<hbm>>) dst(%dma_wait3A_18 : memref<3128x32xf32, #tpu.memory_space<vmem_shared>>)
      tpu.yield
    }) : () -> ()
    %barrier3A = arith.constant 0 : index
    tpu.barrier barrier_id(%barrier3A)
    %scan3A = arith.constant 0 : i32
    %scan3A_3 = arith.constant 0 : i32
    %scan3A_4 = arith.constant 5 : i32
    %scan3A_5 = arith.addi %scan3A_3, %scan3A_4 : i32
    %scan3A_6 = arith.constant 1 : i32
    scf.for %scan3A_17 = %scan3A_3 to %scan3A_5 step %scan3A_6  : i32 {
      %mul3A_18 = arith.constant 40 : i32
      %mul3A_19 = arith.muli %scan3A_17, %mul3A_18 : i32
      "tpu.region"() ({
        %run_scoped3A = tpu.sem_alloc : memref<!tpu.dma_semaphore, #tpu.memory_space<semaphore_mem>>
        %dma_start3A_32 = arith.constant 0 : i32
        %dma_start3A_33 = tpu.memref_slice %arg2[%add3A, %mul3A_19, %dma_start3A_32] : memref<32x200x125xi32, #tpu.memory_space<hbm>> -> memref<1x40x125xi32, #tpu.memory_space<hbm>>
        %dma_start3A_34 = tpu.memref_squeeze %dma_start3A_33 : memref<1x40x125xi32, #tpu.memory_space<hbm>> -> memref<40x125xi32, #tpu.memory_space<hbm>>
        %dma_start3A_35 = arith.constant 0 : i32
        %dma_start3A_36 = tpu.memref_slice %arg2[%add3A, %mul3A_19, %dma_start3A_35] : memref<32x200x125xi32, #tpu.memory_space<hbm>> -> memref<1x40x125xi32, #tpu.memory_space<hbm>>
        %dma_start3A_37 = tpu.memref_squeeze %dma_start3A_36 : memref<1x40x125xi32, #tpu.memory_space<hbm>> -> memref<40x125xi32, #tpu.memory_space<hbm>>
        tpu.enqueue_dma source(%dma_start3A_37 : memref<40x125xi32, #tpu.memory_space<hbm>>) target(%arg11 : memref<40x125xi32, #tpu.memory_space<vmem>>) target_semaphore(%run_scoped3A : memref<!tpu.dma_semaphore, #tpu.memory_space<semaphore_mem>>)
        %dma_wait3A = arith.constant 0 : i32
        %dma_wait3A_38 = tpu.memref_slice %arg2[%add3A, %mul3A_19, %dma_wait3A] : memref<32x200x125xi32, #tpu.memory_space<hbm>> -> memref<1x40x125xi32, #tpu.memory_space<hbm>>
        %dma_wait3A_39 = tpu.memref_squeeze %dma_wait3A_38 : memref<1x40x125xi32, #tpu.memory_space<hbm>> -> memref<40x125xi32, #tpu.memory_space<hbm>>
        %dma_wait3A_40 = arith.constant 0 : i32
        %dma_wait3A_41 = tpu.memref_slice %arg2[%add3A, %mul3A_19, %dma_wait3A_40] : memref<32x200x125xi32, #tpu.memory_space<hbm>> -> memref<1x40x125xi32, #tpu.memory_space<hbm>>
        %dma_wait3A_42 = tpu.memref_squeeze %dma_wait3A_41 : memref<1x40x125xi32, #tpu.memory_space<hbm>> -> memref<40x125xi32, #tpu.memory_space<hbm>>
        tpu.wait_dma2 semaphore(%run_scoped3A : memref<!tpu.dma_semaphore, #tpu.memory_space<semaphore_mem>>) src(%dma_wait3A_42 : memref<40x125xi32, #tpu.memory_space<hbm>>) dst(%arg11 : memref<40x125xi32, #tpu.memory_space<vmem>>)
        tpu.yield
      }) : () -> ()
      "tpu.region"() ({
        %run_scoped3A = tpu.sem_alloc : memref<!tpu.dma_semaphore, #tpu.memory_space<semaphore_mem>>
        %dma_start3A_32 = arith.constant 0 : i32
        %dma_start3A_33 = tpu.memref_slice %arg3[%add3A, %mul3A_19, %dma_start3A_32] : memref<32x200x125xi32, #tpu.memory_space<hbm>> -> memref<1x40x125xi32, #tpu.memory_space<hbm>>
        %dma_start3A_34 = tpu.memref_squeeze %dma_start3A_33 : memref<1x40x125xi32, #tpu.memory_space<hbm>> -> memref<40x125xi32, #tpu.memory_space<hbm>>
        %dma_start3A_35 = arith.constant 0 : i32
        %dma_start3A_36 = tpu.memref_slice %arg3[%add3A, %mul3A_19, %dma_start3A_35] : memref<32x200x125xi32, #tpu.memory_space<hbm>> -> memref<1x40x125xi32, #tpu.memory_space<hbm>>
        %dma_start3A_37 = tpu.memref_squeeze %dma_start3A_36 : memref<1x40x125xi32, #tpu.memory_space<hbm>> -> memref<40x125xi32, #tpu.memory_space<hbm>>
        tpu.enqueue_dma source(%dma_start3A_37 : memref<40x125xi32, #tpu.memory_space<hbm>>) target(%arg12 : memref<40x125xi32, #tpu.memory_space<vmem>>) target_semaphore(%run_scoped3A : memref<!tpu.dma_semaphore, #tpu.memory_space<semaphore_mem>>)
        %dma_wait3A = arith.constant 0 : i32
        %dma_wait3A_38 = tpu.memref_slice %arg3[%add3A, %mul3A_19, %dma_wait3A] : memref<32x200x125xi32, #tpu.memory_space<hbm>> -> memref<1x40x125xi32, #tpu.memory_space<hbm>>
        %dma_wait3A_39 = tpu.memref_squeeze %dma_wait3A_38 : memref<1x40x125xi32, #tpu.memory_space<hbm>> -> memref<40x125xi32, #tpu.memory_space<hbm>>
        %dma_wait3A_40 = arith.constant 0 : i32
        %dma_wait3A_41 = tpu.memref_slice %arg3[%add3A, %mul3A_19, %dma_wait3A_40] : memref<32x200x125xi32, #tpu.memory_space<hbm>> -> memref<1x40x125xi32, #tpu.memory_space<hbm>>
        %dma_wait3A_42 = tpu.memref_squeeze %dma_wait3A_41 : memref<1x40x125xi32, #tpu.memory_space<hbm>> -> memref<40x125xi32, #tpu.memory_space<hbm>>
        tpu.wait_dma2 semaphore(%run_scoped3A : memref<!tpu.dma_semaphore, #tpu.memory_space<semaphore_mem>>) src(%dma_wait3A_42 : memref<40x125xi32, #tpu.memory_space<hbm>>) dst(%arg12 : memref<40x125xi32, #tpu.memory_space<vmem>>)
        tpu.yield
      }) : () -> ()
      %dma_start3A = arith.constant 0 : i32
      %dma_start3A_20 = arith.constant 0 : i32
      %dma_start3A_21 = tpu.memref_slice %arg11[%dma_start3A, %dma_start3A_20] : memref<40x125xi32, #tpu.memory_space<vmem>> -> memref<1x125xi32, #tpu.memory_space<vmem>>
      %dma_start3A_22 = tpu.memref_squeeze %dma_start3A_21 : memref<1x125xi32, #tpu.memory_space<vmem>> -> memref<125xi32, #tpu.memory_space<vmem>>
      %dma_start3A_23 = arith.constant 0 : i32
      %dma_start3A_24 = arith.constant 0 : i32
      %dma_start3A_25 = tpu.memref_slice %arg5[%dma_start3A_23, %dma_start3A_24] : memref<50000x32xf32, #tpu.memory_space<hbm>> -> memref<50000x32xf32, #tpu.memory_space<hbm>>
      tpu.enqueue_indirect_dma source(%dma_start3A_25 : memref<50000x32xf32, #tpu.memory_space<hbm>>) target(%arg9 : memref<125x32xf32, #tpu.memory_space<vmem>>) offsets(%dma_start3A_22 : memref<125xi32, #tpu.memory_space<vmem>>) semaphore(%arg13 : memref<!tpu.dma_semaphore, #tpu.memory_space<semaphore_mem>>)
      %scan3A_26 = arith.constant 0 : i32
      %scan3A_27 = arith.constant 0 : i32
      %scan3A_28 = arith.constant 20 : i32
      %scan3A_29 = arith.addi %scan3A_27, %scan3A_28 : i32
      %scan3A_30 = arith.constant 1 : i32
      scf.for %scan3A_32 = %scan3A_27 to %scan3A_29 step %scan3A_30  : i32 {
        %mul3A_33 = arith.constant 2 : i32
        %mul3A_34 = arith.muli %mul3A_33, %scan3A_32 : i32
        %add3A_35 = arith.constant 1 : i32
        %add3A_36 = arith.addi %mul3A_34, %add3A_35 : i32
        %dma_start3A_37 = arith.constant 0 : i32
        %dma_start3A_38 = tpu.memref_slice %arg11[%add3A_36, %dma_start3A_37] : memref<40x125xi32, #tpu.memory_space<vmem>> -> memref<1x125xi32, #tpu.memory_space<vmem>>
        %dma_start3A_39 = tpu.memref_squeeze %dma_start3A_38 : memref<1x125xi32, #tpu.memory_space<vmem>> -> memref<125xi32, #tpu.memory_space<vmem>>
        %dma_start3A_40 = arith.constant 0 : i32
        %dma_start3A_41 = arith.constant 0 : i32
        %dma_start3A_42 = tpu.memref_slice %arg5[%dma_start3A_40, %dma_start3A_41] : memref<50000x32xf32, #tpu.memory_space<hbm>> -> memref<50000x32xf32, #tpu.memory_space<hbm>>
        tpu.enqueue_indirect_dma source(%dma_start3A_42 : memref<50000x32xf32, #tpu.memory_space<hbm>>) target(%arg10 : memref<125x32xf32, #tpu.memory_space<vmem>>) offsets(%dma_start3A_39 : memref<125xi32, #tpu.memory_space<vmem>>) semaphore(%arg14 : memref<!tpu.dma_semaphore, #tpu.memory_space<semaphore_mem>>)
        %dma_wait3A = arith.constant 0 : i32
        %dma_wait3A_43 = tpu.memref_slice %arg11[%mul3A_34, %dma_wait3A] : memref<40x125xi32, #tpu.memory_space<vmem>> -> memref<1x125xi32, #tpu.memory_space<vmem>>
        %dma_wait3A_44 = tpu.memref_squeeze %dma_wait3A_43 : memref<1x125xi32, #tpu.memory_space<vmem>> -> memref<125xi32, #tpu.memory_space<vmem>>
        %dma_wait3A_45 = arith.constant 0 : i32
        %dma_wait3A_46 = arith.constant 0 : i32
        %dma_wait3A_47 = tpu.memref_slice %arg5[%dma_wait3A_45, %dma_wait3A_46] : memref<50000x32xf32, #tpu.memory_space<hbm>> -> memref<50000x32xf32, #tpu.memory_space<hbm>>
        tpu.wait_indirect_dma semaphore(%arg13 : memref<!tpu.dma_semaphore, #tpu.memory_space<semaphore_mem>>) src(%dma_wait3A_47 : memref<50000x32xf32, #tpu.memory_space<hbm>>) dst(%arg9 : memref<125x32xf32, #tpu.memory_space<vmem>>)
        "tpu.region"() ({
          %run_scoped3A = tpu.sem_alloc : memref<!tpu.dma_semaphore, #tpu.memory_space<semaphore_mem>>
          %dma_start3A_58 = arith.constant 0 : i32
          %dma_start3A_59 = tpu.memref_slice %arg12[%mul3A_34, %dma_start3A_58] : memref<40x125xi32, #tpu.memory_space<vmem>> -> memref<1x125xi32, #tpu.memory_space<vmem>>
          %dma_start3A_60 = tpu.memref_squeeze %dma_start3A_59 : memref<1x125xi32, #tpu.memory_space<vmem>> -> memref<125xi32, #tpu.memory_space<vmem>>
          %dma_start3A_61 = arith.constant 0 : i32
          %dma_start3A_62 = arith.constant 0 : i32
          %dma_start3A_63 = tpu.memref_slice %arg15[%dma_start3A_61, %dma_start3A_62] : memref<50048x32xf32, #tpu.memory_space<vmem_shared>> -> memref<50048x32xf32, #tpu.memory_space<vmem_shared>>
          tpu.enqueue_indirect_dma source(%arg9 : memref<125x32xf32, #tpu.memory_space<vmem>>) target(%dma_start3A_63 : memref<50048x32xf32, #tpu.memory_space<vmem_shared>>) offsets(%dma_start3A_60 : memref<125xi32, #tpu.memory_space<vmem>>) semaphore(%run_scoped3A : memref<!tpu.dma_semaphore, #tpu.memory_space<semaphore_mem>>) {add = true}
          %dma_wait3A_64 = arith.constant 0 : i32
          %dma_wait3A_65 = tpu.memref_slice %arg12[%mul3A_34, %dma_wait3A_64] : memref<40x125xi32, #tpu.memory_space<vmem>> -> memref<1x125xi32, #tpu.memory_space<vmem>>
          %dma_wait3A_66 = tpu.memref_squeeze %dma_wait3A_65 : memref<1x125xi32, #tpu.memory_space<vmem>> -> memref<125xi32, #tpu.memory_space<vmem>>
          %dma_wait3A_67 = arith.constant 0 : i32
          %dma_wait3A_68 = arith.constant 0 : i32
          %dma_wait3A_69 = tpu.memref_slice %arg15[%dma_wait3A_67, %dma_wait3A_68] : memref<50048x32xf32, #tpu.memory_space<vmem_shared>> -> memref<50048x32xf32, #tpu.memory_space<vmem_shared>>
          tpu.wait_indirect_dma semaphore(%run_scoped3A : memref<!tpu.dma_semaphore, #tpu.memory_space<semaphore_mem>>) src(%arg9 : memref<125x32xf32, #tpu.memory_space<vmem>>) dst(%dma_wait3A_69 : memref<50048x32xf32, #tpu.memory_space<vmem_shared>>)
          tpu.yield
        }) : () -> ()
        %add3A_48 = arith.constant 2 : i32
        %add3A_49 = arith.addi %mul3A_34, %add3A_48 : i32
        %lt3A = arith.constant 40 : i32
        %lt3A_50 = arith.cmpi slt, %add3A_49, %lt3A : i32
        %convert_element_type3A = arith.extui %lt3A_50 : i1 to i32
        %cond3A = arith.constant 0 : i32
        %cond3A_51 = arith.cmpi ne, %convert_element_type3A, %cond3A : i32
        scf.if %cond3A_51 {
          %add3A_58 = arith.constant 2 : i32
          %add3A_59 = arith.addi %mul3A_34, %add3A_58 : i32
          %dma_start3A_60 = arith.constant 0 : i32
          %dma_start3A_61 = tpu.memref_slice %arg11[%add3A_59, %dma_start3A_60] : memref<40x125xi32, #tpu.memory_space<vmem>> -> memref<1x125xi32, #tpu.memory_space<vmem>>
          %dma_start3A_62 = tpu.memref_squeeze %dma_start3A_61 : memref<1x125xi32, #tpu.memory_space<vmem>> -> memref<125xi32, #tpu.memory_space<vmem>>
          %dma_start3A_63 = arith.constant 0 : i32
          %dma_start3A_64 = arith.constant 0 : i32
          %dma_start3A_65 = tpu.memref_slice %arg5[%dma_start3A_63, %dma_start3A_64] : memref<50000x32xf32, #tpu.memory_space<hbm>> -> memref<50000x32xf32, #tpu.memory_space<hbm>>
          tpu.enqueue_indirect_dma source(%dma_start3A_65 : memref<50000x32xf32, #tpu.memory_space<hbm>>) target(%arg9 : memref<125x32xf32, #tpu.memory_space<vmem>>) offsets(%dma_start3A_62 : memref<125xi32, #tpu.memory_space<vmem>>) semaphore(%arg13 : memref<!tpu.dma_semaphore, #tpu.memory_space<semaphore_mem>>)
        } else {
        }
        %dma_wait3A_52 = arith.constant 0 : i32
        %dma_wait3A_53 = tpu.memref_slice %arg11[%add3A_36, %dma_wait3A_52] : memref<40x125xi32, #tpu.memory_space<vmem>> -> memref<1x125xi32, #tpu.memory_space<vmem>>
        %dma_wait3A_54 = tpu.memref_squeeze %dma_wait3A_53 : memref<1x125xi32, #tpu.memory_space<vmem>> -> memref<125xi32, #tpu.memory_space<vmem>>
        %dma_wait3A_55 = arith.constant 0 : i32
        %dma_wait3A_56 = arith.constant 0 : i32
        %dma_wait3A_57 = tpu.memref_slice %arg5[%dma_wait3A_55, %dma_wait3A_56] : memref<50000x32xf32, #tpu.memory_space<hbm>> -> memref<50000x32xf32, #tpu.memory_space<hbm>>
        tpu.wait_indirect_dma semaphore(%arg14 : memref<!tpu.dma_semaphore, #tpu.memory_space<semaphore_mem>>) src(%dma_wait3A_57 : memref<50000x32xf32, #tpu.memory_space<hbm>>) dst(%arg10 : memref<125x32xf32, #tpu.memory_space<vmem>>)
        "tpu.region"() ({
          %run_scoped3A = tpu.sem_alloc : memref<!tpu.dma_semaphore, #tpu.memory_space<semaphore_mem>>
          %dma_start3A_58 = arith.constant 0 : i32
          %dma_start3A_59 = tpu.memref_slice %arg12[%add3A_36, %dma_start3A_58] : memref<40x125xi32, #tpu.memory_space<vmem>> -> memref<1x125xi32, #tpu.memory_space<vmem>>
          %dma_start3A_60 = tpu.memref_squeeze %dma_start3A_59 : memref<1x125xi32, #tpu.memory_space<vmem>> -> memref<125xi32, #tpu.memory_space<vmem>>
          %dma_start3A_61 = arith.constant 0 : i32
          %dma_start3A_62 = arith.constant 0 : i32
          %dma_start3A_63 = tpu.memref_slice %arg15[%dma_start3A_61, %dma_start3A_62] : memref<50048x32xf32, #tpu.memory_space<vmem_shared>> -> memref<50048x32xf32, #tpu.memory_space<vmem_shared>>
          tpu.enqueue_indirect_dma source(%arg10 : memref<125x32xf32, #tpu.memory_space<vmem>>) target(%dma_start3A_63 : memref<50048x32xf32, #tpu.memory_space<vmem_shared>>) offsets(%dma_start3A_60 : memref<125xi32, #tpu.memory_space<vmem>>) semaphore(%run_scoped3A : memref<!tpu.dma_semaphore, #tpu.memory_space<semaphore_mem>>) {add = true}
          %dma_wait3A_64 = arith.constant 0 : i32
          %dma_wait3A_65 = tpu.memref_slice %arg12[%add3A_36, %dma_wait3A_64] : memref<40x125xi32, #tpu.memory_space<vmem>> -> memref<1x125xi32, #tpu.memory_space<vmem>>
          %dma_wait3A_66 = tpu.memref_squeeze %dma_wait3A_65 : memref<1x125xi32, #tpu.memory_space<vmem>> -> memref<125xi32, #tpu.memory_space<vmem>>
          %dma_wait3A_67 = arith.constant 0 : i32
          %dma_wait3A_68 = arith.constant 0 : i32
          %dma_wait3A_69 = tpu.memref_slice %arg15[%dma_wait3A_67, %dma_wait3A_68] : memref<50048x32xf32, #tpu.memory_space<vmem_shared>> -> memref<50048x32xf32, #tpu.memory_space<vmem_shared>>
          tpu.wait_indirect_dma semaphore(%run_scoped3A : memref<!tpu.dma_semaphore, #tpu.memory_space<semaphore_mem>>) src(%arg10 : memref<125x32xf32, #tpu.memory_space<vmem>>) dst(%dma_wait3A_69 : memref<50048x32xf32, #tpu.memory_space<vmem_shared>>)
          tpu.yield
        }) : () -> ()
      }
      %scan3A_31 = arith.constant 20 : i32
    }
    %scan3A_7 = arith.constant 5 : i32
    %barrier3A_8 = arith.constant 0 : index
    tpu.barrier barrier_id(%barrier3A_8)
    "tpu.region"() ({
      %run_scoped3A = tpu.sem_alloc : memref<!tpu.dma_semaphore, #tpu.memory_space<semaphore_mem>>
      %dma_start3A = arith.constant 0 : i32
      %dma_start3A_17 = tpu.memref_slice %arg7[%arg0, %mul3A_2, %dma_start3A] : memref<2x50048x32xf32, #tpu.memory_space<hbm>> -> memref<1x3128x32xf32, #tpu.memory_space<hbm>>
      %dma_start3A_18 = tpu.memref_squeeze %dma_start3A_17 : memref<1x3128x32xf32, #tpu.memory_space<hbm>> -> memref<3128x32xf32, #tpu.memory_space<hbm>>
      %dma_start3A_19 = arith.constant 0 : i32
      %dma_start3A_20 = tpu.memref_slice %arg15[%mul3A_2, %dma_start3A_19] : memref<50048x32xf32, #tpu.memory_space<vmem_shared>> -> memref<3128x32xf32, #tpu.memory_space<vmem_shared>>
      tpu.enqueue_dma source(%dma_start3A_20 : memref<3128x32xf32, #tpu.memory_space<vmem_shared>>) target(%dma_start3A_18 : memref<3128x32xf32, #tpu.memory_space<hbm>>) target_semaphore(%run_scoped3A : memref<!tpu.dma_semaphore, #tpu.memory_space<semaphore_mem>>)
      %dma_wait3A = arith.constant 0 : i32
      %dma_wait3A_21 = tpu.memref_slice %arg7[%arg0, %mul3A_2, %dma_wait3A] : memref<2x50048x32xf32, #tpu.memory_space<hbm>> -> memref<1x3128x32xf32, #tpu.memory_space<hbm>>
      %dma_wait3A_22 = tpu.memref_squeeze %dma_wait3A_21 : memref<1x3128x32xf32, #tpu.memory_space<hbm>> -> memref<3128x32xf32, #tpu.memory_space<hbm>>
      %dma_wait3A_23 = arith.constant 0 : i32
      %dma_wait3A_24 = tpu.memref_slice %arg15[%mul3A_2, %dma_wait3A_23] : memref<50048x32xf32, #tpu.memory_space<vmem_shared>> -> memref<3128x32xf32, #tpu.memory_space<vmem_shared>>
      tpu.wait_dma2 semaphore(%run_scoped3A : memref<!tpu.dma_semaphore, #tpu.memory_space<semaphore_mem>>) src(%dma_wait3A_24 : memref<3128x32xf32, #tpu.memory_space<vmem_shared>>) dst(%dma_wait3A_22 : memref<3128x32xf32, #tpu.memory_space<hbm>>)
      tpu.yield
    }) : () -> ()
    "tpu.region"() ({
      %run_scoped3A = tpu.sem_alloc : memref<!tpu.dma_semaphore, #tpu.memory_space<semaphore_mem>>
      %dma_start3A = arith.constant 0 : i32
      %dma_start3A_17 = tpu.memref_slice %arg15[%mul3A_2, %dma_start3A] : memref<50048x32xf32, #tpu.memory_space<vmem_shared>> -> memref<3128x32xf32, #tpu.memory_space<vmem_shared>>
      tpu.enqueue_dma source(%arg4 : memref<3128x32xf32, #tpu.memory_space<hbm>>) target(%dma_start3A_17 : memref<3128x32xf32, #tpu.memory_space<vmem_shared>>) target_semaphore(%run_scoped3A : memref<!tpu.dma_semaphore, #tpu.memory_space<semaphore_mem>>)
      %dma_wait3A = arith.constant 0 : i32
      %dma_wait3A_18 = tpu.memref_slice %arg15[%mul3A_2, %dma_wait3A] : memref<50048x32xf32, #tpu.memory_space<vmem_shared>> -> memref<3128x32xf32, #tpu.memory_space<vmem_shared>>
      tpu.wait_dma2 semaphore(%run_scoped3A : memref<!tpu.dma_semaphore, #tpu.memory_space<semaphore_mem>>) src(%arg4 : memref<3128x32xf32, #tpu.memory_space<hbm>>) dst(%dma_wait3A_18 : memref<3128x32xf32, #tpu.memory_space<vmem_shared>>)
      tpu.yield
    }) : () -> ()
    %barrier3A_9 = arith.constant 0 : index
    tpu.barrier barrier_id(%barrier3A_9)
    %scan3A_10 = arith.constant 0 : i32
    %scan3A_11 = arith.constant 0 : i32
    %scan3A_12 = arith.constant 5 : i32
    %scan3A_13 = arith.addi %scan3A_11, %scan3A_12 : i32
    %scan3A_14 = arith.constant 1 : i32
    scf.for %scan3A_17 = %scan3A_11 to %scan3A_13 step %scan3A_14  : i32 {
      %mul3A_18 = arith.constant 40 : i32
      %mul3A_19 = arith.muli %scan3A_17, %mul3A_18 : i32
      "tpu.region"() ({
        %run_scoped3A = tpu.sem_alloc : memref<!tpu.dma_semaphore, #tpu.memory_space<semaphore_mem>>
        %dma_start3A_32 = arith.constant 0 : i32
        %dma_start3A_33 = tpu.memref_slice %arg2[%add3A, %mul3A_19, %dma_start3A_32] : memref<32x200x125xi32, #tpu.memory_space<hbm>> -> memref<1x40x125xi32, #tpu.memory_space<hbm>>
        %dma_start3A_34 = tpu.memref_squeeze %dma_start3A_33 : memref<1x40x125xi32, #tpu.memory_space<hbm>> -> memref<40x125xi32, #tpu.memory_space<hbm>>
        %dma_start3A_35 = arith.constant 0 : i32
        %dma_start3A_36 = tpu.memref_slice %arg2[%add3A, %mul3A_19, %dma_start3A_35] : memref<32x200x125xi32, #tpu.memory_space<hbm>> -> memref<1x40x125xi32, #tpu.memory_space<hbm>>
        %dma_start3A_37 = tpu.memref_squeeze %dma_start3A_36 : memref<1x40x125xi32, #tpu.memory_space<hbm>> -> memref<40x125xi32, #tpu.memory_space<hbm>>
        tpu.enqueue_dma source(%dma_start3A_37 : memref<40x125xi32, #tpu.memory_space<hbm>>) target(%arg11 : memref<40x125xi32, #tpu.memory_space<vmem>>) target_semaphore(%run_scoped3A : memref<!tpu.dma_semaphore, #tpu.memory_space<semaphore_mem>>)
        %dma_wait3A = arith.constant 0 : i32
        %dma_wait3A_38 = tpu.memref_slice %arg2[%add3A, %mul3A_19, %dma_wait3A] : memref<32x200x125xi32, #tpu.memory_space<hbm>> -> memref<1x40x125xi32, #tpu.memory_space<hbm>>
        %dma_wait3A_39 = tpu.memref_squeeze %dma_wait3A_38 : memref<1x40x125xi32, #tpu.memory_space<hbm>> -> memref<40x125xi32, #tpu.memory_space<hbm>>
        %dma_wait3A_40 = arith.constant 0 : i32
        %dma_wait3A_41 = tpu.memref_slice %arg2[%add3A, %mul3A_19, %dma_wait3A_40] : memref<32x200x125xi32, #tpu.memory_space<hbm>> -> memref<1x40x125xi32, #tpu.memory_space<hbm>>
        %dma_wait3A_42 = tpu.memref_squeeze %dma_wait3A_41 : memref<1x40x125xi32, #tpu.memory_space<hbm>> -> memref<40x125xi32, #tpu.memory_space<hbm>>
        tpu.wait_dma2 semaphore(%run_scoped3A : memref<!tpu.dma_semaphore, #tpu.memory_space<semaphore_mem>>) src(%dma_wait3A_42 : memref<40x125xi32, #tpu.memory_space<hbm>>) dst(%arg11 : memref<40x125xi32, #tpu.memory_space<vmem>>)
        tpu.yield
      }) : () -> ()
      "tpu.region"() ({
        %run_scoped3A = tpu.sem_alloc : memref<!tpu.dma_semaphore, #tpu.memory_space<semaphore_mem>>
        %dma_start3A_32 = arith.constant 0 : i32
        %dma_start3A_33 = tpu.memref_slice %arg3[%add3A, %mul3A_19, %dma_start3A_32] : memref<32x200x125xi32, #tpu.memory_space<hbm>> -> memref<1x40x125xi32, #tpu.memory_space<hbm>>
        %dma_start3A_34 = tpu.memref_squeeze %dma_start3A_33 : memref<1x40x125xi32, #tpu.memory_space<hbm>> -> memref<40x125xi32, #tpu.memory_space<hbm>>
        %dma_start3A_35 = arith.constant 0 : i32
        %dma_start3A_36 = tpu.memref_slice %arg3[%add3A, %mul3A_19, %dma_start3A_35] : memref<32x200x125xi32, #tpu.memory_space<hbm>> -> memref<1x40x125xi32, #tpu.memory_space<hbm>>
        %dma_start3A_37 = tpu.memref_squeeze %dma_start3A_36 : memref<1x40x125xi32, #tpu.memory_space<hbm>> -> memref<40x125xi32, #tpu.memory_space<hbm>>
        tpu.enqueue_dma source(%dma_start3A_37 : memref<40x125xi32, #tpu.memory_space<hbm>>) target(%arg12 : memref<40x125xi32, #tpu.memory_space<vmem>>) target_semaphore(%run_scoped3A : memref<!tpu.dma_semaphore, #tpu.memory_space<semaphore_mem>>)
        %dma_wait3A = arith.constant 0 : i32
        %dma_wait3A_38 = tpu.memref_slice %arg3[%add3A, %mul3A_19, %dma_wait3A] : memref<32x200x125xi32, #tpu.memory_space<hbm>> -> memref<1x40x125xi32, #tpu.memory_space<hbm>>
        %dma_wait3A_39 = tpu.memref_squeeze %dma_wait3A_38 : memref<1x40x125xi32, #tpu.memory_space<hbm>> -> memref<40x125xi32, #tpu.memory_space<hbm>>
        %dma_wait3A_40 = arith.constant 0 : i32
        %dma_wait3A_41 = tpu.memref_slice %arg3[%add3A, %mul3A_19, %dma_wait3A_40] : memref<32x200x125xi32, #tpu.memory_space<hbm>> -> memref<1x40x125xi32, #tpu.memory_space<hbm>>
        %dma_wait3A_42 = tpu.memref_squeeze %dma_wait3A_41 : memref<1x40x125xi32, #tpu.memory_space<hbm>> -> memref<40x125xi32, #tpu.memory_space<hbm>>
        tpu.wait_dma2 semaphore(%run_scoped3A : memref<!tpu.dma_semaphore, #tpu.memory_space<semaphore_mem>>) src(%dma_wait3A_42 : memref<40x125xi32, #tpu.memory_space<hbm>>) dst(%arg12 : memref<40x125xi32, #tpu.memory_space<vmem>>)
        tpu.yield
      }) : () -> ()
      %dma_start3A = arith.constant 0 : i32
      %dma_start3A_20 = arith.constant 0 : i32
      %dma_start3A_21 = tpu.memref_slice %arg11[%dma_start3A, %dma_start3A_20] : memref<40x125xi32, #tpu.memory_space<vmem>> -> memref<1x125xi32, #tpu.memory_space<vmem>>
      %dma_start3A_22 = tpu.memref_squeeze %dma_start3A_21 : memref<1x125xi32, #tpu.memory_space<vmem>> -> memref<125xi32, #tpu.memory_space<vmem>>
      %dma_start3A_23 = arith.constant 0 : i32
      %dma_start3A_24 = arith.constant 0 : i32
      %dma_start3A_25 = tpu.memref_slice %arg6[%dma_start3A_23, %dma_start3A_24] : memref<50000x32xf32, #tpu.memory_space<hbm>> -> memref<50000x32xf32, #tpu.memory_space<hbm>>
      tpu.enqueue_indirect_dma source(%dma_start3A_25 : memref<50000x32xf32, #tpu.memory_space<hbm>>) target(%arg9 : memref<125x32xf32, #tpu.memory_space<vmem>>) offsets(%dma_start3A_22 : memref<125xi32, #tpu.memory_space<vmem>>) semaphore(%arg13 : memref<!tpu.dma_semaphore, #tpu.memory_space<semaphore_mem>>)
      %scan3A_26 = arith.constant 0 : i32
      %scan3A_27 = arith.constant 0 : i32
      %scan3A_28 = arith.constant 20 : i32
      %scan3A_29 = arith.addi %scan3A_27, %scan3A_28 : i32
      %scan3A_30 = arith.constant 1 : i32
      scf.for %scan3A_32 = %scan3A_27 to %scan3A_29 step %scan3A_30  : i32 {
        %mul3A_33 = arith.constant 2 : i32
        %mul3A_34 = arith.muli %mul3A_33, %scan3A_32 : i32
        %add3A_35 = arith.constant 1 : i32
        %add3A_36 = arith.addi %mul3A_34, %add3A_35 : i32
        %dma_start3A_37 = arith.constant 0 : i32
        %dma_start3A_38 = tpu.memref_slice %arg11[%add3A_36, %dma_start3A_37] : memref<40x125xi32, #tpu.memory_space<vmem>> -> memref<1x125xi32, #tpu.memory_space<vmem>>
        %dma_start3A_39 = tpu.memref_squeeze %dma_start3A_38 : memref<1x125xi32, #tpu.memory_space<vmem>> -> memref<125xi32, #tpu.memory_space<vmem>>
        %dma_start3A_40 = arith.constant 0 : i32
        %dma_start3A_41 = arith.constant 0 : i32
        %dma_start3A_42 = tpu.memref_slice %arg6[%dma_start3A_40, %dma_start3A_41] : memref<50000x32xf32, #tpu.memory_space<hbm>> -> memref<50000x32xf32, #tpu.memory_space<hbm>>
        tpu.enqueue_indirect_dma source(%dma_start3A_42 : memref<50000x32xf32, #tpu.memory_space<hbm>>) target(%arg10 : memref<125x32xf32, #tpu.memory_space<vmem>>) offsets(%dma_start3A_39 : memref<125xi32, #tpu.memory_space<vmem>>) semaphore(%arg14 : memref<!tpu.dma_semaphore, #tpu.memory_space<semaphore_mem>>)
        %dma_wait3A = arith.constant 0 : i32
        %dma_wait3A_43 = tpu.memref_slice %arg11[%mul3A_34, %dma_wait3A] : memref<40x125xi32, #tpu.memory_space<vmem>> -> memref<1x125xi32, #tpu.memory_space<vmem>>
        %dma_wait3A_44 = tpu.memref_squeeze %dma_wait3A_43 : memref<1x125xi32, #tpu.memory_space<vmem>> -> memref<125xi32, #tpu.memory_space<vmem>>
        %dma_wait3A_45 = arith.constant 0 : i32
        %dma_wait3A_46 = arith.constant 0 : i32
        %dma_wait3A_47 = tpu.memref_slice %arg6[%dma_wait3A_45, %dma_wait3A_46] : memref<50000x32xf32, #tpu.memory_space<hbm>> -> memref<50000x32xf32, #tpu.memory_space<hbm>>
        tpu.wait_indirect_dma semaphore(%arg13 : memref<!tpu.dma_semaphore, #tpu.memory_space<semaphore_mem>>) src(%dma_wait3A_47 : memref<50000x32xf32, #tpu.memory_space<hbm>>) dst(%arg9 : memref<125x32xf32, #tpu.memory_space<vmem>>)
        "tpu.region"() ({
          %run_scoped3A = tpu.sem_alloc : memref<!tpu.dma_semaphore, #tpu.memory_space<semaphore_mem>>
          %dma_start3A_58 = arith.constant 0 : i32
          %dma_start3A_59 = tpu.memref_slice %arg12[%mul3A_34, %dma_start3A_58] : memref<40x125xi32, #tpu.memory_space<vmem>> -> memref<1x125xi32, #tpu.memory_space<vmem>>
          %dma_start3A_60 = tpu.memref_squeeze %dma_start3A_59 : memref<1x125xi32, #tpu.memory_space<vmem>> -> memref<125xi32, #tpu.memory_space<vmem>>
          %dma_start3A_61 = arith.constant 0 : i32
          %dma_start3A_62 = arith.constant 0 : i32
          %dma_start3A_63 = tpu.memref_slice %arg15[%dma_start3A_61, %dma_start3A_62] : memref<50048x32xf32, #tpu.memory_space<vmem_shared>> -> memref<50048x32xf32, #tpu.memory_space<vmem_shared>>
          tpu.enqueue_indirect_dma source(%arg9 : memref<125x32xf32, #tpu.memory_space<vmem>>) target(%dma_start3A_63 : memref<50048x32xf32, #tpu.memory_space<vmem_shared>>) offsets(%dma_start3A_60 : memref<125xi32, #tpu.memory_space<vmem>>) semaphore(%run_scoped3A : memref<!tpu.dma_semaphore, #tpu.memory_space<semaphore_mem>>) {add = true}
          %dma_wait3A_64 = arith.constant 0 : i32
          %dma_wait3A_65 = tpu.memref_slice %arg12[%mul3A_34, %dma_wait3A_64] : memref<40x125xi32, #tpu.memory_space<vmem>> -> memref<1x125xi32, #tpu.memory_space<vmem>>
          %dma_wait3A_66 = tpu.memref_squeeze %dma_wait3A_65 : memref<1x125xi32, #tpu.memory_space<vmem>> -> memref<125xi32, #tpu.memory_space<vmem>>
          %dma_wait3A_67 = arith.constant 0 : i32
          %dma_wait3A_68 = arith.constant 0 : i32
          %dma_wait3A_69 = tpu.memref_slice %arg15[%dma_wait3A_67, %dma_wait3A_68] : memref<50048x32xf32, #tpu.memory_space<vmem_shared>> -> memref<50048x32xf32, #tpu.memory_space<vmem_shared>>
          tpu.wait_indirect_dma semaphore(%run_scoped3A : memref<!tpu.dma_semaphore, #tpu.memory_space<semaphore_mem>>) src(%arg9 : memref<125x32xf32, #tpu.memory_space<vmem>>) dst(%dma_wait3A_69 : memref<50048x32xf32, #tpu.memory_space<vmem_shared>>)
          tpu.yield
        }) : () -> ()
        %add3A_48 = arith.constant 2 : i32
        %add3A_49 = arith.addi %mul3A_34, %add3A_48 : i32
        %lt3A = arith.constant 40 : i32
        %lt3A_50 = arith.cmpi slt, %add3A_49, %lt3A : i32
        %convert_element_type3A = arith.extui %lt3A_50 : i1 to i32
        %cond3A = arith.constant 0 : i32
        %cond3A_51 = arith.cmpi ne, %convert_element_type3A, %cond3A : i32
        scf.if %cond3A_51 {
          %add3A_58 = arith.constant 2 : i32
          %add3A_59 = arith.addi %mul3A_34, %add3A_58 : i32
          %dma_start3A_60 = arith.constant 0 : i32
          %dma_start3A_61 = tpu.memref_slice %arg11[%add3A_59, %dma_start3A_60] : memref<40x125xi32, #tpu.memory_space<vmem>> -> memref<1x125xi32, #tpu.memory_space<vmem>>
          %dma_start3A_62 = tpu.memref_squeeze %dma_start3A_61 : memref<1x125xi32, #tpu.memory_space<vmem>> -> memref<125xi32, #tpu.memory_space<vmem>>
          %dma_start3A_63 = arith.constant 0 : i32
          %dma_start3A_64 = arith.constant 0 : i32
          %dma_start3A_65 = tpu.memref_slice %arg6[%dma_start3A_63, %dma_start3A_64] : memref<50000x32xf32, #tpu.memory_space<hbm>> -> memref<50000x32xf32, #tpu.memory_space<hbm>>
          tpu.enqueue_indirect_dma source(%dma_start3A_65 : memref<50000x32xf32, #tpu.memory_space<hbm>>) target(%arg9 : memref<125x32xf32, #tpu.memory_space<vmem>>) offsets(%dma_start3A_62 : memref<125xi32, #tpu.memory_space<vmem>>) semaphore(%arg13 : memref<!tpu.dma_semaphore, #tpu.memory_space<semaphore_mem>>)
        } else {
        }
        %dma_wait3A_52 = arith.constant 0 : i32
        %dma_wait3A_53 = tpu.memref_slice %arg11[%add3A_36, %dma_wait3A_52] : memref<40x125xi32, #tpu.memory_space<vmem>> -> memref<1x125xi32, #tpu.memory_space<vmem>>
        %dma_wait3A_54 = tpu.memref_squeeze %dma_wait3A_53 : memref<1x125xi32, #tpu.memory_space<vmem>> -> memref<125xi32, #tpu.memory_space<vmem>>
        %dma_wait3A_55 = arith.constant 0 : i32
        %dma_wait3A_56 = arith.constant 0 : i32
        %dma_wait3A_57 = tpu.memref_slice %arg6[%dma_wait3A_55, %dma_wait3A_56] : memref<50000x32xf32, #tpu.memory_space<hbm>> -> memref<50000x32xf32, #tpu.memory_space<hbm>>
        tpu.wait_indirect_dma semaphore(%arg14 : memref<!tpu.dma_semaphore, #tpu.memory_space<semaphore_mem>>) src(%dma_wait3A_57 : memref<50000x32xf32, #tpu.memory_space<hbm>>) dst(%arg10 : memref<125x32xf32, #tpu.memory_space<vmem>>)
        "tpu.region"() ({
          %run_scoped3A = tpu.sem_alloc : memref<!tpu.dma_semaphore, #tpu.memory_space<semaphore_mem>>
          %dma_start3A_58 = arith.constant 0 : i32
          %dma_start3A_59 = tpu.memref_slice %arg12[%add3A_36, %dma_start3A_58] : memref<40x125xi32, #tpu.memory_space<vmem>> -> memref<1x125xi32, #tpu.memory_space<vmem>>
          %dma_start3A_60 = tpu.memref_squeeze %dma_start3A_59 : memref<1x125xi32, #tpu.memory_space<vmem>> -> memref<125xi32, #tpu.memory_space<vmem>>
          %dma_start3A_61 = arith.constant 0 : i32
          %dma_start3A_62 = arith.constant 0 : i32
          %dma_start3A_63 = tpu.memref_slice %arg15[%dma_start3A_61, %dma_start3A_62] : memref<50048x32xf32, #tpu.memory_space<vmem_shared>> -> memref<50048x32xf32, #tpu.memory_space<vmem_shared>>
          tpu.enqueue_indirect_dma source(%arg10 : memref<125x32xf32, #tpu.memory_space<vmem>>) target(%dma_start3A_63 : memref<50048x32xf32, #tpu.memory_space<vmem_shared>>) offsets(%dma_start3A_60 : memref<125xi32, #tpu.memory_space<vmem>>) semaphore(%run_scoped3A : memref<!tpu.dma_semaphore, #tpu.memory_space<semaphore_mem>>) {add = true}
          %dma_wait3A_64 = arith.constant 0 : i32
          %dma_wait3A_65 = tpu.memref_slice %arg12[%add3A_36, %dma_wait3A_64] : memref<40x125xi32, #tpu.memory_space<vmem>> -> memref<1x125xi32, #tpu.memory_space<vmem>>
          %dma_wait3A_66 = tpu.memref_squeeze %dma_wait3A_65 : memref<1x125xi32, #tpu.memory_space<vmem>> -> memref<125xi32, #tpu.memory_space<vmem>>
          %dma_wait3A_67 = arith.constant 0 : i32
          %dma_wait3A_68 = arith.constant 0 : i32
          %dma_wait3A_69 = tpu.memref_slice %arg15[%dma_wait3A_67, %dma_wait3A_68] : memref<50048x32xf32, #tpu.memory_space<vmem_shared>> -> memref<50048x32xf32, #tpu.memory_space<vmem_shared>>
          tpu.wait_indirect_dma semaphore(%run_scoped3A : memref<!tpu.dma_semaphore, #tpu.memory_space<semaphore_mem>>) src(%arg10 : memref<125x32xf32, #tpu.memory_space<vmem>>) dst(%dma_wait3A_69 : memref<50048x32xf32, #tpu.memory_space<vmem_shared>>)
          tpu.yield
        }) : () -> ()
      }
      %scan3A_31 = arith.constant 20 : i32
    }
    %scan3A_15 = arith.constant 5 : i32
    %barrier3A_16 = arith.constant 0 : index
    tpu.barrier barrier_id(%barrier3A_16)
    "tpu.region"() ({
      %run_scoped3A = tpu.sem_alloc : memref<!tpu.dma_semaphore, #tpu.memory_space<semaphore_mem>>
      %dma_start3A = arith.constant 0 : i32
      %dma_start3A_17 = tpu.memref_slice %arg8[%arg0, %mul3A_2, %dma_start3A] : memref<2x50048x32xf32, #tpu.memory_space<hbm>> -> memref<1x3128x32xf32, #tpu.memory_space<hbm>>
      %dma_start3A_18 = tpu.memref_squeeze %dma_start3A_17 : memref<1x3128x32xf32, #tpu.memory_space<hbm>> -> memref<3128x32xf32, #tpu.memory_space<hbm>>
      %dma_start3A_19 = arith.constant 0 : i32
      %dma_start3A_20 = tpu.memref_slice %arg15[%mul3A_2, %dma_start3A_19] : memref<50048x32xf32, #tpu.memory_space<vmem_shared>> -> memref<3128x32xf32, #tpu.memory_space<vmem_shared>>
      tpu.enqueue_dma source(%dma_start3A_20 : memref<3128x32xf32, #tpu.memory_space<vmem_shared>>) target(%dma_start3A_18 : memref<3128x32xf32, #tpu.memory_space<hbm>>) target_semaphore(%run_scoped3A : memref<!tpu.dma_semaphore, #tpu.memory_space<semaphore_mem>>)
      %dma_wait3A = arith.constant 0 : i32
      %dma_wait3A_21 = tpu.memref_slice %arg8[%arg0, %mul3A_2, %dma_wait3A] : memref<2x50048x32xf32, #tpu.memory_space<hbm>> -> memref<1x3128x32xf32, #tpu.memory_space<hbm>>
      %dma_wait3A_22 = tpu.memref_squeeze %dma_wait3A_21 : memref<1x3128x32xf32, #tpu.memory_space<hbm>> -> memref<3128x32xf32, #tpu.memory_space<hbm>>
      %dma_wait3A_23 = arith.constant 0 : i32
      %dma_wait3A_24 = tpu.memref_slice %arg15[%mul3A_2, %dma_wait3A_23] : memref<50048x32xf32, #tpu.memory_space<vmem_shared>> -> memref<3128x32xf32, #tpu.memory_space<vmem_shared>>
      tpu.wait_dma2 semaphore(%run_scoped3A : memref<!tpu.dma_semaphore, #tpu.memory_space<semaphore_mem>>) src(%dma_wait3A_24 : memref<3128x32xf32, #tpu.memory_space<vmem_shared>>) dst(%dma_wait3A_22 : memref<3128x32xf32, #tpu.memory_space<hbm>>)
      tpu.yield
    }) : () -> ()
    return
  }
}

#map = affine_map<(d0, d1) -> (0, 0, 0)>
#map1 = affine_map<(d0, d1) -> (0, 0)>
module attributes {stable_mosaic.version = 14 : i64} {
  func.func @seg_kernel(%arg0: i32, %arg1: i32, %arg2: memref<32x200x125xi32, #tpu.memory_space<hbm>>, %arg3: memref<32x200x125xi32, #tpu.memory_space<hbm>>, %arg4: memref<3128x32xf32, #tpu.memory_space<hbm>>, %arg5: memref<50000x32xf32, #tpu.memory_space<hbm>>, %arg6: memref<50000x32xf32, #tpu.memory_space<hbm>>, %arg7: memref<50000x32xf32, #tpu.memory_space<hbm>>, %arg8: memref<50000x32xf32, #tpu.memory_space<hbm>>, %arg9: memref<2x50048x32xf32, #tpu.memory_space<hbm>>, %arg10: memref<2x50048x32xf32, #tpu.memory_space<hbm>>, %arg11: memref<2x50048x32xf32, #tpu.memory_space<hbm>>, %arg12: memref<2x50048x32xf32, #tpu.memory_space<hbm>>, %arg13: memref<125x32xf32, #tpu.memory_space<vmem>>, %arg14: memref<125x32xf32, #tpu.memory_space<vmem>>, %arg15: memref<40x125xi32, #tpu.memory_space<vmem>>, %arg16: memref<40x125xi32, #tpu.memory_space<vmem>>, %arg17: memref<!tpu.dma_semaphore, #tpu.memory_space<semaphore_mem>>, %arg18: memref<!tpu.dma_semaphore, #tpu.memory_space<semaphore_mem>>, %arg19: memref<50048x32xf32, #tpu.memory_space<vmem_shared>>) attributes {dimension_semantics = [#tpu.dimension_semantics<core_parallel>, #tpu.dimension_semantics<subcore_parallel>], iteration_bounds = array<i64: 2, 16>, scalar_prefetch = 0 : i64, scratch_operands = 7 : i64, tpu.core_type = #tpu.core_type<sc_vector_subcore>, window_params = [{transform_indices = #map}, {transform_indices = #map}, {transform_indices = #map1}, {transform_indices = #map1}, {transform_indices = #map1}, {transform_indices = #map1}, {transform_indices = #map1}, {transform_indices = #map}, {transform_indices = #map}, {transform_indices = #map}, {transform_indices = #map}]} {
    %mul3A = arith.constant 16 : i32
    %mul3A_0 = arith.muli %arg0, %mul3A : i32
    %add3A = arith.addi %mul3A_0, %arg1 : i32
    %mul3A_1 = arith.constant 3128 : i32
    %mul3A_2 = arith.muli %arg1, %mul3A_1 : i32
    "tpu.region"() ({
      %run_scoped3A = tpu.sem_alloc : memref<!tpu.dma_semaphore, #tpu.memory_space<semaphore_mem>>
      %dma_start3A = arith.constant 0 : i32
      %dma_start3A_33 = tpu.memref_slice %arg19[%mul3A_2, %dma_start3A] : memref<50048x32xf32, #tpu.memory_space<vmem_shared>> -> memref<3128x32xf32, #tpu.memory_space<vmem_shared>>
      tpu.enqueue_dma source(%arg4 : memref<3128x32xf32, #tpu.memory_space<hbm>>) target(%dma_start3A_33 : memref<3128x32xf32, #tpu.memory_space<vmem_shared>>) target_semaphore(%run_scoped3A : memref<!tpu.dma_semaphore, #tpu.memory_space<semaphore_mem>>)
      %dma_wait3A = arith.constant 0 : i32
      %dma_wait3A_34 = tpu.memref_slice %arg19[%mul3A_2, %dma_wait3A] : memref<50048x32xf32, #tpu.memory_space<vmem_shared>> -> memref<3128x32xf32, #tpu.memory_space<vmem_shared>>
      tpu.wait_dma2 semaphore(%run_scoped3A : memref<!tpu.dma_semaphore, #tpu.memory_space<semaphore_mem>>) src(%arg4 : memref<3128x32xf32, #tpu.memory_space<hbm>>) dst(%dma_wait3A_34 : memref<3128x32xf32, #tpu.memory_space<vmem_shared>>)
      tpu.yield
    }) : () -> ()
    %barrier3A = arith.constant 0 : index
    tpu.barrier barrier_id(%barrier3A)
    %scan3A = arith.constant 0 : i32
    %scan3A_3 = arith.constant 0 : i32
    %scan3A_4 = arith.constant 5 : i32
    %scan3A_5 = arith.addi %scan3A_3, %scan3A_4 : i32
    %scan3A_6 = arith.constant 1 : i32
    scf.for %scan3A_33 = %scan3A_3 to %scan3A_5 step %scan3A_6  : i32 {
      %mul3A_34 = arith.constant 40 : i32
      %mul3A_35 = arith.muli %scan3A_33, %mul3A_34 : i32
      "tpu.region"() ({
        %run_scoped3A = tpu.sem_alloc : memref<!tpu.dma_semaphore, #tpu.memory_space<semaphore_mem>>
        %dma_start3A_48 = arith.constant 0 : i32
        %dma_start3A_49 = tpu.memref_slice %arg2[%add3A, %mul3A_35, %dma_start3A_48] : memref<32x200x125xi32, #tpu.memory_space<hbm>> -> memref<1x40x125xi32, #tpu.memory_space<hbm>>
        %dma_start3A_50 = tpu.memref_squeeze %dma_start3A_49 : memref<1x40x125xi32, #tpu.memory_space<hbm>> -> memref<40x125xi32, #tpu.memory_space<hbm>>
        %dma_start3A_51 = arith.constant 0 : i32
        %dma_start3A_52 = tpu.memref_slice %arg2[%add3A, %mul3A_35, %dma_start3A_51] : memref<32x200x125xi32, #tpu.memory_space<hbm>> -> memref<1x40x125xi32, #tpu.memory_space<hbm>>
        %dma_start3A_53 = tpu.memref_squeeze %dma_start3A_52 : memref<1x40x125xi32, #tpu.memory_space<hbm>> -> memref<40x125xi32, #tpu.memory_space<hbm>>
        tpu.enqueue_dma source(%dma_start3A_53 : memref<40x125xi32, #tpu.memory_space<hbm>>) target(%arg15 : memref<40x125xi32, #tpu.memory_space<vmem>>) target_semaphore(%run_scoped3A : memref<!tpu.dma_semaphore, #tpu.memory_space<semaphore_mem>>)
        %dma_wait3A = arith.constant 0 : i32
        %dma_wait3A_54 = tpu.memref_slice %arg2[%add3A, %mul3A_35, %dma_wait3A] : memref<32x200x125xi32, #tpu.memory_space<hbm>> -> memref<1x40x125xi32, #tpu.memory_space<hbm>>
        %dma_wait3A_55 = tpu.memref_squeeze %dma_wait3A_54 : memref<1x40x125xi32, #tpu.memory_space<hbm>> -> memref<40x125xi32, #tpu.memory_space<hbm>>
        %dma_wait3A_56 = arith.constant 0 : i32
        %dma_wait3A_57 = tpu.memref_slice %arg2[%add3A, %mul3A_35, %dma_wait3A_56] : memref<32x200x125xi32, #tpu.memory_space<hbm>> -> memref<1x40x125xi32, #tpu.memory_space<hbm>>
        %dma_wait3A_58 = tpu.memref_squeeze %dma_wait3A_57 : memref<1x40x125xi32, #tpu.memory_space<hbm>> -> memref<40x125xi32, #tpu.memory_space<hbm>>
        tpu.wait_dma2 semaphore(%run_scoped3A : memref<!tpu.dma_semaphore, #tpu.memory_space<semaphore_mem>>) src(%dma_wait3A_58 : memref<40x125xi32, #tpu.memory_space<hbm>>) dst(%arg15 : memref<40x125xi32, #tpu.memory_space<vmem>>)
        tpu.yield
      }) : () -> ()
      "tpu.region"() ({
        %run_scoped3A = tpu.sem_alloc : memref<!tpu.dma_semaphore, #tpu.memory_space<semaphore_mem>>
        %dma_start3A_48 = arith.constant 0 : i32
        %dma_start3A_49 = tpu.memref_slice %arg3[%add3A, %mul3A_35, %dma_start3A_48] : memref<32x200x125xi32, #tpu.memory_space<hbm>> -> memref<1x40x125xi32, #tpu.memory_space<hbm>>
        %dma_start3A_50 = tpu.memref_squeeze %dma_start3A_49 : memref<1x40x125xi32, #tpu.memory_space<hbm>> -> memref<40x125xi32, #tpu.memory_space<hbm>>
        %dma_start3A_51 = arith.constant 0 : i32
        %dma_start3A_52 = tpu.memref_slice %arg3[%add3A, %mul3A_35, %dma_start3A_51] : memref<32x200x125xi32, #tpu.memory_space<hbm>> -> memref<1x40x125xi32, #tpu.memory_space<hbm>>
        %dma_start3A_53 = tpu.memref_squeeze %dma_start3A_52 : memref<1x40x125xi32, #tpu.memory_space<hbm>> -> memref<40x125xi32, #tpu.memory_space<hbm>>
        tpu.enqueue_dma source(%dma_start3A_53 : memref<40x125xi32, #tpu.memory_space<hbm>>) target(%arg16 : memref<40x125xi32, #tpu.memory_space<vmem>>) target_semaphore(%run_scoped3A : memref<!tpu.dma_semaphore, #tpu.memory_space<semaphore_mem>>)
        %dma_wait3A = arith.constant 0 : i32
        %dma_wait3A_54 = tpu.memref_slice %arg3[%add3A, %mul3A_35, %dma_wait3A] : memref<32x200x125xi32, #tpu.memory_space<hbm>> -> memref<1x40x125xi32, #tpu.memory_space<hbm>>
        %dma_wait3A_55 = tpu.memref_squeeze %dma_wait3A_54 : memref<1x40x125xi32, #tpu.memory_space<hbm>> -> memref<40x125xi32, #tpu.memory_space<hbm>>
        %dma_wait3A_56 = arith.constant 0 : i32
        %dma_wait3A_57 = tpu.memref_slice %arg3[%add3A, %mul3A_35, %dma_wait3A_56] : memref<32x200x125xi32, #tpu.memory_space<hbm>> -> memref<1x40x125xi32, #tpu.memory_space<hbm>>
        %dma_wait3A_58 = tpu.memref_squeeze %dma_wait3A_57 : memref<1x40x125xi32, #tpu.memory_space<hbm>> -> memref<40x125xi32, #tpu.memory_space<hbm>>
        tpu.wait_dma2 semaphore(%run_scoped3A : memref<!tpu.dma_semaphore, #tpu.memory_space<semaphore_mem>>) src(%dma_wait3A_58 : memref<40x125xi32, #tpu.memory_space<hbm>>) dst(%arg16 : memref<40x125xi32, #tpu.memory_space<vmem>>)
        tpu.yield
      }) : () -> ()
      %dma_start3A = arith.constant 0 : i32
      %dma_start3A_36 = arith.constant 0 : i32
      %dma_start3A_37 = tpu.memref_slice %arg15[%dma_start3A, %dma_start3A_36] : memref<40x125xi32, #tpu.memory_space<vmem>> -> memref<1x125xi32, #tpu.memory_space<vmem>>
      %dma_start3A_38 = tpu.memref_squeeze %dma_start3A_37 : memref<1x125xi32, #tpu.memory_space<vmem>> -> memref<125xi32, #tpu.memory_space<vmem>>
      %dma_start3A_39 = arith.constant 0 : i32
      %dma_start3A_40 = arith.constant 0 : i32
      %dma_start3A_41 = tpu.memref_slice %arg5[%dma_start3A_39, %dma_start3A_40] : memref<50000x32xf32, #tpu.memory_space<hbm>> -> memref<50000x32xf32, #tpu.memory_space<hbm>>
      tpu.enqueue_indirect_dma source(%dma_start3A_41 : memref<50000x32xf32, #tpu.memory_space<hbm>>) target(%arg13 : memref<125x32xf32, #tpu.memory_space<vmem>>) offsets(%dma_start3A_38 : memref<125xi32, #tpu.memory_space<vmem>>) semaphore(%arg17 : memref<!tpu.dma_semaphore, #tpu.memory_space<semaphore_mem>>)
      %scan3A_42 = arith.constant 0 : i32
      %scan3A_43 = arith.constant 0 : i32
      %scan3A_44 = arith.constant 20 : i32
      %scan3A_45 = arith.addi %scan3A_43, %scan3A_44 : i32
      %scan3A_46 = arith.constant 1 : i32
      scf.for %scan3A_48 = %scan3A_43 to %scan3A_45 step %scan3A_46  : i32 {
        %mul3A_49 = arith.constant 2 : i32
        %mul3A_50 = arith.muli %mul3A_49, %scan3A_48 : i32
        %add3A_51 = arith.constant 1 : i32
        %add3A_52 = arith.addi %mul3A_50, %add3A_51 : i32
        %dma_start3A_53 = arith.constant 0 : i32
        %dma_start3A_54 = tpu.memref_slice %arg15[%add3A_52, %dma_start3A_53] : memref<40x125xi32, #tpu.memory_space<vmem>> -> memref<1x125xi32, #tpu.memory_space<vmem>>
        %dma_start3A_55 = tpu.memref_squeeze %dma_start3A_54 : memref<1x125xi32, #tpu.memory_space<vmem>> -> memref<125xi32, #tpu.memory_space<vmem>>
        %dma_start3A_56 = arith.constant 0 : i32
        %dma_start3A_57 = arith.constant 0 : i32
        %dma_start3A_58 = tpu.memref_slice %arg5[%dma_start3A_56, %dma_start3A_57] : memref<50000x32xf32, #tpu.memory_space<hbm>> -> memref<50000x32xf32, #tpu.memory_space<hbm>>
        tpu.enqueue_indirect_dma source(%dma_start3A_58 : memref<50000x32xf32, #tpu.memory_space<hbm>>) target(%arg14 : memref<125x32xf32, #tpu.memory_space<vmem>>) offsets(%dma_start3A_55 : memref<125xi32, #tpu.memory_space<vmem>>) semaphore(%arg18 : memref<!tpu.dma_semaphore, #tpu.memory_space<semaphore_mem>>)
        %dma_wait3A = arith.constant 0 : i32
        %dma_wait3A_59 = tpu.memref_slice %arg15[%mul3A_50, %dma_wait3A] : memref<40x125xi32, #tpu.memory_space<vmem>> -> memref<1x125xi32, #tpu.memory_space<vmem>>
        %dma_wait3A_60 = tpu.memref_squeeze %dma_wait3A_59 : memref<1x125xi32, #tpu.memory_space<vmem>> -> memref<125xi32, #tpu.memory_space<vmem>>
        %dma_wait3A_61 = arith.constant 0 : i32
        %dma_wait3A_62 = arith.constant 0 : i32
        %dma_wait3A_63 = tpu.memref_slice %arg5[%dma_wait3A_61, %dma_wait3A_62] : memref<50000x32xf32, #tpu.memory_space<hbm>> -> memref<50000x32xf32, #tpu.memory_space<hbm>>
        tpu.wait_indirect_dma semaphore(%arg17 : memref<!tpu.dma_semaphore, #tpu.memory_space<semaphore_mem>>) src(%dma_wait3A_63 : memref<50000x32xf32, #tpu.memory_space<hbm>>) dst(%arg13 : memref<125x32xf32, #tpu.memory_space<vmem>>)
        "tpu.region"() ({
          %run_scoped3A = tpu.sem_alloc : memref<!tpu.dma_semaphore, #tpu.memory_space<semaphore_mem>>
          %dma_start3A_74 = arith.constant 0 : i32
          %dma_start3A_75 = tpu.memref_slice %arg16[%mul3A_50, %dma_start3A_74] : memref<40x125xi32, #tpu.memory_space<vmem>> -> memref<1x125xi32, #tpu.memory_space<vmem>>
          %dma_start3A_76 = tpu.memref_squeeze %dma_start3A_75 : memref<1x125xi32, #tpu.memory_space<vmem>> -> memref<125xi32, #tpu.memory_space<vmem>>
          %dma_start3A_77 = arith.constant 0 : i32
          %dma_start3A_78 = arith.constant 0 : i32
          %dma_start3A_79 = tpu.memref_slice %arg19[%dma_start3A_77, %dma_start3A_78] : memref<50048x32xf32, #tpu.memory_space<vmem_shared>> -> memref<50048x32xf32, #tpu.memory_space<vmem_shared>>
          tpu.enqueue_indirect_dma source(%arg13 : memref<125x32xf32, #tpu.memory_space<vmem>>) target(%dma_start3A_79 : memref<50048x32xf32, #tpu.memory_space<vmem_shared>>) offsets(%dma_start3A_76 : memref<125xi32, #tpu.memory_space<vmem>>) semaphore(%run_scoped3A : memref<!tpu.dma_semaphore, #tpu.memory_space<semaphore_mem>>) {add = true}
          %dma_wait3A_80 = arith.constant 0 : i32
          %dma_wait3A_81 = tpu.memref_slice %arg16[%mul3A_50, %dma_wait3A_80] : memref<40x125xi32, #tpu.memory_space<vmem>> -> memref<1x125xi32, #tpu.memory_space<vmem>>
          %dma_wait3A_82 = tpu.memref_squeeze %dma_wait3A_81 : memref<1x125xi32, #tpu.memory_space<vmem>> -> memref<125xi32, #tpu.memory_space<vmem>>
          %dma_wait3A_83 = arith.constant 0 : i32
          %dma_wait3A_84 = arith.constant 0 : i32
          %dma_wait3A_85 = tpu.memref_slice %arg19[%dma_wait3A_83, %dma_wait3A_84] : memref<50048x32xf32, #tpu.memory_space<vmem_shared>> -> memref<50048x32xf32, #tpu.memory_space<vmem_shared>>
          tpu.wait_indirect_dma semaphore(%run_scoped3A : memref<!tpu.dma_semaphore, #tpu.memory_space<semaphore_mem>>) src(%arg13 : memref<125x32xf32, #tpu.memory_space<vmem>>) dst(%dma_wait3A_85 : memref<50048x32xf32, #tpu.memory_space<vmem_shared>>)
          tpu.yield
        }) : () -> ()
        %add3A_64 = arith.constant 2 : i32
        %add3A_65 = arith.addi %mul3A_50, %add3A_64 : i32
        %lt3A = arith.constant 40 : i32
        %lt3A_66 = arith.cmpi slt, %add3A_65, %lt3A : i32
        %convert_element_type3A = arith.extui %lt3A_66 : i1 to i32
        %cond3A = arith.constant 0 : i32
        %cond3A_67 = arith.cmpi ne, %convert_element_type3A, %cond3A : i32
        scf.if %cond3A_67 {
          %add3A_74 = arith.constant 2 : i32
          %add3A_75 = arith.addi %mul3A_50, %add3A_74 : i32
          %dma_start3A_76 = arith.constant 0 : i32
          %dma_start3A_77 = tpu.memref_slice %arg15[%add3A_75, %dma_start3A_76] : memref<40x125xi32, #tpu.memory_space<vmem>> -> memref<1x125xi32, #tpu.memory_space<vmem>>
          %dma_start3A_78 = tpu.memref_squeeze %dma_start3A_77 : memref<1x125xi32, #tpu.memory_space<vmem>> -> memref<125xi32, #tpu.memory_space<vmem>>
          %dma_start3A_79 = arith.constant 0 : i32
          %dma_start3A_80 = arith.constant 0 : i32
          %dma_start3A_81 = tpu.memref_slice %arg5[%dma_start3A_79, %dma_start3A_80] : memref<50000x32xf32, #tpu.memory_space<hbm>> -> memref<50000x32xf32, #tpu.memory_space<hbm>>
          tpu.enqueue_indirect_dma source(%dma_start3A_81 : memref<50000x32xf32, #tpu.memory_space<hbm>>) target(%arg13 : memref<125x32xf32, #tpu.memory_space<vmem>>) offsets(%dma_start3A_78 : memref<125xi32, #tpu.memory_space<vmem>>) semaphore(%arg17 : memref<!tpu.dma_semaphore, #tpu.memory_space<semaphore_mem>>)
        } else {
        }
        %dma_wait3A_68 = arith.constant 0 : i32
        %dma_wait3A_69 = tpu.memref_slice %arg15[%add3A_52, %dma_wait3A_68] : memref<40x125xi32, #tpu.memory_space<vmem>> -> memref<1x125xi32, #tpu.memory_space<vmem>>
        %dma_wait3A_70 = tpu.memref_squeeze %dma_wait3A_69 : memref<1x125xi32, #tpu.memory_space<vmem>> -> memref<125xi32, #tpu.memory_space<vmem>>
        %dma_wait3A_71 = arith.constant 0 : i32
        %dma_wait3A_72 = arith.constant 0 : i32
        %dma_wait3A_73 = tpu.memref_slice %arg5[%dma_wait3A_71, %dma_wait3A_72] : memref<50000x32xf32, #tpu.memory_space<hbm>> -> memref<50000x32xf32, #tpu.memory_space<hbm>>
        tpu.wait_indirect_dma semaphore(%arg18 : memref<!tpu.dma_semaphore, #tpu.memory_space<semaphore_mem>>) src(%dma_wait3A_73 : memref<50000x32xf32, #tpu.memory_space<hbm>>) dst(%arg14 : memref<125x32xf32, #tpu.memory_space<vmem>>)
        "tpu.region"() ({
          %run_scoped3A = tpu.sem_alloc : memref<!tpu.dma_semaphore, #tpu.memory_space<semaphore_mem>>
          %dma_start3A_74 = arith.constant 0 : i32
          %dma_start3A_75 = tpu.memref_slice %arg16[%add3A_52, %dma_start3A_74] : memref<40x125xi32, #tpu.memory_space<vmem>> -> memref<1x125xi32, #tpu.memory_space<vmem>>
          %dma_start3A_76 = tpu.memref_squeeze %dma_start3A_75 : memref<1x125xi32, #tpu.memory_space<vmem>> -> memref<125xi32, #tpu.memory_space<vmem>>
          %dma_start3A_77 = arith.constant 0 : i32
          %dma_start3A_78 = arith.constant 0 : i32
          %dma_start3A_79 = tpu.memref_slice %arg19[%dma_start3A_77, %dma_start3A_78] : memref<50048x32xf32, #tpu.memory_space<vmem_shared>> -> memref<50048x32xf32, #tpu.memory_space<vmem_shared>>
          tpu.enqueue_indirect_dma source(%arg14 : memref<125x32xf32, #tpu.memory_space<vmem>>) target(%dma_start3A_79 : memref<50048x32xf32, #tpu.memory_space<vmem_shared>>) offsets(%dma_start3A_76 : memref<125xi32, #tpu.memory_space<vmem>>) semaphore(%run_scoped3A : memref<!tpu.dma_semaphore, #tpu.memory_space<semaphore_mem>>) {add = true}
          %dma_wait3A_80 = arith.constant 0 : i32
          %dma_wait3A_81 = tpu.memref_slice %arg16[%add3A_52, %dma_wait3A_80] : memref<40x125xi32, #tpu.memory_space<vmem>> -> memref<1x125xi32, #tpu.memory_space<vmem>>
          %dma_wait3A_82 = tpu.memref_squeeze %dma_wait3A_81 : memref<1x125xi32, #tpu.memory_space<vmem>> -> memref<125xi32, #tpu.memory_space<vmem>>
          %dma_wait3A_83 = arith.constant 0 : i32
          %dma_wait3A_84 = arith.constant 0 : i32
          %dma_wait3A_85 = tpu.memref_slice %arg19[%dma_wait3A_83, %dma_wait3A_84] : memref<50048x32xf32, #tpu.memory_space<vmem_shared>> -> memref<50048x32xf32, #tpu.memory_space<vmem_shared>>
          tpu.wait_indirect_dma semaphore(%run_scoped3A : memref<!tpu.dma_semaphore, #tpu.memory_space<semaphore_mem>>) src(%arg14 : memref<125x32xf32, #tpu.memory_space<vmem>>) dst(%dma_wait3A_85 : memref<50048x32xf32, #tpu.memory_space<vmem_shared>>)
          tpu.yield
        }) : () -> ()
      }
      %scan3A_47 = arith.constant 20 : i32
    }
    %scan3A_7 = arith.constant 5 : i32
    %barrier3A_8 = arith.constant 0 : index
    tpu.barrier barrier_id(%barrier3A_8)
    "tpu.region"() ({
      %run_scoped3A = tpu.sem_alloc : memref<!tpu.dma_semaphore, #tpu.memory_space<semaphore_mem>>
      %dma_start3A = arith.constant 0 : i32
      %dma_start3A_33 = tpu.memref_slice %arg9[%arg0, %mul3A_2, %dma_start3A] : memref<2x50048x32xf32, #tpu.memory_space<hbm>> -> memref<1x3128x32xf32, #tpu.memory_space<hbm>>
      %dma_start3A_34 = tpu.memref_squeeze %dma_start3A_33 : memref<1x3128x32xf32, #tpu.memory_space<hbm>> -> memref<3128x32xf32, #tpu.memory_space<hbm>>
      %dma_start3A_35 = arith.constant 0 : i32
      %dma_start3A_36 = tpu.memref_slice %arg19[%mul3A_2, %dma_start3A_35] : memref<50048x32xf32, #tpu.memory_space<vmem_shared>> -> memref<3128x32xf32, #tpu.memory_space<vmem_shared>>
      tpu.enqueue_dma source(%dma_start3A_36 : memref<3128x32xf32, #tpu.memory_space<vmem_shared>>) target(%dma_start3A_34 : memref<3128x32xf32, #tpu.memory_space<hbm>>) target_semaphore(%run_scoped3A : memref<!tpu.dma_semaphore, #tpu.memory_space<semaphore_mem>>)
      %dma_wait3A = arith.constant 0 : i32
      %dma_wait3A_37 = tpu.memref_slice %arg9[%arg0, %mul3A_2, %dma_wait3A] : memref<2x50048x32xf32, #tpu.memory_space<hbm>> -> memref<1x3128x32xf32, #tpu.memory_space<hbm>>
      %dma_wait3A_38 = tpu.memref_squeeze %dma_wait3A_37 : memref<1x3128x32xf32, #tpu.memory_space<hbm>> -> memref<3128x32xf32, #tpu.memory_space<hbm>>
      %dma_wait3A_39 = arith.constant 0 : i32
      %dma_wait3A_40 = tpu.memref_slice %arg19[%mul3A_2, %dma_wait3A_39] : memref<50048x32xf32, #tpu.memory_space<vmem_shared>> -> memref<3128x32xf32, #tpu.memory_space<vmem_shared>>
      tpu.wait_dma2 semaphore(%run_scoped3A : memref<!tpu.dma_semaphore, #tpu.memory_space<semaphore_mem>>) src(%dma_wait3A_40 : memref<3128x32xf32, #tpu.memory_space<vmem_shared>>) dst(%dma_wait3A_38 : memref<3128x32xf32, #tpu.memory_space<hbm>>)
      tpu.yield
    }) : () -> ()
    "tpu.region"() ({
      %run_scoped3A = tpu.sem_alloc : memref<!tpu.dma_semaphore, #tpu.memory_space<semaphore_mem>>
      %dma_start3A = arith.constant 0 : i32
      %dma_start3A_33 = tpu.memref_slice %arg19[%mul3A_2, %dma_start3A] : memref<50048x32xf32, #tpu.memory_space<vmem_shared>> -> memref<3128x32xf32, #tpu.memory_space<vmem_shared>>
      tpu.enqueue_dma source(%arg4 : memref<3128x32xf32, #tpu.memory_space<hbm>>) target(%dma_start3A_33 : memref<3128x32xf32, #tpu.memory_space<vmem_shared>>) target_semaphore(%run_scoped3A : memref<!tpu.dma_semaphore, #tpu.memory_space<semaphore_mem>>)
      %dma_wait3A = arith.constant 0 : i32
      %dma_wait3A_34 = tpu.memref_slice %arg19[%mul3A_2, %dma_wait3A] : memref<50048x32xf32, #tpu.memory_space<vmem_shared>> -> memref<3128x32xf32, #tpu.memory_space<vmem_shared>>
      tpu.wait_dma2 semaphore(%run_scoped3A : memref<!tpu.dma_semaphore, #tpu.memory_space<semaphore_mem>>) src(%arg4 : memref<3128x32xf32, #tpu.memory_space<hbm>>) dst(%dma_wait3A_34 : memref<3128x32xf32, #tpu.memory_space<vmem_shared>>)
      tpu.yield
    }) : () -> ()
    %barrier3A_9 = arith.constant 0 : index
    tpu.barrier barrier_id(%barrier3A_9)
    %scan3A_10 = arith.constant 0 : i32
    %scan3A_11 = arith.constant 0 : i32
    %scan3A_12 = arith.constant 5 : i32
    %scan3A_13 = arith.addi %scan3A_11, %scan3A_12 : i32
    %scan3A_14 = arith.constant 1 : i32
    scf.for %scan3A_33 = %scan3A_11 to %scan3A_13 step %scan3A_14  : i32 {
      %mul3A_34 = arith.constant 40 : i32
      %mul3A_35 = arith.muli %scan3A_33, %mul3A_34 : i32
      "tpu.region"() ({
        %run_scoped3A = tpu.sem_alloc : memref<!tpu.dma_semaphore, #tpu.memory_space<semaphore_mem>>
        %dma_start3A_48 = arith.constant 0 : i32
        %dma_start3A_49 = tpu.memref_slice %arg2[%add3A, %mul3A_35, %dma_start3A_48] : memref<32x200x125xi32, #tpu.memory_space<hbm>> -> memref<1x40x125xi32, #tpu.memory_space<hbm>>
        %dma_start3A_50 = tpu.memref_squeeze %dma_start3A_49 : memref<1x40x125xi32, #tpu.memory_space<hbm>> -> memref<40x125xi32, #tpu.memory_space<hbm>>
        %dma_start3A_51 = arith.constant 0 : i32
        %dma_start3A_52 = tpu.memref_slice %arg2[%add3A, %mul3A_35, %dma_start3A_51] : memref<32x200x125xi32, #tpu.memory_space<hbm>> -> memref<1x40x125xi32, #tpu.memory_space<hbm>>
        %dma_start3A_53 = tpu.memref_squeeze %dma_start3A_52 : memref<1x40x125xi32, #tpu.memory_space<hbm>> -> memref<40x125xi32, #tpu.memory_space<hbm>>
        tpu.enqueue_dma source(%dma_start3A_53 : memref<40x125xi32, #tpu.memory_space<hbm>>) target(%arg15 : memref<40x125xi32, #tpu.memory_space<vmem>>) target_semaphore(%run_scoped3A : memref<!tpu.dma_semaphore, #tpu.memory_space<semaphore_mem>>)
        %dma_wait3A = arith.constant 0 : i32
        %dma_wait3A_54 = tpu.memref_slice %arg2[%add3A, %mul3A_35, %dma_wait3A] : memref<32x200x125xi32, #tpu.memory_space<hbm>> -> memref<1x40x125xi32, #tpu.memory_space<hbm>>
        %dma_wait3A_55 = tpu.memref_squeeze %dma_wait3A_54 : memref<1x40x125xi32, #tpu.memory_space<hbm>> -> memref<40x125xi32, #tpu.memory_space<hbm>>
        %dma_wait3A_56 = arith.constant 0 : i32
        %dma_wait3A_57 = tpu.memref_slice %arg2[%add3A, %mul3A_35, %dma_wait3A_56] : memref<32x200x125xi32, #tpu.memory_space<hbm>> -> memref<1x40x125xi32, #tpu.memory_space<hbm>>
        %dma_wait3A_58 = tpu.memref_squeeze %dma_wait3A_57 : memref<1x40x125xi32, #tpu.memory_space<hbm>> -> memref<40x125xi32, #tpu.memory_space<hbm>>
        tpu.wait_dma2 semaphore(%run_scoped3A : memref<!tpu.dma_semaphore, #tpu.memory_space<semaphore_mem>>) src(%dma_wait3A_58 : memref<40x125xi32, #tpu.memory_space<hbm>>) dst(%arg15 : memref<40x125xi32, #tpu.memory_space<vmem>>)
        tpu.yield
      }) : () -> ()
      "tpu.region"() ({
        %run_scoped3A = tpu.sem_alloc : memref<!tpu.dma_semaphore, #tpu.memory_space<semaphore_mem>>
        %dma_start3A_48 = arith.constant 0 : i32
        %dma_start3A_49 = tpu.memref_slice %arg3[%add3A, %mul3A_35, %dma_start3A_48] : memref<32x200x125xi32, #tpu.memory_space<hbm>> -> memref<1x40x125xi32, #tpu.memory_space<hbm>>
        %dma_start3A_50 = tpu.memref_squeeze %dma_start3A_49 : memref<1x40x125xi32, #tpu.memory_space<hbm>> -> memref<40x125xi32, #tpu.memory_space<hbm>>
        %dma_start3A_51 = arith.constant 0 : i32
        %dma_start3A_52 = tpu.memref_slice %arg3[%add3A, %mul3A_35, %dma_start3A_51] : memref<32x200x125xi32, #tpu.memory_space<hbm>> -> memref<1x40x125xi32, #tpu.memory_space<hbm>>
        %dma_start3A_53 = tpu.memref_squeeze %dma_start3A_52 : memref<1x40x125xi32, #tpu.memory_space<hbm>> -> memref<40x125xi32, #tpu.memory_space<hbm>>
        tpu.enqueue_dma source(%dma_start3A_53 : memref<40x125xi32, #tpu.memory_space<hbm>>) target(%arg16 : memref<40x125xi32, #tpu.memory_space<vmem>>) target_semaphore(%run_scoped3A : memref<!tpu.dma_semaphore, #tpu.memory_space<semaphore_mem>>)
        %dma_wait3A = arith.constant 0 : i32
        %dma_wait3A_54 = tpu.memref_slice %arg3[%add3A, %mul3A_35, %dma_wait3A] : memref<32x200x125xi32, #tpu.memory_space<hbm>> -> memref<1x40x125xi32, #tpu.memory_space<hbm>>
        %dma_wait3A_55 = tpu.memref_squeeze %dma_wait3A_54 : memref<1x40x125xi32, #tpu.memory_space<hbm>> -> memref<40x125xi32, #tpu.memory_space<hbm>>
        %dma_wait3A_56 = arith.constant 0 : i32
        %dma_wait3A_57 = tpu.memref_slice %arg3[%add3A, %mul3A_35, %dma_wait3A_56] : memref<32x200x125xi32, #tpu.memory_space<hbm>> -> memref<1x40x125xi32, #tpu.memory_space<hbm>>
        %dma_wait3A_58 = tpu.memref_squeeze %dma_wait3A_57 : memref<1x40x125xi32, #tpu.memory_space<hbm>> -> memref<40x125xi32, #tpu.memory_space<hbm>>
        tpu.wait_dma2 semaphore(%run_scoped3A : memref<!tpu.dma_semaphore, #tpu.memory_space<semaphore_mem>>) src(%dma_wait3A_58 : memref<40x125xi32, #tpu.memory_space<hbm>>) dst(%arg16 : memref<40x125xi32, #tpu.memory_space<vmem>>)
        tpu.yield
      }) : () -> ()
      %dma_start3A = arith.constant 0 : i32
      %dma_start3A_36 = arith.constant 0 : i32
      %dma_start3A_37 = tpu.memref_slice %arg15[%dma_start3A, %dma_start3A_36] : memref<40x125xi32, #tpu.memory_space<vmem>> -> memref<1x125xi32, #tpu.memory_space<vmem>>
      %dma_start3A_38 = tpu.memref_squeeze %dma_start3A_37 : memref<1x125xi32, #tpu.memory_space<vmem>> -> memref<125xi32, #tpu.memory_space<vmem>>
      %dma_start3A_39 = arith.constant 0 : i32
      %dma_start3A_40 = arith.constant 0 : i32
      %dma_start3A_41 = tpu.memref_slice %arg6[%dma_start3A_39, %dma_start3A_40] : memref<50000x32xf32, #tpu.memory_space<hbm>> -> memref<50000x32xf32, #tpu.memory_space<hbm>>
      tpu.enqueue_indirect_dma source(%dma_start3A_41 : memref<50000x32xf32, #tpu.memory_space<hbm>>) target(%arg13 : memref<125x32xf32, #tpu.memory_space<vmem>>) offsets(%dma_start3A_38 : memref<125xi32, #tpu.memory_space<vmem>>) semaphore(%arg17 : memref<!tpu.dma_semaphore, #tpu.memory_space<semaphore_mem>>)
      %scan3A_42 = arith.constant 0 : i32
      %scan3A_43 = arith.constant 0 : i32
      %scan3A_44 = arith.constant 20 : i32
      %scan3A_45 = arith.addi %scan3A_43, %scan3A_44 : i32
      %scan3A_46 = arith.constant 1 : i32
      scf.for %scan3A_48 = %scan3A_43 to %scan3A_45 step %scan3A_46  : i32 {
        %mul3A_49 = arith.constant 2 : i32
        %mul3A_50 = arith.muli %mul3A_49, %scan3A_48 : i32
        %add3A_51 = arith.constant 1 : i32
        %add3A_52 = arith.addi %mul3A_50, %add3A_51 : i32
        %dma_start3A_53 = arith.constant 0 : i32
        %dma_start3A_54 = tpu.memref_slice %arg15[%add3A_52, %dma_start3A_53] : memref<40x125xi32, #tpu.memory_space<vmem>> -> memref<1x125xi32, #tpu.memory_space<vmem>>
        %dma_start3A_55 = tpu.memref_squeeze %dma_start3A_54 : memref<1x125xi32, #tpu.memory_space<vmem>> -> memref<125xi32, #tpu.memory_space<vmem>>
        %dma_start3A_56 = arith.constant 0 : i32
        %dma_start3A_57 = arith.constant 0 : i32
        %dma_start3A_58 = tpu.memref_slice %arg6[%dma_start3A_56, %dma_start3A_57] : memref<50000x32xf32, #tpu.memory_space<hbm>> -> memref<50000x32xf32, #tpu.memory_space<hbm>>
        tpu.enqueue_indirect_dma source(%dma_start3A_58 : memref<50000x32xf32, #tpu.memory_space<hbm>>) target(%arg14 : memref<125x32xf32, #tpu.memory_space<vmem>>) offsets(%dma_start3A_55 : memref<125xi32, #tpu.memory_space<vmem>>) semaphore(%arg18 : memref<!tpu.dma_semaphore, #tpu.memory_space<semaphore_mem>>)
        %dma_wait3A = arith.constant 0 : i32
        %dma_wait3A_59 = tpu.memref_slice %arg15[%mul3A_50, %dma_wait3A] : memref<40x125xi32, #tpu.memory_space<vmem>> -> memref<1x125xi32, #tpu.memory_space<vmem>>
        %dma_wait3A_60 = tpu.memref_squeeze %dma_wait3A_59 : memref<1x125xi32, #tpu.memory_space<vmem>> -> memref<125xi32, #tpu.memory_space<vmem>>
        %dma_wait3A_61 = arith.constant 0 : i32
        %dma_wait3A_62 = arith.constant 0 : i32
        %dma_wait3A_63 = tpu.memref_slice %arg6[%dma_wait3A_61, %dma_wait3A_62] : memref<50000x32xf32, #tpu.memory_space<hbm>> -> memref<50000x32xf32, #tpu.memory_space<hbm>>
        tpu.wait_indirect_dma semaphore(%arg17 : memref<!tpu.dma_semaphore, #tpu.memory_space<semaphore_mem>>) src(%dma_wait3A_63 : memref<50000x32xf32, #tpu.memory_space<hbm>>) dst(%arg13 : memref<125x32xf32, #tpu.memory_space<vmem>>)
        "tpu.region"() ({
          %run_scoped3A = tpu.sem_alloc : memref<!tpu.dma_semaphore, #tpu.memory_space<semaphore_mem>>
          %dma_start3A_74 = arith.constant 0 : i32
          %dma_start3A_75 = tpu.memref_slice %arg16[%mul3A_50, %dma_start3A_74] : memref<40x125xi32, #tpu.memory_space<vmem>> -> memref<1x125xi32, #tpu.memory_space<vmem>>
          %dma_start3A_76 = tpu.memref_squeeze %dma_start3A_75 : memref<1x125xi32, #tpu.memory_space<vmem>> -> memref<125xi32, #tpu.memory_space<vmem>>
          %dma_start3A_77 = arith.constant 0 : i32
          %dma_start3A_78 = arith.constant 0 : i32
          %dma_start3A_79 = tpu.memref_slice %arg19[%dma_start3A_77, %dma_start3A_78] : memref<50048x32xf32, #tpu.memory_space<vmem_shared>> -> memref<50048x32xf32, #tpu.memory_space<vmem_shared>>
          tpu.enqueue_indirect_dma source(%arg13 : memref<125x32xf32, #tpu.memory_space<vmem>>) target(%dma_start3A_79 : memref<50048x32xf32, #tpu.memory_space<vmem_shared>>) offsets(%dma_start3A_76 : memref<125xi32, #tpu.memory_space<vmem>>) semaphore(%run_scoped3A : memref<!tpu.dma_semaphore, #tpu.memory_space<semaphore_mem>>) {add = true}
          %dma_wait3A_80 = arith.constant 0 : i32
          %dma_wait3A_81 = tpu.memref_slice %arg16[%mul3A_50, %dma_wait3A_80] : memref<40x125xi32, #tpu.memory_space<vmem>> -> memref<1x125xi32, #tpu.memory_space<vmem>>
          %dma_wait3A_82 = tpu.memref_squeeze %dma_wait3A_81 : memref<1x125xi32, #tpu.memory_space<vmem>> -> memref<125xi32, #tpu.memory_space<vmem>>
          %dma_wait3A_83 = arith.constant 0 : i32
          %dma_wait3A_84 = arith.constant 0 : i32
          %dma_wait3A_85 = tpu.memref_slice %arg19[%dma_wait3A_83, %dma_wait3A_84] : memref<50048x32xf32, #tpu.memory_space<vmem_shared>> -> memref<50048x32xf32, #tpu.memory_space<vmem_shared>>
          tpu.wait_indirect_dma semaphore(%run_scoped3A : memref<!tpu.dma_semaphore, #tpu.memory_space<semaphore_mem>>) src(%arg13 : memref<125x32xf32, #tpu.memory_space<vmem>>) dst(%dma_wait3A_85 : memref<50048x32xf32, #tpu.memory_space<vmem_shared>>)
          tpu.yield
        }) : () -> ()
        %add3A_64 = arith.constant 2 : i32
        %add3A_65 = arith.addi %mul3A_50, %add3A_64 : i32
        %lt3A = arith.constant 40 : i32
        %lt3A_66 = arith.cmpi slt, %add3A_65, %lt3A : i32
        %convert_element_type3A = arith.extui %lt3A_66 : i1 to i32
        %cond3A = arith.constant 0 : i32
        %cond3A_67 = arith.cmpi ne, %convert_element_type3A, %cond3A : i32
        scf.if %cond3A_67 {
          %add3A_74 = arith.constant 2 : i32
          %add3A_75 = arith.addi %mul3A_50, %add3A_74 : i32
          %dma_start3A_76 = arith.constant 0 : i32
          %dma_start3A_77 = tpu.memref_slice %arg15[%add3A_75, %dma_start3A_76] : memref<40x125xi32, #tpu.memory_space<vmem>> -> memref<1x125xi32, #tpu.memory_space<vmem>>
          %dma_start3A_78 = tpu.memref_squeeze %dma_start3A_77 : memref<1x125xi32, #tpu.memory_space<vmem>> -> memref<125xi32, #tpu.memory_space<vmem>>
          %dma_start3A_79 = arith.constant 0 : i32
          %dma_start3A_80 = arith.constant 0 : i32
          %dma_start3A_81 = tpu.memref_slice %arg6[%dma_start3A_79, %dma_start3A_80] : memref<50000x32xf32, #tpu.memory_space<hbm>> -> memref<50000x32xf32, #tpu.memory_space<hbm>>
          tpu.enqueue_indirect_dma source(%dma_start3A_81 : memref<50000x32xf32, #tpu.memory_space<hbm>>) target(%arg13 : memref<125x32xf32, #tpu.memory_space<vmem>>) offsets(%dma_start3A_78 : memref<125xi32, #tpu.memory_space<vmem>>) semaphore(%arg17 : memref<!tpu.dma_semaphore, #tpu.memory_space<semaphore_mem>>)
        } else {
        }
        %dma_wait3A_68 = arith.constant 0 : i32
        %dma_wait3A_69 = tpu.memref_slice %arg15[%add3A_52, %dma_wait3A_68] : memref<40x125xi32, #tpu.memory_space<vmem>> -> memref<1x125xi32, #tpu.memory_space<vmem>>
        %dma_wait3A_70 = tpu.memref_squeeze %dma_wait3A_69 : memref<1x125xi32, #tpu.memory_space<vmem>> -> memref<125xi32, #tpu.memory_space<vmem>>
        %dma_wait3A_71 = arith.constant 0 : i32
        %dma_wait3A_72 = arith.constant 0 : i32
        %dma_wait3A_73 = tpu.memref_slice %arg6[%dma_wait3A_71, %dma_wait3A_72] : memref<50000x32xf32, #tpu.memory_space<hbm>> -> memref<50000x32xf32, #tpu.memory_space<hbm>>
        tpu.wait_indirect_dma semaphore(%arg18 : memref<!tpu.dma_semaphore, #tpu.memory_space<semaphore_mem>>) src(%dma_wait3A_73 : memref<50000x32xf32, #tpu.memory_space<hbm>>) dst(%arg14 : memref<125x32xf32, #tpu.memory_space<vmem>>)
        "tpu.region"() ({
          %run_scoped3A = tpu.sem_alloc : memref<!tpu.dma_semaphore, #tpu.memory_space<semaphore_mem>>
          %dma_start3A_74 = arith.constant 0 : i32
          %dma_start3A_75 = tpu.memref_slice %arg16[%add3A_52, %dma_start3A_74] : memref<40x125xi32, #tpu.memory_space<vmem>> -> memref<1x125xi32, #tpu.memory_space<vmem>>
          %dma_start3A_76 = tpu.memref_squeeze %dma_start3A_75 : memref<1x125xi32, #tpu.memory_space<vmem>> -> memref<125xi32, #tpu.memory_space<vmem>>
          %dma_start3A_77 = arith.constant 0 : i32
          %dma_start3A_78 = arith.constant 0 : i32
          %dma_start3A_79 = tpu.memref_slice %arg19[%dma_start3A_77, %dma_start3A_78] : memref<50048x32xf32, #tpu.memory_space<vmem_shared>> -> memref<50048x32xf32, #tpu.memory_space<vmem_shared>>
          tpu.enqueue_indirect_dma source(%arg14 : memref<125x32xf32, #tpu.memory_space<vmem>>) target(%dma_start3A_79 : memref<50048x32xf32, #tpu.memory_space<vmem_shared>>) offsets(%dma_start3A_76 : memref<125xi32, #tpu.memory_space<vmem>>) semaphore(%run_scoped3A : memref<!tpu.dma_semaphore, #tpu.memory_space<semaphore_mem>>) {add = true}
          %dma_wait3A_80 = arith.constant 0 : i32
          %dma_wait3A_81 = tpu.memref_slice %arg16[%add3A_52, %dma_wait3A_80] : memref<40x125xi32, #tpu.memory_space<vmem>> -> memref<1x125xi32, #tpu.memory_space<vmem>>
          %dma_wait3A_82 = tpu.memref_squeeze %dma_wait3A_81 : memref<1x125xi32, #tpu.memory_space<vmem>> -> memref<125xi32, #tpu.memory_space<vmem>>
          %dma_wait3A_83 = arith.constant 0 : i32
          %dma_wait3A_84 = arith.constant 0 : i32
          %dma_wait3A_85 = tpu.memref_slice %arg19[%dma_wait3A_83, %dma_wait3A_84] : memref<50048x32xf32, #tpu.memory_space<vmem_shared>> -> memref<50048x32xf32, #tpu.memory_space<vmem_shared>>
          tpu.wait_indirect_dma semaphore(%run_scoped3A : memref<!tpu.dma_semaphore, #tpu.memory_space<semaphore_mem>>) src(%arg14 : memref<125x32xf32, #tpu.memory_space<vmem>>) dst(%dma_wait3A_85 : memref<50048x32xf32, #tpu.memory_space<vmem_shared>>)
          tpu.yield
        }) : () -> ()
      }
      %scan3A_47 = arith.constant 20 : i32
    }
    %scan3A_15 = arith.constant 5 : i32
    %barrier3A_16 = arith.constant 0 : index
    tpu.barrier barrier_id(%barrier3A_16)
    "tpu.region"() ({
      %run_scoped3A = tpu.sem_alloc : memref<!tpu.dma_semaphore, #tpu.memory_space<semaphore_mem>>
      %dma_start3A = arith.constant 0 : i32
      %dma_start3A_33 = tpu.memref_slice %arg10[%arg0, %mul3A_2, %dma_start3A] : memref<2x50048x32xf32, #tpu.memory_space<hbm>> -> memref<1x3128x32xf32, #tpu.memory_space<hbm>>
      %dma_start3A_34 = tpu.memref_squeeze %dma_start3A_33 : memref<1x3128x32xf32, #tpu.memory_space<hbm>> -> memref<3128x32xf32, #tpu.memory_space<hbm>>
      %dma_start3A_35 = arith.constant 0 : i32
      %dma_start3A_36 = tpu.memref_slice %arg19[%mul3A_2, %dma_start3A_35] : memref<50048x32xf32, #tpu.memory_space<vmem_shared>> -> memref<3128x32xf32, #tpu.memory_space<vmem_shared>>
      tpu.enqueue_dma source(%dma_start3A_36 : memref<3128x32xf32, #tpu.memory_space<vmem_shared>>) target(%dma_start3A_34 : memref<3128x32xf32, #tpu.memory_space<hbm>>) target_semaphore(%run_scoped3A : memref<!tpu.dma_semaphore, #tpu.memory_space<semaphore_mem>>)
      %dma_wait3A = arith.constant 0 : i32
      %dma_wait3A_37 = tpu.memref_slice %arg10[%arg0, %mul3A_2, %dma_wait3A] : memref<2x50048x32xf32, #tpu.memory_space<hbm>> -> memref<1x3128x32xf32, #tpu.memory_space<hbm>>
      %dma_wait3A_38 = tpu.memref_squeeze %dma_wait3A_37 : memref<1x3128x32xf32, #tpu.memory_space<hbm>> -> memref<3128x32xf32, #tpu.memory_space<hbm>>
      %dma_wait3A_39 = arith.constant 0 : i32
      %dma_wait3A_40 = tpu.memref_slice %arg19[%mul3A_2, %dma_wait3A_39] : memref<50048x32xf32, #tpu.memory_space<vmem_shared>> -> memref<3128x32xf32, #tpu.memory_space<vmem_shared>>
      tpu.wait_dma2 semaphore(%run_scoped3A : memref<!tpu.dma_semaphore, #tpu.memory_space<semaphore_mem>>) src(%dma_wait3A_40 : memref<3128x32xf32, #tpu.memory_space<vmem_shared>>) dst(%dma_wait3A_38 : memref<3128x32xf32, #tpu.memory_space<hbm>>)
      tpu.yield
    }) : () -> ()
    "tpu.region"() ({
      %run_scoped3A = tpu.sem_alloc : memref<!tpu.dma_semaphore, #tpu.memory_space<semaphore_mem>>
      %dma_start3A = arith.constant 0 : i32
      %dma_start3A_33 = tpu.memref_slice %arg19[%mul3A_2, %dma_start3A] : memref<50048x32xf32, #tpu.memory_space<vmem_shared>> -> memref<3128x32xf32, #tpu.memory_space<vmem_shared>>
      tpu.enqueue_dma source(%arg4 : memref<3128x32xf32, #tpu.memory_space<hbm>>) target(%dma_start3A_33 : memref<3128x32xf32, #tpu.memory_space<vmem_shared>>) target_semaphore(%run_scoped3A : memref<!tpu.dma_semaphore, #tpu.memory_space<semaphore_mem>>)
      %dma_wait3A = arith.constant 0 : i32
      %dma_wait3A_34 = tpu.memref_slice %arg19[%mul3A_2, %dma_wait3A] : memref<50048x32xf32, #tpu.memory_space<vmem_shared>> -> memref<3128x32xf32, #tpu.memory_space<vmem_shared>>
      tpu.wait_dma2 semaphore(%run_scoped3A : memref<!tpu.dma_semaphore, #tpu.memory_space<semaphore_mem>>) src(%arg4 : memref<3128x32xf32, #tpu.memory_space<hbm>>) dst(%dma_wait3A_34 : memref<3128x32xf32, #tpu.memory_space<vmem_shared>>)
      tpu.yield
    }) : () -> ()
    %barrier3A_17 = arith.constant 0 : index
    tpu.barrier barrier_id(%barrier3A_17)
    %scan3A_18 = arith.constant 0 : i32
    %scan3A_19 = arith.constant 0 : i32
    %scan3A_20 = arith.constant 5 : i32
    %scan3A_21 = arith.addi %scan3A_19, %scan3A_20 : i32
    %scan3A_22 = arith.constant 1 : i32
    scf.for %scan3A_33 = %scan3A_19 to %scan3A_21 step %scan3A_22  : i32 {
      %mul3A_34 = arith.constant 40 : i32
      %mul3A_35 = arith.muli %scan3A_33, %mul3A_34 : i32
      "tpu.region"() ({
        %run_scoped3A = tpu.sem_alloc : memref<!tpu.dma_semaphore, #tpu.memory_space<semaphore_mem>>
        %dma_start3A_48 = arith.constant 0 : i32
        %dma_start3A_49 = tpu.memref_slice %arg2[%add3A, %mul3A_35, %dma_start3A_48] : memref<32x200x125xi32, #tpu.memory_space<hbm>> -> memref<1x40x125xi32, #tpu.memory_space<hbm>>
        %dma_start3A_50 = tpu.memref_squeeze %dma_start3A_49 : memref<1x40x125xi32, #tpu.memory_space<hbm>> -> memref<40x125xi32, #tpu.memory_space<hbm>>
        %dma_start3A_51 = arith.constant 0 : i32
        %dma_start3A_52 = tpu.memref_slice %arg2[%add3A, %mul3A_35, %dma_start3A_51] : memref<32x200x125xi32, #tpu.memory_space<hbm>> -> memref<1x40x125xi32, #tpu.memory_space<hbm>>
        %dma_start3A_53 = tpu.memref_squeeze %dma_start3A_52 : memref<1x40x125xi32, #tpu.memory_space<hbm>> -> memref<40x125xi32, #tpu.memory_space<hbm>>
        tpu.enqueue_dma source(%dma_start3A_53 : memref<40x125xi32, #tpu.memory_space<hbm>>) target(%arg15 : memref<40x125xi32, #tpu.memory_space<vmem>>) target_semaphore(%run_scoped3A : memref<!tpu.dma_semaphore, #tpu.memory_space<semaphore_mem>>)
        %dma_wait3A = arith.constant 0 : i32
        %dma_wait3A_54 = tpu.memref_slice %arg2[%add3A, %mul3A_35, %dma_wait3A] : memref<32x200x125xi32, #tpu.memory_space<hbm>> -> memref<1x40x125xi32, #tpu.memory_space<hbm>>
        %dma_wait3A_55 = tpu.memref_squeeze %dma_wait3A_54 : memref<1x40x125xi32, #tpu.memory_space<hbm>> -> memref<40x125xi32, #tpu.memory_space<hbm>>
        %dma_wait3A_56 = arith.constant 0 : i32
        %dma_wait3A_57 = tpu.memref_slice %arg2[%add3A, %mul3A_35, %dma_wait3A_56] : memref<32x200x125xi32, #tpu.memory_space<hbm>> -> memref<1x40x125xi32, #tpu.memory_space<hbm>>
        %dma_wait3A_58 = tpu.memref_squeeze %dma_wait3A_57 : memref<1x40x125xi32, #tpu.memory_space<hbm>> -> memref<40x125xi32, #tpu.memory_space<hbm>>
        tpu.wait_dma2 semaphore(%run_scoped3A : memref<!tpu.dma_semaphore, #tpu.memory_space<semaphore_mem>>) src(%dma_wait3A_58 : memref<40x125xi32, #tpu.memory_space<hbm>>) dst(%arg15 : memref<40x125xi32, #tpu.memory_space<vmem>>)
        tpu.yield
      }) : () -> ()
      "tpu.region"() ({
        %run_scoped3A = tpu.sem_alloc : memref<!tpu.dma_semaphore, #tpu.memory_space<semaphore_mem>>
        %dma_start3A_48 = arith.constant 0 : i32
        %dma_start3A_49 = tpu.memref_slice %arg3[%add3A, %mul3A_35, %dma_start3A_48] : memref<32x200x125xi32, #tpu.memory_space<hbm>> -> memref<1x40x125xi32, #tpu.memory_space<hbm>>
        %dma_start3A_50 = tpu.memref_squeeze %dma_start3A_49 : memref<1x40x125xi32, #tpu.memory_space<hbm>> -> memref<40x125xi32, #tpu.memory_space<hbm>>
        %dma_start3A_51 = arith.constant 0 : i32
        %dma_start3A_52 = tpu.memref_slice %arg3[%add3A, %mul3A_35, %dma_start3A_51] : memref<32x200x125xi32, #tpu.memory_space<hbm>> -> memref<1x40x125xi32, #tpu.memory_space<hbm>>
        %dma_start3A_53 = tpu.memref_squeeze %dma_start3A_52 : memref<1x40x125xi32, #tpu.memory_space<hbm>> -> memref<40x125xi32, #tpu.memory_space<hbm>>
        tpu.enqueue_dma source(%dma_start3A_53 : memref<40x125xi32, #tpu.memory_space<hbm>>) target(%arg16 : memref<40x125xi32, #tpu.memory_space<vmem>>) target_semaphore(%run_scoped3A : memref<!tpu.dma_semaphore, #tpu.memory_space<semaphore_mem>>)
        %dma_wait3A = arith.constant 0 : i32
        %dma_wait3A_54 = tpu.memref_slice %arg3[%add3A, %mul3A_35, %dma_wait3A] : memref<32x200x125xi32, #tpu.memory_space<hbm>> -> memref<1x40x125xi32, #tpu.memory_space<hbm>>
        %dma_wait3A_55 = tpu.memref_squeeze %dma_wait3A_54 : memref<1x40x125xi32, #tpu.memory_space<hbm>> -> memref<40x125xi32, #tpu.memory_space<hbm>>
        %dma_wait3A_56 = arith.constant 0 : i32
        %dma_wait3A_57 = tpu.memref_slice %arg3[%add3A, %mul3A_35, %dma_wait3A_56] : memref<32x200x125xi32, #tpu.memory_space<hbm>> -> memref<1x40x125xi32, #tpu.memory_space<hbm>>
        %dma_wait3A_58 = tpu.memref_squeeze %dma_wait3A_57 : memref<1x40x125xi32, #tpu.memory_space<hbm>> -> memref<40x125xi32, #tpu.memory_space<hbm>>
        tpu.wait_dma2 semaphore(%run_scoped3A : memref<!tpu.dma_semaphore, #tpu.memory_space<semaphore_mem>>) src(%dma_wait3A_58 : memref<40x125xi32, #tpu.memory_space<hbm>>) dst(%arg16 : memref<40x125xi32, #tpu.memory_space<vmem>>)
        tpu.yield
      }) : () -> ()
      %dma_start3A = arith.constant 0 : i32
      %dma_start3A_36 = arith.constant 0 : i32
      %dma_start3A_37 = tpu.memref_slice %arg15[%dma_start3A, %dma_start3A_36] : memref<40x125xi32, #tpu.memory_space<vmem>> -> memref<1x125xi32, #tpu.memory_space<vmem>>
      %dma_start3A_38 = tpu.memref_squeeze %dma_start3A_37 : memref<1x125xi32, #tpu.memory_space<vmem>> -> memref<125xi32, #tpu.memory_space<vmem>>
      %dma_start3A_39 = arith.constant 0 : i32
      %dma_start3A_40 = arith.constant 0 : i32
      %dma_start3A_41 = tpu.memref_slice %arg7[%dma_start3A_39, %dma_start3A_40] : memref<50000x32xf32, #tpu.memory_space<hbm>> -> memref<50000x32xf32, #tpu.memory_space<hbm>>
      tpu.enqueue_indirect_dma source(%dma_start3A_41 : memref<50000x32xf32, #tpu.memory_space<hbm>>) target(%arg13 : memref<125x32xf32, #tpu.memory_space<vmem>>) offsets(%dma_start3A_38 : memref<125xi32, #tpu.memory_space<vmem>>) semaphore(%arg17 : memref<!tpu.dma_semaphore, #tpu.memory_space<semaphore_mem>>)
      %scan3A_42 = arith.constant 0 : i32
      %scan3A_43 = arith.constant 0 : i32
      %scan3A_44 = arith.constant 20 : i32
      %scan3A_45 = arith.addi %scan3A_43, %scan3A_44 : i32
      %scan3A_46 = arith.constant 1 : i32
      scf.for %scan3A_48 = %scan3A_43 to %scan3A_45 step %scan3A_46  : i32 {
        %mul3A_49 = arith.constant 2 : i32
        %mul3A_50 = arith.muli %mul3A_49, %scan3A_48 : i32
        %add3A_51 = arith.constant 1 : i32
        %add3A_52 = arith.addi %mul3A_50, %add3A_51 : i32
        %dma_start3A_53 = arith.constant 0 : i32
        %dma_start3A_54 = tpu.memref_slice %arg15[%add3A_52, %dma_start3A_53] : memref<40x125xi32, #tpu.memory_space<vmem>> -> memref<1x125xi32, #tpu.memory_space<vmem>>
        %dma_start3A_55 = tpu.memref_squeeze %dma_start3A_54 : memref<1x125xi32, #tpu.memory_space<vmem>> -> memref<125xi32, #tpu.memory_space<vmem>>
        %dma_start3A_56 = arith.constant 0 : i32
        %dma_start3A_57 = arith.constant 0 : i32
        %dma_start3A_58 = tpu.memref_slice %arg7[%dma_start3A_56, %dma_start3A_57] : memref<50000x32xf32, #tpu.memory_space<hbm>> -> memref<50000x32xf32, #tpu.memory_space<hbm>>
        tpu.enqueue_indirect_dma source(%dma_start3A_58 : memref<50000x32xf32, #tpu.memory_space<hbm>>) target(%arg14 : memref<125x32xf32, #tpu.memory_space<vmem>>) offsets(%dma_start3A_55 : memref<125xi32, #tpu.memory_space<vmem>>) semaphore(%arg18 : memref<!tpu.dma_semaphore, #tpu.memory_space<semaphore_mem>>)
        %dma_wait3A = arith.constant 0 : i32
        %dma_wait3A_59 = tpu.memref_slice %arg15[%mul3A_50, %dma_wait3A] : memref<40x125xi32, #tpu.memory_space<vmem>> -> memref<1x125xi32, #tpu.memory_space<vmem>>
        %dma_wait3A_60 = tpu.memref_squeeze %dma_wait3A_59 : memref<1x125xi32, #tpu.memory_space<vmem>> -> memref<125xi32, #tpu.memory_space<vmem>>
        %dma_wait3A_61 = arith.constant 0 : i32
        %dma_wait3A_62 = arith.constant 0 : i32
        %dma_wait3A_63 = tpu.memref_slice %arg7[%dma_wait3A_61, %dma_wait3A_62] : memref<50000x32xf32, #tpu.memory_space<hbm>> -> memref<50000x32xf32, #tpu.memory_space<hbm>>
        tpu.wait_indirect_dma semaphore(%arg17 : memref<!tpu.dma_semaphore, #tpu.memory_space<semaphore_mem>>) src(%dma_wait3A_63 : memref<50000x32xf32, #tpu.memory_space<hbm>>) dst(%arg13 : memref<125x32xf32, #tpu.memory_space<vmem>>)
        "tpu.region"() ({
          %run_scoped3A = tpu.sem_alloc : memref<!tpu.dma_semaphore, #tpu.memory_space<semaphore_mem>>
          %dma_start3A_74 = arith.constant 0 : i32
          %dma_start3A_75 = tpu.memref_slice %arg16[%mul3A_50, %dma_start3A_74] : memref<40x125xi32, #tpu.memory_space<vmem>> -> memref<1x125xi32, #tpu.memory_space<vmem>>
          %dma_start3A_76 = tpu.memref_squeeze %dma_start3A_75 : memref<1x125xi32, #tpu.memory_space<vmem>> -> memref<125xi32, #tpu.memory_space<vmem>>
          %dma_start3A_77 = arith.constant 0 : i32
          %dma_start3A_78 = arith.constant 0 : i32
          %dma_start3A_79 = tpu.memref_slice %arg19[%dma_start3A_77, %dma_start3A_78] : memref<50048x32xf32, #tpu.memory_space<vmem_shared>> -> memref<50048x32xf32, #tpu.memory_space<vmem_shared>>
          tpu.enqueue_indirect_dma source(%arg13 : memref<125x32xf32, #tpu.memory_space<vmem>>) target(%dma_start3A_79 : memref<50048x32xf32, #tpu.memory_space<vmem_shared>>) offsets(%dma_start3A_76 : memref<125xi32, #tpu.memory_space<vmem>>) semaphore(%run_scoped3A : memref<!tpu.dma_semaphore, #tpu.memory_space<semaphore_mem>>) {add = true}
          %dma_wait3A_80 = arith.constant 0 : i32
          %dma_wait3A_81 = tpu.memref_slice %arg16[%mul3A_50, %dma_wait3A_80] : memref<40x125xi32, #tpu.memory_space<vmem>> -> memref<1x125xi32, #tpu.memory_space<vmem>>
          %dma_wait3A_82 = tpu.memref_squeeze %dma_wait3A_81 : memref<1x125xi32, #tpu.memory_space<vmem>> -> memref<125xi32, #tpu.memory_space<vmem>>
          %dma_wait3A_83 = arith.constant 0 : i32
          %dma_wait3A_84 = arith.constant 0 : i32
          %dma_wait3A_85 = tpu.memref_slice %arg19[%dma_wait3A_83, %dma_wait3A_84] : memref<50048x32xf32, #tpu.memory_space<vmem_shared>> -> memref<50048x32xf32, #tpu.memory_space<vmem_shared>>
          tpu.wait_indirect_dma semaphore(%run_scoped3A : memref<!tpu.dma_semaphore, #tpu.memory_space<semaphore_mem>>) src(%arg13 : memref<125x32xf32, #tpu.memory_space<vmem>>) dst(%dma_wait3A_85 : memref<50048x32xf32, #tpu.memory_space<vmem_shared>>)
          tpu.yield
        }) : () -> ()
        %add3A_64 = arith.constant 2 : i32
        %add3A_65 = arith.addi %mul3A_50, %add3A_64 : i32
        %lt3A = arith.constant 40 : i32
        %lt3A_66 = arith.cmpi slt, %add3A_65, %lt3A : i32
        %convert_element_type3A = arith.extui %lt3A_66 : i1 to i32
        %cond3A = arith.constant 0 : i32
        %cond3A_67 = arith.cmpi ne, %convert_element_type3A, %cond3A : i32
        scf.if %cond3A_67 {
          %add3A_74 = arith.constant 2 : i32
          %add3A_75 = arith.addi %mul3A_50, %add3A_74 : i32
          %dma_start3A_76 = arith.constant 0 : i32
          %dma_start3A_77 = tpu.memref_slice %arg15[%add3A_75, %dma_start3A_76] : memref<40x125xi32, #tpu.memory_space<vmem>> -> memref<1x125xi32, #tpu.memory_space<vmem>>
          %dma_start3A_78 = tpu.memref_squeeze %dma_start3A_77 : memref<1x125xi32, #tpu.memory_space<vmem>> -> memref<125xi32, #tpu.memory_space<vmem>>
          %dma_start3A_79 = arith.constant 0 : i32
          %dma_start3A_80 = arith.constant 0 : i32
          %dma_start3A_81 = tpu.memref_slice %arg7[%dma_start3A_79, %dma_start3A_80] : memref<50000x32xf32, #tpu.memory_space<hbm>> -> memref<50000x32xf32, #tpu.memory_space<hbm>>
          tpu.enqueue_indirect_dma source(%dma_start3A_81 : memref<50000x32xf32, #tpu.memory_space<hbm>>) target(%arg13 : memref<125x32xf32, #tpu.memory_space<vmem>>) offsets(%dma_start3A_78 : memref<125xi32, #tpu.memory_space<vmem>>) semaphore(%arg17 : memref<!tpu.dma_semaphore, #tpu.memory_space<semaphore_mem>>)
        } else {
        }
        %dma_wait3A_68 = arith.constant 0 : i32
        %dma_wait3A_69 = tpu.memref_slice %arg15[%add3A_52, %dma_wait3A_68] : memref<40x125xi32, #tpu.memory_space<vmem>> -> memref<1x125xi32, #tpu.memory_space<vmem>>
        %dma_wait3A_70 = tpu.memref_squeeze %dma_wait3A_69 : memref<1x125xi32, #tpu.memory_space<vmem>> -> memref<125xi32, #tpu.memory_space<vmem>>
        %dma_wait3A_71 = arith.constant 0 : i32
        %dma_wait3A_72 = arith.constant 0 : i32
        %dma_wait3A_73 = tpu.memref_slice %arg7[%dma_wait3A_71, %dma_wait3A_72] : memref<50000x32xf32, #tpu.memory_space<hbm>> -> memref<50000x32xf32, #tpu.memory_space<hbm>>
        tpu.wait_indirect_dma semaphore(%arg18 : memref<!tpu.dma_semaphore, #tpu.memory_space<semaphore_mem>>) src(%dma_wait3A_73 : memref<50000x32xf32, #tpu.memory_space<hbm>>) dst(%arg14 : memref<125x32xf32, #tpu.memory_space<vmem>>)
        "tpu.region"() ({
          %run_scoped3A = tpu.sem_alloc : memref<!tpu.dma_semaphore, #tpu.memory_space<semaphore_mem>>
          %dma_start3A_74 = arith.constant 0 : i32
          %dma_start3A_75 = tpu.memref_slice %arg16[%add3A_52, %dma_start3A_74] : memref<40x125xi32, #tpu.memory_space<vmem>> -> memref<1x125xi32, #tpu.memory_space<vmem>>
          %dma_start3A_76 = tpu.memref_squeeze %dma_start3A_75 : memref<1x125xi32, #tpu.memory_space<vmem>> -> memref<125xi32, #tpu.memory_space<vmem>>
          %dma_start3A_77 = arith.constant 0 : i32
          %dma_start3A_78 = arith.constant 0 : i32
          %dma_start3A_79 = tpu.memref_slice %arg19[%dma_start3A_77, %dma_start3A_78] : memref<50048x32xf32, #tpu.memory_space<vmem_shared>> -> memref<50048x32xf32, #tpu.memory_space<vmem_shared>>
          tpu.enqueue_indirect_dma source(%arg14 : memref<125x32xf32, #tpu.memory_space<vmem>>) target(%dma_start3A_79 : memref<50048x32xf32, #tpu.memory_space<vmem_shared>>) offsets(%dma_start3A_76 : memref<125xi32, #tpu.memory_space<vmem>>) semaphore(%run_scoped3A : memref<!tpu.dma_semaphore, #tpu.memory_space<semaphore_mem>>) {add = true}
          %dma_wait3A_80 = arith.constant 0 : i32
          %dma_wait3A_81 = tpu.memref_slice %arg16[%add3A_52, %dma_wait3A_80] : memref<40x125xi32, #tpu.memory_space<vmem>> -> memref<1x125xi32, #tpu.memory_space<vmem>>
          %dma_wait3A_82 = tpu.memref_squeeze %dma_wait3A_81 : memref<1x125xi32, #tpu.memory_space<vmem>> -> memref<125xi32, #tpu.memory_space<vmem>>
          %dma_wait3A_83 = arith.constant 0 : i32
          %dma_wait3A_84 = arith.constant 0 : i32
          %dma_wait3A_85 = tpu.memref_slice %arg19[%dma_wait3A_83, %dma_wait3A_84] : memref<50048x32xf32, #tpu.memory_space<vmem_shared>> -> memref<50048x32xf32, #tpu.memory_space<vmem_shared>>
          tpu.wait_indirect_dma semaphore(%run_scoped3A : memref<!tpu.dma_semaphore, #tpu.memory_space<semaphore_mem>>) src(%arg14 : memref<125x32xf32, #tpu.memory_space<vmem>>) dst(%dma_wait3A_85 : memref<50048x32xf32, #tpu.memory_space<vmem_shared>>)
          tpu.yield
        }) : () -> ()
      }
      %scan3A_47 = arith.constant 20 : i32
    }
    %scan3A_23 = arith.constant 5 : i32
    %barrier3A_24 = arith.constant 0 : index
    tpu.barrier barrier_id(%barrier3A_24)
    "tpu.region"() ({
      %run_scoped3A = tpu.sem_alloc : memref<!tpu.dma_semaphore, #tpu.memory_space<semaphore_mem>>
      %dma_start3A = arith.constant 0 : i32
      %dma_start3A_33 = tpu.memref_slice %arg11[%arg0, %mul3A_2, %dma_start3A] : memref<2x50048x32xf32, #tpu.memory_space<hbm>> -> memref<1x3128x32xf32, #tpu.memory_space<hbm>>
      %dma_start3A_34 = tpu.memref_squeeze %dma_start3A_33 : memref<1x3128x32xf32, #tpu.memory_space<hbm>> -> memref<3128x32xf32, #tpu.memory_space<hbm>>
      %dma_start3A_35 = arith.constant 0 : i32
      %dma_start3A_36 = tpu.memref_slice %arg19[%mul3A_2, %dma_start3A_35] : memref<50048x32xf32, #tpu.memory_space<vmem_shared>> -> memref<3128x32xf32, #tpu.memory_space<vmem_shared>>
      tpu.enqueue_dma source(%dma_start3A_36 : memref<3128x32xf32, #tpu.memory_space<vmem_shared>>) target(%dma_start3A_34 : memref<3128x32xf32, #tpu.memory_space<hbm>>) target_semaphore(%run_scoped3A : memref<!tpu.dma_semaphore, #tpu.memory_space<semaphore_mem>>)
      %dma_wait3A = arith.constant 0 : i32
      %dma_wait3A_37 = tpu.memref_slice %arg11[%arg0, %mul3A_2, %dma_wait3A] : memref<2x50048x32xf32, #tpu.memory_space<hbm>> -> memref<1x3128x32xf32, #tpu.memory_space<hbm>>
      %dma_wait3A_38 = tpu.memref_squeeze %dma_wait3A_37 : memref<1x3128x32xf32, #tpu.memory_space<hbm>> -> memref<3128x32xf32, #tpu.memory_space<hbm>>
      %dma_wait3A_39 = arith.constant 0 : i32
      %dma_wait3A_40 = tpu.memref_slice %arg19[%mul3A_2, %dma_wait3A_39] : memref<50048x32xf32, #tpu.memory_space<vmem_shared>> -> memref<3128x32xf32, #tpu.memory_space<vmem_shared>>
      tpu.wait_dma2 semaphore(%run_scoped3A : memref<!tpu.dma_semaphore, #tpu.memory_space<semaphore_mem>>) src(%dma_wait3A_40 : memref<3128x32xf32, #tpu.memory_space<vmem_shared>>) dst(%dma_wait3A_38 : memref<3128x32xf32, #tpu.memory_space<hbm>>)
      tpu.yield
    }) : () -> ()
    "tpu.region"() ({
      %run_scoped3A = tpu.sem_alloc : memref<!tpu.dma_semaphore, #tpu.memory_space<semaphore_mem>>
      %dma_start3A = arith.constant 0 : i32
      %dma_start3A_33 = tpu.memref_slice %arg19[%mul3A_2, %dma_start3A] : memref<50048x32xf32, #tpu.memory_space<vmem_shared>> -> memref<3128x32xf32, #tpu.memory_space<vmem_shared>>
      tpu.enqueue_dma source(%arg4 : memref<3128x32xf32, #tpu.memory_space<hbm>>) target(%dma_start3A_33 : memref<3128x32xf32, #tpu.memory_space<vmem_shared>>) target_semaphore(%run_scoped3A : memref<!tpu.dma_semaphore, #tpu.memory_space<semaphore_mem>>)
      %dma_wait3A = arith.constant 0 : i32
      %dma_wait3A_34 = tpu.memref_slice %arg19[%mul3A_2, %dma_wait3A] : memref<50048x32xf32, #tpu.memory_space<vmem_shared>> -> memref<3128x32xf32, #tpu.memory_space<vmem_shared>>
      tpu.wait_dma2 semaphore(%run_scoped3A : memref<!tpu.dma_semaphore, #tpu.memory_space<semaphore_mem>>) src(%arg4 : memref<3128x32xf32, #tpu.memory_space<hbm>>) dst(%dma_wait3A_34 : memref<3128x32xf32, #tpu.memory_space<vmem_shared>>)
      tpu.yield
    }) : () -> ()
    %barrier3A_25 = arith.constant 0 : index
    tpu.barrier barrier_id(%barrier3A_25)
    %scan3A_26 = arith.constant 0 : i32
    %scan3A_27 = arith.constant 0 : i32
    %scan3A_28 = arith.constant 5 : i32
    %scan3A_29 = arith.addi %scan3A_27, %scan3A_28 : i32
    %scan3A_30 = arith.constant 1 : i32
    scf.for %scan3A_33 = %scan3A_27 to %scan3A_29 step %scan3A_30  : i32 {
      %mul3A_34 = arith.constant 40 : i32
      %mul3A_35 = arith.muli %scan3A_33, %mul3A_34 : i32
      "tpu.region"() ({
        %run_scoped3A = tpu.sem_alloc : memref<!tpu.dma_semaphore, #tpu.memory_space<semaphore_mem>>
        %dma_start3A_48 = arith.constant 0 : i32
        %dma_start3A_49 = tpu.memref_slice %arg2[%add3A, %mul3A_35, %dma_start3A_48] : memref<32x200x125xi32, #tpu.memory_space<hbm>> -> memref<1x40x125xi32, #tpu.memory_space<hbm>>
        %dma_start3A_50 = tpu.memref_squeeze %dma_start3A_49 : memref<1x40x125xi32, #tpu.memory_space<hbm>> -> memref<40x125xi32, #tpu.memory_space<hbm>>
        %dma_start3A_51 = arith.constant 0 : i32
        %dma_start3A_52 = tpu.memref_slice %arg2[%add3A, %mul3A_35, %dma_start3A_51] : memref<32x200x125xi32, #tpu.memory_space<hbm>> -> memref<1x40x125xi32, #tpu.memory_space<hbm>>
        %dma_start3A_53 = tpu.memref_squeeze %dma_start3A_52 : memref<1x40x125xi32, #tpu.memory_space<hbm>> -> memref<40x125xi32, #tpu.memory_space<hbm>>
        tpu.enqueue_dma source(%dma_start3A_53 : memref<40x125xi32, #tpu.memory_space<hbm>>) target(%arg15 : memref<40x125xi32, #tpu.memory_space<vmem>>) target_semaphore(%run_scoped3A : memref<!tpu.dma_semaphore, #tpu.memory_space<semaphore_mem>>)
        %dma_wait3A = arith.constant 0 : i32
        %dma_wait3A_54 = tpu.memref_slice %arg2[%add3A, %mul3A_35, %dma_wait3A] : memref<32x200x125xi32, #tpu.memory_space<hbm>> -> memref<1x40x125xi32, #tpu.memory_space<hbm>>
        %dma_wait3A_55 = tpu.memref_squeeze %dma_wait3A_54 : memref<1x40x125xi32, #tpu.memory_space<hbm>> -> memref<40x125xi32, #tpu.memory_space<hbm>>
        %dma_wait3A_56 = arith.constant 0 : i32
        %dma_wait3A_57 = tpu.memref_slice %arg2[%add3A, %mul3A_35, %dma_wait3A_56] : memref<32x200x125xi32, #tpu.memory_space<hbm>> -> memref<1x40x125xi32, #tpu.memory_space<hbm>>
        %dma_wait3A_58 = tpu.memref_squeeze %dma_wait3A_57 : memref<1x40x125xi32, #tpu.memory_space<hbm>> -> memref<40x125xi32, #tpu.memory_space<hbm>>
        tpu.wait_dma2 semaphore(%run_scoped3A : memref<!tpu.dma_semaphore, #tpu.memory_space<semaphore_mem>>) src(%dma_wait3A_58 : memref<40x125xi32, #tpu.memory_space<hbm>>) dst(%arg15 : memref<40x125xi32, #tpu.memory_space<vmem>>)
        tpu.yield
      }) : () -> ()
      "tpu.region"() ({
        %run_scoped3A = tpu.sem_alloc : memref<!tpu.dma_semaphore, #tpu.memory_space<semaphore_mem>>
        %dma_start3A_48 = arith.constant 0 : i32
        %dma_start3A_49 = tpu.memref_slice %arg3[%add3A, %mul3A_35, %dma_start3A_48] : memref<32x200x125xi32, #tpu.memory_space<hbm>> -> memref<1x40x125xi32, #tpu.memory_space<hbm>>
        %dma_start3A_50 = tpu.memref_squeeze %dma_start3A_49 : memref<1x40x125xi32, #tpu.memory_space<hbm>> -> memref<40x125xi32, #tpu.memory_space<hbm>>
        %dma_start3A_51 = arith.constant 0 : i32
        %dma_start3A_52 = tpu.memref_slice %arg3[%add3A, %mul3A_35, %dma_start3A_51] : memref<32x200x125xi32, #tpu.memory_space<hbm>> -> memref<1x40x125xi32, #tpu.memory_space<hbm>>
        %dma_start3A_53 = tpu.memref_squeeze %dma_start3A_52 : memref<1x40x125xi32, #tpu.memory_space<hbm>> -> memref<40x125xi32, #tpu.memory_space<hbm>>
        tpu.enqueue_dma source(%dma_start3A_53 : memref<40x125xi32, #tpu.memory_space<hbm>>) target(%arg16 : memref<40x125xi32, #tpu.memory_space<vmem>>) target_semaphore(%run_scoped3A : memref<!tpu.dma_semaphore, #tpu.memory_space<semaphore_mem>>)
        %dma_wait3A = arith.constant 0 : i32
        %dma_wait3A_54 = tpu.memref_slice %arg3[%add3A, %mul3A_35, %dma_wait3A] : memref<32x200x125xi32, #tpu.memory_space<hbm>> -> memref<1x40x125xi32, #tpu.memory_space<hbm>>
        %dma_wait3A_55 = tpu.memref_squeeze %dma_wait3A_54 : memref<1x40x125xi32, #tpu.memory_space<hbm>> -> memref<40x125xi32, #tpu.memory_space<hbm>>
        %dma_wait3A_56 = arith.constant 0 : i32
        %dma_wait3A_57 = tpu.memref_slice %arg3[%add3A, %mul3A_35, %dma_wait3A_56] : memref<32x200x125xi32, #tpu.memory_space<hbm>> -> memref<1x40x125xi32, #tpu.memory_space<hbm>>
        %dma_wait3A_58 = tpu.memref_squeeze %dma_wait3A_57 : memref<1x40x125xi32, #tpu.memory_space<hbm>> -> memref<40x125xi32, #tpu.memory_space<hbm>>
        tpu.wait_dma2 semaphore(%run_scoped3A : memref<!tpu.dma_semaphore, #tpu.memory_space<semaphore_mem>>) src(%dma_wait3A_58 : memref<40x125xi32, #tpu.memory_space<hbm>>) dst(%arg16 : memref<40x125xi32, #tpu.memory_space<vmem>>)
        tpu.yield
      }) : () -> ()
      %dma_start3A = arith.constant 0 : i32
      %dma_start3A_36 = arith.constant 0 : i32
      %dma_start3A_37 = tpu.memref_slice %arg15[%dma_start3A, %dma_start3A_36] : memref<40x125xi32, #tpu.memory_space<vmem>> -> memref<1x125xi32, #tpu.memory_space<vmem>>
      %dma_start3A_38 = tpu.memref_squeeze %dma_start3A_37 : memref<1x125xi32, #tpu.memory_space<vmem>> -> memref<125xi32, #tpu.memory_space<vmem>>
      %dma_start3A_39 = arith.constant 0 : i32
      %dma_start3A_40 = arith.constant 0 : i32
      %dma_start3A_41 = tpu.memref_slice %arg8[%dma_start3A_39, %dma_start3A_40] : memref<50000x32xf32, #tpu.memory_space<hbm>> -> memref<50000x32xf32, #tpu.memory_space<hbm>>
      tpu.enqueue_indirect_dma source(%dma_start3A_41 : memref<50000x32xf32, #tpu.memory_space<hbm>>) target(%arg13 : memref<125x32xf32, #tpu.memory_space<vmem>>) offsets(%dma_start3A_38 : memref<125xi32, #tpu.memory_space<vmem>>) semaphore(%arg17 : memref<!tpu.dma_semaphore, #tpu.memory_space<semaphore_mem>>)
      %scan3A_42 = arith.constant 0 : i32
      %scan3A_43 = arith.constant 0 : i32
      %scan3A_44 = arith.constant 20 : i32
      %scan3A_45 = arith.addi %scan3A_43, %scan3A_44 : i32
      %scan3A_46 = arith.constant 1 : i32
      scf.for %scan3A_48 = %scan3A_43 to %scan3A_45 step %scan3A_46  : i32 {
        %mul3A_49 = arith.constant 2 : i32
        %mul3A_50 = arith.muli %mul3A_49, %scan3A_48 : i32
        %add3A_51 = arith.constant 1 : i32
        %add3A_52 = arith.addi %mul3A_50, %add3A_51 : i32
        %dma_start3A_53 = arith.constant 0 : i32
        %dma_start3A_54 = tpu.memref_slice %arg15[%add3A_52, %dma_start3A_53] : memref<40x125xi32, #tpu.memory_space<vmem>> -> memref<1x125xi32, #tpu.memory_space<vmem>>
        %dma_start3A_55 = tpu.memref_squeeze %dma_start3A_54 : memref<1x125xi32, #tpu.memory_space<vmem>> -> memref<125xi32, #tpu.memory_space<vmem>>
        %dma_start3A_56 = arith.constant 0 : i32
        %dma_start3A_57 = arith.constant 0 : i32
        %dma_start3A_58 = tpu.memref_slice %arg8[%dma_start3A_56, %dma_start3A_57] : memref<50000x32xf32, #tpu.memory_space<hbm>> -> memref<50000x32xf32, #tpu.memory_space<hbm>>
        tpu.enqueue_indirect_dma source(%dma_start3A_58 : memref<50000x32xf32, #tpu.memory_space<hbm>>) target(%arg14 : memref<125x32xf32, #tpu.memory_space<vmem>>) offsets(%dma_start3A_55 : memref<125xi32, #tpu.memory_space<vmem>>) semaphore(%arg18 : memref<!tpu.dma_semaphore, #tpu.memory_space<semaphore_mem>>)
        %dma_wait3A = arith.constant 0 : i32
        %dma_wait3A_59 = tpu.memref_slice %arg15[%mul3A_50, %dma_wait3A] : memref<40x125xi32, #tpu.memory_space<vmem>> -> memref<1x125xi32, #tpu.memory_space<vmem>>
        %dma_wait3A_60 = tpu.memref_squeeze %dma_wait3A_59 : memref<1x125xi32, #tpu.memory_space<vmem>> -> memref<125xi32, #tpu.memory_space<vmem>>
        %dma_wait3A_61 = arith.constant 0 : i32
        %dma_wait3A_62 = arith.constant 0 : i32
        %dma_wait3A_63 = tpu.memref_slice %arg8[%dma_wait3A_61, %dma_wait3A_62] : memref<50000x32xf32, #tpu.memory_space<hbm>> -> memref<50000x32xf32, #tpu.memory_space<hbm>>
        tpu.wait_indirect_dma semaphore(%arg17 : memref<!tpu.dma_semaphore, #tpu.memory_space<semaphore_mem>>) src(%dma_wait3A_63 : memref<50000x32xf32, #tpu.memory_space<hbm>>) dst(%arg13 : memref<125x32xf32, #tpu.memory_space<vmem>>)
        "tpu.region"() ({
          %run_scoped3A = tpu.sem_alloc : memref<!tpu.dma_semaphore, #tpu.memory_space<semaphore_mem>>
          %dma_start3A_74 = arith.constant 0 : i32
          %dma_start3A_75 = tpu.memref_slice %arg16[%mul3A_50, %dma_start3A_74] : memref<40x125xi32, #tpu.memory_space<vmem>> -> memref<1x125xi32, #tpu.memory_space<vmem>>
          %dma_start3A_76 = tpu.memref_squeeze %dma_start3A_75 : memref<1x125xi32, #tpu.memory_space<vmem>> -> memref<125xi32, #tpu.memory_space<vmem>>
          %dma_start3A_77 = arith.constant 0 : i32
          %dma_start3A_78 = arith.constant 0 : i32
          %dma_start3A_79 = tpu.memref_slice %arg19[%dma_start3A_77, %dma_start3A_78] : memref<50048x32xf32, #tpu.memory_space<vmem_shared>> -> memref<50048x32xf32, #tpu.memory_space<vmem_shared>>
          tpu.enqueue_indirect_dma source(%arg13 : memref<125x32xf32, #tpu.memory_space<vmem>>) target(%dma_start3A_79 : memref<50048x32xf32, #tpu.memory_space<vmem_shared>>) offsets(%dma_start3A_76 : memref<125xi32, #tpu.memory_space<vmem>>) semaphore(%run_scoped3A : memref<!tpu.dma_semaphore, #tpu.memory_space<semaphore_mem>>) {add = true}
          %dma_wait3A_80 = arith.constant 0 : i32
          %dma_wait3A_81 = tpu.memref_slice %arg16[%mul3A_50, %dma_wait3A_80] : memref<40x125xi32, #tpu.memory_space<vmem>> -> memref<1x125xi32, #tpu.memory_space<vmem>>
          %dma_wait3A_82 = tpu.memref_squeeze %dma_wait3A_81 : memref<1x125xi32, #tpu.memory_space<vmem>> -> memref<125xi32, #tpu.memory_space<vmem>>
          %dma_wait3A_83 = arith.constant 0 : i32
          %dma_wait3A_84 = arith.constant 0 : i32
          %dma_wait3A_85 = tpu.memref_slice %arg19[%dma_wait3A_83, %dma_wait3A_84] : memref<50048x32xf32, #tpu.memory_space<vmem_shared>> -> memref<50048x32xf32, #tpu.memory_space<vmem_shared>>
          tpu.wait_indirect_dma semaphore(%run_scoped3A : memref<!tpu.dma_semaphore, #tpu.memory_space<semaphore_mem>>) src(%arg13 : memref<125x32xf32, #tpu.memory_space<vmem>>) dst(%dma_wait3A_85 : memref<50048x32xf32, #tpu.memory_space<vmem_shared>>)
          tpu.yield
        }) : () -> ()
        %add3A_64 = arith.constant 2 : i32
        %add3A_65 = arith.addi %mul3A_50, %add3A_64 : i32
        %lt3A = arith.constant 40 : i32
        %lt3A_66 = arith.cmpi slt, %add3A_65, %lt3A : i32
        %convert_element_type3A = arith.extui %lt3A_66 : i1 to i32
        %cond3A = arith.constant 0 : i32
        %cond3A_67 = arith.cmpi ne, %convert_element_type3A, %cond3A : i32
        scf.if %cond3A_67 {
          %add3A_74 = arith.constant 2 : i32
          %add3A_75 = arith.addi %mul3A_50, %add3A_74 : i32
          %dma_start3A_76 = arith.constant 0 : i32
          %dma_start3A_77 = tpu.memref_slice %arg15[%add3A_75, %dma_start3A_76] : memref<40x125xi32, #tpu.memory_space<vmem>> -> memref<1x125xi32, #tpu.memory_space<vmem>>
          %dma_start3A_78 = tpu.memref_squeeze %dma_start3A_77 : memref<1x125xi32, #tpu.memory_space<vmem>> -> memref<125xi32, #tpu.memory_space<vmem>>
          %dma_start3A_79 = arith.constant 0 : i32
          %dma_start3A_80 = arith.constant 0 : i32
          %dma_start3A_81 = tpu.memref_slice %arg8[%dma_start3A_79, %dma_start3A_80] : memref<50000x32xf32, #tpu.memory_space<hbm>> -> memref<50000x32xf32, #tpu.memory_space<hbm>>
          tpu.enqueue_indirect_dma source(%dma_start3A_81 : memref<50000x32xf32, #tpu.memory_space<hbm>>) target(%arg13 : memref<125x32xf32, #tpu.memory_space<vmem>>) offsets(%dma_start3A_78 : memref<125xi32, #tpu.memory_space<vmem>>) semaphore(%arg17 : memref<!tpu.dma_semaphore, #tpu.memory_space<semaphore_mem>>)
        } else {
        }
        %dma_wait3A_68 = arith.constant 0 : i32
        %dma_wait3A_69 = tpu.memref_slice %arg15[%add3A_52, %dma_wait3A_68] : memref<40x125xi32, #tpu.memory_space<vmem>> -> memref<1x125xi32, #tpu.memory_space<vmem>>
        %dma_wait3A_70 = tpu.memref_squeeze %dma_wait3A_69 : memref<1x125xi32, #tpu.memory_space<vmem>> -> memref<125xi32, #tpu.memory_space<vmem>>
        %dma_wait3A_71 = arith.constant 0 : i32
        %dma_wait3A_72 = arith.constant 0 : i32
        %dma_wait3A_73 = tpu.memref_slice %arg8[%dma_wait3A_71, %dma_wait3A_72] : memref<50000x32xf32, #tpu.memory_space<hbm>> -> memref<50000x32xf32, #tpu.memory_space<hbm>>
        tpu.wait_indirect_dma semaphore(%arg18 : memref<!tpu.dma_semaphore, #tpu.memory_space<semaphore_mem>>) src(%dma_wait3A_73 : memref<50000x32xf32, #tpu.memory_space<hbm>>) dst(%arg14 : memref<125x32xf32, #tpu.memory_space<vmem>>)
        "tpu.region"() ({
          %run_scoped3A = tpu.sem_alloc : memref<!tpu.dma_semaphore, #tpu.memory_space<semaphore_mem>>
          %dma_start3A_74 = arith.constant 0 : i32
          %dma_start3A_75 = tpu.memref_slice %arg16[%add3A_52, %dma_start3A_74] : memref<40x125xi32, #tpu.memory_space<vmem>> -> memref<1x125xi32, #tpu.memory_space<vmem>>
          %dma_start3A_76 = tpu.memref_squeeze %dma_start3A_75 : memref<1x125xi32, #tpu.memory_space<vmem>> -> memref<125xi32, #tpu.memory_space<vmem>>
          %dma_start3A_77 = arith.constant 0 : i32
          %dma_start3A_78 = arith.constant 0 : i32
          %dma_start3A_79 = tpu.memref_slice %arg19[%dma_start3A_77, %dma_start3A_78] : memref<50048x32xf32, #tpu.memory_space<vmem_shared>> -> memref<50048x32xf32, #tpu.memory_space<vmem_shared>>
          tpu.enqueue_indirect_dma source(%arg14 : memref<125x32xf32, #tpu.memory_space<vmem>>) target(%dma_start3A_79 : memref<50048x32xf32, #tpu.memory_space<vmem_shared>>) offsets(%dma_start3A_76 : memref<125xi32, #tpu.memory_space<vmem>>) semaphore(%run_scoped3A : memref<!tpu.dma_semaphore, #tpu.memory_space<semaphore_mem>>) {add = true}
          %dma_wait3A_80 = arith.constant 0 : i32
          %dma_wait3A_81 = tpu.memref_slice %arg16[%add3A_52, %dma_wait3A_80] : memref<40x125xi32, #tpu.memory_space<vmem>> -> memref<1x125xi32, #tpu.memory_space<vmem>>
          %dma_wait3A_82 = tpu.memref_squeeze %dma_wait3A_81 : memref<1x125xi32, #tpu.memory_space<vmem>> -> memref<125xi32, #tpu.memory_space<vmem>>
          %dma_wait3A_83 = arith.constant 0 : i32
          %dma_wait3A_84 = arith.constant 0 : i32
          %dma_wait3A_85 = tpu.memref_slice %arg19[%dma_wait3A_83, %dma_wait3A_84] : memref<50048x32xf32, #tpu.memory_space<vmem_shared>> -> memref<50048x32xf32, #tpu.memory_space<vmem_shared>>
          tpu.wait_indirect_dma semaphore(%run_scoped3A : memref<!tpu.dma_semaphore, #tpu.memory_space<semaphore_mem>>) src(%arg14 : memref<125x32xf32, #tpu.memory_space<vmem>>) dst(%dma_wait3A_85 : memref<50048x32xf32, #tpu.memory_space<vmem_shared>>)
          tpu.yield
        }) : () -> ()
      }
      %scan3A_47 = arith.constant 20 : i32
    }
    %scan3A_31 = arith.constant 5 : i32
    %barrier3A_32 = arith.constant 0 : index
    tpu.barrier barrier_id(%barrier3A_32)
    "tpu.region"() ({
      %run_scoped3A = tpu.sem_alloc : memref<!tpu.dma_semaphore, #tpu.memory_space<semaphore_mem>>
      %dma_start3A = arith.constant 0 : i32
      %dma_start3A_33 = tpu.memref_slice %arg12[%arg0, %mul3A_2, %dma_start3A] : memref<2x50048x32xf32, #tpu.memory_space<hbm>> -> memref<1x3128x32xf32, #tpu.memory_space<hbm>>
      %dma_start3A_34 = tpu.memref_squeeze %dma_start3A_33 : memref<1x3128x32xf32, #tpu.memory_space<hbm>> -> memref<3128x32xf32, #tpu.memory_space<hbm>>
      %dma_start3A_35 = arith.constant 0 : i32
      %dma_start3A_36 = tpu.memref_slice %arg19[%mul3A_2, %dma_start3A_35] : memref<50048x32xf32, #tpu.memory_space<vmem_shared>> -> memref<3128x32xf32, #tpu.memory_space<vmem_shared>>
      tpu.enqueue_dma source(%dma_start3A_36 : memref<3128x32xf32, #tpu.memory_space<vmem_shared>>) target(%dma_start3A_34 : memref<3128x32xf32, #tpu.memory_space<hbm>>) target_semaphore(%run_scoped3A : memref<!tpu.dma_semaphore, #tpu.memory_space<semaphore_mem>>)
      %dma_wait3A = arith.constant 0 : i32
      %dma_wait3A_37 = tpu.memref_slice %arg12[%arg0, %mul3A_2, %dma_wait3A] : memref<2x50048x32xf32, #tpu.memory_space<hbm>> -> memref<1x3128x32xf32, #tpu.memory_space<hbm>>
      %dma_wait3A_38 = tpu.memref_squeeze %dma_wait3A_37 : memref<1x3128x32xf32, #tpu.memory_space<hbm>> -> memref<3128x32xf32, #tpu.memory_space<hbm>>
      %dma_wait3A_39 = arith.constant 0 : i32
      %dma_wait3A_40 = tpu.memref_slice %arg19[%mul3A_2, %dma_wait3A_39] : memref<50048x32xf32, #tpu.memory_space<vmem_shared>> -> memref<3128x32xf32, #tpu.memory_space<vmem_shared>>
      tpu.wait_dma2 semaphore(%run_scoped3A : memref<!tpu.dma_semaphore, #tpu.memory_space<semaphore_mem>>) src(%dma_wait3A_40 : memref<3128x32xf32, #tpu.memory_space<vmem_shared>>) dst(%dma_wait3A_38 : memref<3128x32xf32, #tpu.memory_space<hbm>>)
      tpu.yield
    }) : () -> ()
    return
  }
}

module attributes {stable_mosaic.version = 14 : i64} {
  func.func @_tc1_body(%arg0: i32, %arg1: memref<2x2000x16xf32, #tpu.memory_space<vmem>>, %arg2: memref<2000x12xf32, #tpu.memory_space<vmem>>, %arg3: memref<12x128xf32, #tpu.memory_space<vmem>>, %arg4: memref<1x128xf32, #tpu.memory_space<vmem>>, %arg5: memref<12x128xf32, #tpu.memory_space<vmem>>, %arg6: memref<2000x128xf32, #tpu.memory_space<vmem>>, %arg7: memref<8x128xf32, #tpu.memory_space<vmem>>, %arg8: memref<2000x1xf32, #tpu.memory_space<vmem>>) attributes {dimension_semantics = [#tpu.dimension_semantics<arbitrary>], iteration_bounds = array<i64: 25>, scalar_prefetch = 0 : i64, scratch_operands = 0 : i64, tpu.core_type = #tpu.core_type<tc>, window_params = [{transform_indices = @transform_0, window_bounds = array<i64: 2, 2000, 16>}, {transform_indices = @transform_1, window_bounds = array<i64: 2000, 12>}, {pipeline_mode = #tpu.pipeline_mode<synchronous>, transform_indices = @transform_2, window_bounds = array<i64: 12, 128>}, {pipeline_mode = #tpu.pipeline_mode<synchronous>, transform_indices = @transform_3, window_bounds = array<i64: 1, 128>}, {pipeline_mode = #tpu.pipeline_mode<synchronous>, transform_indices = @transform_4, window_bounds = array<i64: 12, 128>}, {transform_indices = @transform_5, window_bounds = array<i64: 2000, 128>}, {pipeline_mode = #tpu.pipeline_mode<synchronous>, transform_indices = @transform_6, window_bounds = array<i64: 8, 128>}, {transform_indices = @transform_7, window_bounds = array<i64: 2000, 1>}]} {
    %get3A = arith.constant 0 : index
    %get3A_0 = arith.constant 0 : index
    %get3A_1 = arith.constant 0 : index
    %get3A_2 = vector.load %arg1[%get3A, %get3A_0, %get3A_1] : memref<2x2000x16xf32, #tpu.memory_space<vmem>>, vector<1x2000x16xf32>
    %get3A_3 = vector.shape_cast %get3A_2 : vector<1x2000x16xf32> to vector<2000x16xf32>
    %get3A_4 = arith.constant 1 : index
    %get3A_5 = arith.constant 0 : index
    %get3A_6 = arith.constant 0 : index
    %get3A_7 = vector.load %arg1[%get3A_4, %get3A_5, %get3A_6] : memref<2x2000x16xf32, #tpu.memory_space<vmem>>, vector<1x2000x16xf32>
    %get3A_8 = vector.shape_cast %get3A_7 : vector<1x2000x16xf32> to vector<2000x16xf32>
    %add3A = arith.addf %get3A_3, %get3A_8 : vector<2000x16xf32>
    %slice3A = vector.extract_strided_slice %add3A {offsets = [0, 12], sizes = [2000, 1], strides = [1, 1]} : vector<2000x16xf32> to vector<2000x1xf32>
    %max3A = arith.constant 1.000000e+00 : f32
    %max3A_9 = vector.broadcast %max3A : f32 to vector<2000x1xf32>
    %max3A_10 = arith.maximumf %slice3A, %max3A_9 : vector<2000x1xf32>
    %div3A = arith.constant 1.000000e+00 : f32
    %div3A_11 = vector.broadcast %div3A : f32 to vector<2000x1xf32>
    %div3A_12 = arith.divf %div3A_11, %max3A_10 : vector<2000x1xf32>
    %slice3A_13 = vector.extract_strided_slice %add3A {offsets = [0, 0], sizes = [2000, 12], strides = [1, 1]} : vector<2000x16xf32> to vector<2000x12xf32>
    %mul3A = vector.broadcast %div3A_12 : vector<2000x1xf32> to vector<2000x12xf32>
    %mul3A_14 = arith.mulf %slice3A_13, %mul3A : vector<2000x12xf32>
    %get3A_15 = arith.constant 0 : index
    %get3A_16 = arith.constant 0 : index
    %get3A_17 = vector.load %arg3[%get3A_15, %get3A_16] : memref<12x128xf32, #tpu.memory_space<vmem>>, vector<12x128xf32>
    %dot_general3A = arith.constant dense<0.000000e+00> : vector<2000x128xf32>
    %dot_general3A_18 = tpu.matmul %mul3A_14, %get3A_17, %dot_general3A {dimension_numbers = #tpu.dot_dimension_numbers<[1], [0], [0], [1], [0, 0, 1, 1], [], []>, transpose_lhs_hint = false} : vector<2000x12xf32>, vector<12x128xf32>, vector<2000x128xf32> -> vector<2000x128xf32>
    %get3A_19 = arith.constant 0 : index
    %get3A_20 = arith.constant 0 : index
    %get3A_21 = vector.load %arg4[%get3A_19, %get3A_20] : memref<1x128xf32, #tpu.memory_space<vmem>>, vector<1x128xf32>
    %add3A_22 = vector.broadcast %get3A_21 : vector<1x128xf32> to vector<2000x128xf32>
    %add3A_23 = arith.addf %dot_general3A_18, %add3A_22 : vector<2000x128xf32>
    %get3A_24 = arith.constant 0 : index
    %get3A_25 = arith.constant 0 : index
    %get3A_26 = vector.load %arg2[%get3A_24, %get3A_25] : memref<2000x12xf32, #tpu.memory_space<vmem>>, vector<2000x12xf32>
    %get3A_27 = arith.constant 0 : index
    %get3A_28 = arith.constant 0 : index
    %get3A_29 = vector.load %arg5[%get3A_27, %get3A_28] : memref<12x128xf32, #tpu.memory_space<vmem>>, vector<12x128xf32>
    %dot_general3A_30 = arith.constant dense<0.000000e+00> : vector<2000x128xf32>
    %dot_general3A_31 = tpu.matmul %get3A_26, %get3A_29, %dot_general3A_30 {dimension_numbers = #tpu.dot_dimension_numbers<[1], [0], [0], [1], [0, 0, 1, 1], [], []>, transpose_lhs_hint = false} : vector<2000x12xf32>, vector<12x128xf32>, vector<2000x128xf32> -> vector<2000x128xf32>
    %add3A_32 = arith.addf %add3A_23, %dot_general3A_31 : vector<2000x128xf32>
    %mul3A_33 = arith.mulf %add3A_32, %add3A_32 : vector<2000x128xf32>
    %reduce_sum3A = arith.constant dense<0.000000e+00> : vector<2000xf32>
    %reduce_sum3A_34 = vector.multi_reduction <add>, %mul3A_33, %reduce_sum3A [1] : vector<2000x128xf32> to vector<2000xf32>
    %broadcast_in_dim3A = vector.shape_cast %reduce_sum3A_34 : vector<2000xf32> to vector<2000x1xf32>
    %sqrt3A = math.sqrt %broadcast_in_dim3A : vector<2000x1xf32>
    %max3A_35 = arith.constant 9.99999996E-13 : f32
    %max3A_36 = vector.broadcast %max3A_35 : f32 to vector<2000x1xf32>
    %max3A_37 = arith.maximumf %sqrt3A, %max3A_36 : vector<2000x1xf32>
    %div3A_38 = vector.broadcast %max3A_37 : vector<2000x1xf32> to vector<2000x128xf32>
    %div3A_39 = arith.divf %add3A_32, %div3A_38 : vector<2000x128xf32>
    %swap3A = arith.constant 0 : index
    %swap3A_40 = arith.constant 0 : index
    %swap3A_41 = vector.load %arg6[%swap3A, %swap3A_40] : memref<2000x128xf32, #tpu.memory_space<vmem>>, vector<2000x128xf32>
    tpu.vector_store %arg6[%swap3A, %swap3A_40], %div3A_39 {strides = array<i32>} : memref<2000x128xf32, #tpu.memory_space<vmem>>, vector<2000x128xf32>,
    %eq3A = arith.constant 0 : i32
    %eq3A_42 = arith.cmpi eq, %arg0, %eq3A : i32
    %convert_element_type3A = arith.extui %eq3A_42 : i1 to i32
    %cond3A = arith.constant 0 : i32
    %cond3A_43 = arith.cmpi ne, %convert_element_type3A, %cond3A : i32
    scf.if %cond3A_43 {
      %broadcast_in_dim3A_68 = arith.constant 0.000000e+00 : f32
      %broadcast_in_dim3A_69 = vector.broadcast %broadcast_in_dim3A_68 : f32 to vector<8x128xf32>
      %swap3A_70 = arith.constant 0 : index
      %swap3A_71 = arith.constant 0 : index
      %swap3A_72 = vector.load %arg7[%swap3A_70, %swap3A_71] : memref<8x128xf32, #tpu.memory_space<vmem>>, vector<8x128xf32>
      tpu.vector_store %arg7[%swap3A_70, %swap3A_71], %broadcast_in_dim3A_69 {strides = array<i32>} : memref<8x128xf32, #tpu.memory_space<vmem>>, vector<8x128xf32>,
    } else {
    }
    %get3A_44 = arith.constant 0 : index
    %get3A_45 = arith.constant 0 : index
    %get3A_46 = vector.load %arg7[%get3A_44, %get3A_45] : memref<8x128xf32, #tpu.memory_space<vmem>>, vector<1x128xf32>
    %reduce_sum3A_47 = arith.constant dense<0.000000e+00> : vector<128xf32>
    %reduce_sum3A_48 = vector.multi_reduction <add>, %div3A_39, %reduce_sum3A_47 [0] : vector<2000x128xf32> to vector<128xf32>
    %broadcast_in_dim3A_49 = vector.shape_cast %reduce_sum3A_48 : vector<128xf32> to vector<1x128xf32>
    %add3A_50 = arith.addf %get3A_46, %broadcast_in_dim3A_49 : vector<1x128xf32>
    %swap3A_51 = arith.constant 0 : index
    %swap3A_52 = arith.constant 0 : index
    %swap3A_53 = vector.load %arg7[%swap3A_51, %swap3A_52] : memref<8x128xf32, #tpu.memory_space<vmem>>, vector<1x128xf32>
    tpu.vector_store %arg7[%swap3A_51, %swap3A_52], %add3A_50 {strides = array<i32>} : memref<8x128xf32, #tpu.memory_space<vmem>>, vector<1x128xf32>,
    %get3A_54 = arith.constant 1 : index
    %get3A_55 = arith.constant 0 : index
    %get3A_56 = vector.load %arg7[%get3A_54, %get3A_55] : memref<8x128xf32, #tpu.memory_space<vmem>>, vector<1x128xf32>
    %mul3A_57 = arith.mulf %div3A_39, %div3A_39 : vector<2000x128xf32>
    %reduce_sum3A_58 = arith.constant dense<0.000000e+00> : vector<128xf32>
    %reduce_sum3A_59 = vector.multi_reduction <add>, %mul3A_57, %reduce_sum3A_58 [0] : vector<2000x128xf32> to vector<128xf32>
    %broadcast_in_dim3A_60 = vector.shape_cast %reduce_sum3A_59 : vector<128xf32> to vector<1x128xf32>
    %add3A_61 = arith.addf %get3A_56, %broadcast_in_dim3A_60 : vector<1x128xf32>
    %swap3A_62 = arith.constant 1 : index
    %swap3A_63 = arith.constant 0 : index
    %swap3A_64 = vector.load %arg7[%swap3A_62, %swap3A_63] : memref<8x128xf32, #tpu.memory_space<vmem>>, vector<1x128xf32>
    tpu.vector_store %arg7[%swap3A_62, %swap3A_63], %add3A_61 {strides = array<i32>} : memref<8x128xf32, #tpu.memory_space<vmem>>, vector<1x128xf32>,
    %swap3A_65 = arith.constant 0 : index
    %swap3A_66 = arith.constant 0 : index
    %swap3A_67 = vector.load %arg8[%swap3A_65, %swap3A_66] : memref<2000x1xf32, #tpu.memory_space<vmem>>, vector<2000x1xf32>
    tpu.vector_store %arg8[%swap3A_65, %swap3A_66], %div3A_12 {strides = array<i32>} : memref<2000x1xf32, #tpu.memory_space<vmem>>, vector<2000x1xf32>,
    return
  }
  func.func @transform_0(%arg0: i32) -> (i32, i32, i32) {
    %c0_i32 = arith.constant 0 : i32
    %c0_i32_0 = arith.constant 0 : i32
    %c0_i32_1 = arith.constant 0 : i32
    return %c0_i32, %arg0, %c0_i32_0 : i32, i32, i32
  }
  func.func @transform_1(%arg0: i32) -> (i32, i32) {
    %c0_i32 = arith.constant 0 : i32
    %c0_i32_0 = arith.constant 0 : i32
    return %arg0, %c0_i32 : i32, i32
  }
  func.func @transform_2(%arg0: i32) -> (i32, i32) {
    %c0_i32 = arith.constant 0 : i32
    %c0_i32_0 = arith.constant 0 : i32
    %c0_i32_1 = arith.constant 0 : i32
    return %c0_i32, %c0_i32_0 : i32, i32
  }
  func.func @transform_3(%arg0: i32) -> (i32, i32) {
    %c0_i32 = arith.constant 0 : i32
    %c0_i32_0 = arith.constant 0 : i32
    %c0_i32_1 = arith.constant 0 : i32
    return %c0_i32, %c0_i32_0 : i32, i32
  }
  func.func @transform_4(%arg0: i32) -> (i32, i32) {
    %c0_i32 = arith.constant 0 : i32
    %c0_i32_0 = arith.constant 0 : i32
    %c0_i32_1 = arith.constant 0 : i32
    return %c0_i32, %c0_i32_0 : i32, i32
  }
  func.func @transform_5(%arg0: i32) -> (i32, i32) {
    %c0_i32 = arith.constant 0 : i32
    %c0_i32_0 = arith.constant 0 : i32
    return %arg0, %c0_i32 : i32, i32
  }
  func.func @transform_6(%arg0: i32) -> (i32, i32) {
    %c0_i32 = arith.constant 0 : i32
    %c0_i32_0 = arith.constant 0 : i32
    %c0_i32_1 = arith.constant 0 : i32
    return %c0_i32, %c0_i32_0 : i32, i32
  }
  func.func @transform_7(%arg0: i32) -> (i32, i32) {
    %c0_i32 = arith.constant 0 : i32
    %c0_i32_0 = arith.constant 0 : i32
    return %arg0, %c0_i32 : i32, i32
  }
}

module attributes {stable_mosaic.version = 14 : i64} {
  func.func @_tc2_body(%arg0: i32, %arg1: memref<2000x128xf32, #tpu.memory_space<vmem>>, %arg2: memref<8x128xf32, #tpu.memory_space<vmem>>, %arg3: memref<1x128xf32, #tpu.memory_space<vmem>>, %arg4: memref<1x128xf32, #tpu.memory_space<vmem>>, %arg5: memref<2000x32xf32, #tpu.memory_space<vmem>>, %arg6: memref<2000x32xf32, #tpu.memory_space<vmem>>, %arg7: memref<2000x32xf32, #tpu.memory_space<vmem>>, %arg8: memref<2000x32xf32, #tpu.memory_space<vmem>>) attributes {dimension_semantics = [#tpu.dimension_semantics<arbitrary>], iteration_bounds = array<i64: 25>, scalar_prefetch = 0 : i64, scratch_operands = 0 : i64, tpu.core_type = #tpu.core_type<tc>, window_params = [{transform_indices = @transform_0, window_bounds = array<i64: 2000, 128>}, {pipeline_mode = #tpu.pipeline_mode<synchronous>, transform_indices = @transform_1, window_bounds = array<i64: 8, 128>}, {pipeline_mode = #tpu.pipeline_mode<synchronous>, transform_indices = @transform_2, window_bounds = array<i64: 1, 128>}, {pipeline_mode = #tpu.pipeline_mode<synchronous>, transform_indices = @transform_3, window_bounds = array<i64: 1, 128>}, {transform_indices = @transform_4, window_bounds = array<i64: 2000, 32>}, {transform_indices = @transform_5, window_bounds = array<i64: 2000, 32>}, {transform_indices = @transform_6, window_bounds = array<i64: 2000, 32>}, {transform_indices = @transform_7, window_bounds = array<i64: 2000, 32>}]} {
    %get3A = arith.constant 0 : index
    %get3A_0 = arith.constant 0 : index
    %get3A_1 = vector.load %arg1[%get3A, %get3A_0] : memref<2000x128xf32, #tpu.memory_space<vmem>>, vector<2000x128xf32>
    %get3A_2 = arith.constant 0 : index
    %get3A_3 = arith.constant 0 : index
    %get3A_4 = vector.load %arg2[%get3A_2, %get3A_3] : memref<8x128xf32, #tpu.memory_space<vmem>>, vector<1x128xf32>
    %div3A = arith.constant 5.000000e+04 : f32
    %div3A_5 = vector.broadcast %div3A : f32 to vector<1x128xf32>
    %div3A_6 = arith.divf %get3A_4, %div3A_5 : vector<1x128xf32>
    %get3A_7 = arith.constant 1 : index
    %get3A_8 = arith.constant 0 : index
    %get3A_9 = vector.load %arg2[%get3A_7, %get3A_8] : memref<8x128xf32, #tpu.memory_space<vmem>>, vector<1x128xf32>
    %div3A_10 = arith.constant 5.000000e+04 : f32
    %div3A_11 = vector.broadcast %div3A_10 : f32 to vector<1x128xf32>
    %div3A_12 = arith.divf %get3A_9, %div3A_11 : vector<1x128xf32>
    %mul3A = arith.mulf %div3A_6, %div3A_6 : vector<1x128xf32>
    %sub3A = arith.subf %div3A_12, %mul3A : vector<1x128xf32>
    %get3A_13 = arith.constant 0 : index
    %get3A_14 = arith.constant 0 : index
    %get3A_15 = vector.load %arg3[%get3A_13, %get3A_14] : memref<1x128xf32, #tpu.memory_space<vmem>>, vector<1x128xf32>
    %add3A = arith.constant 9.99999974E-6 : f32
    %add3A_16 = vector.broadcast %add3A : f32 to vector<1x128xf32>
    %add3A_17 = arith.addf %sub3A, %add3A_16 : vector<1x128xf32>
    %sqrt3A = math.sqrt %add3A_17 : vector<1x128xf32>
    %div3A_18 = arith.divf %get3A_15, %sqrt3A : vector<1x128xf32>
    %get3A_19 = arith.constant 0 : index
    %get3A_20 = arith.constant 0 : index
    %get3A_21 = vector.load %arg4[%get3A_19, %get3A_20] : memref<1x128xf32, #tpu.memory_space<vmem>>, vector<1x128xf32>
    %mul3A_22 = arith.mulf %div3A_6, %div3A_18 : vector<1x128xf32>
    %sub3A_23 = arith.subf %get3A_21, %mul3A_22 : vector<1x128xf32>
    %mul3A_24 = vector.broadcast %div3A_18 : vector<1x128xf32> to vector<2000x128xf32>
    %mul3A_25 = arith.mulf %get3A_1, %mul3A_24 : vector<2000x128xf32>
    %add3A_26 = vector.broadcast %sub3A_23 : vector<1x128xf32> to vector<2000x128xf32>
    %add3A_27 = arith.addf %mul3A_25, %add3A_26 : vector<2000x128xf32>
    %max3A = arith.constant 0.000000e+00 : f32
    %max3A_28 = vector.broadcast %max3A : f32 to vector<2000x128xf32>
    %max3A_29 = arith.maximumf %add3A_27, %max3A_28 : vector<2000x128xf32>
    %slice3A = vector.extract_strided_slice %max3A_29 {offsets = [0, 0], sizes = [2000, 32], strides = [1, 1]} : vector<2000x128xf32> to vector<2000x32xf32>
    %swap3A = arith.constant 0 : index
    %swap3A_30 = arith.constant 0 : index
    %swap3A_31 = vector.load %arg5[%swap3A, %swap3A_30] : memref<2000x32xf32, #tpu.memory_space<vmem>>, vector<2000x32xf32>
    tpu.vector_store %arg5[%swap3A, %swap3A_30], %slice3A {strides = array<i32>} : memref<2000x32xf32, #tpu.memory_space<vmem>>, vector<2000x32xf32>,
    %slice3A_32 = vector.extract_strided_slice %max3A_29 {offsets = [0, 32], sizes = [2000, 32], strides = [1, 1]} : vector<2000x128xf32> to vector<2000x32xf32>
    %swap3A_33 = arith.constant 0 : index
    %swap3A_34 = arith.constant 0 : index
    %swap3A_35 = vector.load %arg6[%swap3A_33, %swap3A_34] : memref<2000x32xf32, #tpu.memory_space<vmem>>, vector<2000x32xf32>
    tpu.vector_store %arg6[%swap3A_33, %swap3A_34], %slice3A_32 {strides = array<i32>} : memref<2000x32xf32, #tpu.memory_space<vmem>>, vector<2000x32xf32>,
    %slice3A_36 = vector.extract_strided_slice %max3A_29 {offsets = [0, 64], sizes = [2000, 32], strides = [1, 1]} : vector<2000x128xf32> to vector<2000x32xf32>
    %swap3A_37 = arith.constant 0 : index
    %swap3A_38 = arith.constant 0 : index
    %swap3A_39 = vector.load %arg7[%swap3A_37, %swap3A_38] : memref<2000x32xf32, #tpu.memory_space<vmem>>, vector<2000x32xf32>
    tpu.vector_store %arg7[%swap3A_37, %swap3A_38], %slice3A_36 {strides = array<i32>} : memref<2000x32xf32, #tpu.memory_space<vmem>>, vector<2000x32xf32>,
    %slice3A_40 = vector.extract_strided_slice %max3A_29 {offsets = [0, 96], sizes = [2000, 32], strides = [1, 1]} : vector<2000x128xf32> to vector<2000x32xf32>
    %swap3A_41 = arith.constant 0 : index
    %swap3A_42 = arith.constant 0 : index
    %swap3A_43 = vector.load %arg8[%swap3A_41, %swap3A_42] : memref<2000x32xf32, #tpu.memory_space<vmem>>, vector<2000x32xf32>
    tpu.vector_store %arg8[%swap3A_41, %swap3A_42], %slice3A_40 {strides = array<i32>} : memref<2000x32xf32, #tpu.memory_space<vmem>>, vector<2000x32xf32>,
    return
  }
  func.func @transform_0(%arg0: i32) -> (i32, i32) {
    %c0_i32 = arith.constant 0 : i32
    %c0_i32_0 = arith.constant 0 : i32
    return %arg0, %c0_i32 : i32, i32
  }
  func.func @transform_1(%arg0: i32) -> (i32, i32) {
    %c0_i32 = arith.constant 0 : i32
    %c0_i32_0 = arith.constant 0 : i32
    %c0_i32_1 = arith.constant 0 : i32
    return %c0_i32, %c0_i32_0 : i32, i32
  }
  func.func @transform_2(%arg0: i32) -> (i32, i32) {
    %c0_i32 = arith.constant 0 : i32
    %c0_i32_0 = arith.constant 0 : i32
    %c0_i32_1 = arith.constant 0 : i32
    return %c0_i32, %c0_i32_0 : i32, i32
  }
  func.func @transform_3(%arg0: i32) -> (i32, i32) {
    %c0_i32 = arith.constant 0 : i32
    %c0_i32_0 = arith.constant 0 : i32
    %c0_i32_1 = arith.constant 0 : i32
    return %c0_i32, %c0_i32_0 : i32, i32
  }
  func.func @transform_4(%arg0: i32) -> (i32, i32) {
    %c0_i32 = arith.constant 0 : i32
    %c0_i32_0 = arith.constant 0 : i32
    return %arg0, %c0_i32 : i32, i32
  }
  func.func @transform_5(%arg0: i32) -> (i32, i32) {
    %c0_i32 = arith.constant 0 : i32
    %c0_i32_0 = arith.constant 0 : i32
    return %arg0, %c0_i32 : i32, i32
  }
  func.func @transform_6(%arg0: i32) -> (i32, i32) {
    %c0_i32 = arith.constant 0 : i32
    %c0_i32_0 = arith.constant 0 : i32
    return %arg0, %c0_i32 : i32, i32
  }
  func.func @transform_7(%arg0: i32) -> (i32, i32) {
    %c0_i32 = arith.constant 0 : i32
    %c0_i32_0 = arith.constant 0 : i32
    return %arg0, %c0_i32 : i32, i32
  }
}

module attributes {stable_mosaic.version = 14 : i64} {
  func.func @_tc3_body(%arg0: i32, %arg1: memref<2x2000x32xf32, #tpu.memory_space<vmem>>, %arg2: memref<2x2000x32xf32, #tpu.memory_space<vmem>>, %arg3: memref<2x2000x32xf32, #tpu.memory_space<vmem>>, %arg4: memref<2x2000x32xf32, #tpu.memory_space<vmem>>, %arg5: memref<2000x1xf32, #tpu.memory_space<vmem>>, %arg6: memref<2000x32xf32, #tpu.memory_space<vmem>>, %arg7: memref<2000x32xf32, #tpu.memory_space<vmem>>, %arg8: memref<2000x32xf32, #tpu.memory_space<vmem>>, %arg9: memref<2000x32xf32, #tpu.memory_space<vmem>>, %arg10: memref<128x128xf32, #tpu.memory_space<vmem>>, %arg11: memref<1x128xf32, #tpu.memory_space<vmem>>, %arg12: memref<128x128xf32, #tpu.memory_space<vmem>>, %arg13: memref<2000x128xf32, #tpu.memory_space<vmem>>, %arg14: memref<8x128xf32, #tpu.memory_space<vmem>>) attributes {dimension_semantics = [#tpu.dimension_semantics<arbitrary>], iteration_bounds = array<i64: 25>, scalar_prefetch = 0 : i64, scratch_operands = 0 : i64, tpu.core_type = #tpu.core_type<tc>, window_params = [{transform_indices = @transform_0, window_bounds = array<i64: 2, 2000, 32>}, {transform_indices = @transform_1, window_bounds = array<i64: 2, 2000, 32>}, {transform_indices = @transform_2, window_bounds = array<i64: 2, 2000, 32>}, {transform_indices = @transform_3, window_bounds = array<i64: 2, 2000, 32>}, {transform_indices = @transform_4, window_bounds = array<i64: 2000, 1>}, {transform_indices = @transform_5, window_bounds = array<i64: 2000, 32>}, {transform_indices = @transform_6, window_bounds = array<i64: 2000, 32>}, {transform_indices = @transform_7, window_bounds = array<i64: 2000, 32>}, {transform_indices = @transform_8, window_bounds = array<i64: 2000, 32>}, {pipeline_mode = #tpu.pipeline_mode<synchronous>, transform_indices = @transform_9, window_bounds = array<i64: 128, 128>}, {pipeline_mode = #tpu.pipeline_mode<synchronous>, transform_indices = @transform_10, window_bounds = array<i64: 1, 128>}, {pipeline_mode = #tpu.pipeline_mode<synchronous>, transform_indices = @transform_11, window_bounds = array<i64: 128, 128>}, {transform_indices = @transform_12, window_bounds = array<i64: 2000, 128>}, {pipeline_mode = #tpu.pipeline_mode<synchronous>, transform_indices = @transform_13, window_bounds = array<i64: 8, 128>}]} {
    %get3A = arith.constant 0 : index
    %get3A_0 = arith.constant 0 : index
    %get3A_1 = arith.constant 0 : index
    %get3A_2 = vector.load %arg1[%get3A, %get3A_0, %get3A_1] : memref<2x2000x32xf32, #tpu.memory_space<vmem>>, vector<1x2000x32xf32>
    %get3A_3 = vector.shape_cast %get3A_2 : vector<1x2000x32xf32> to vector<2000x32xf32>
    %get3A_4 = arith.constant 1 : index
    %get3A_5 = arith.constant 0 : index
    %get3A_6 = arith.constant 0 : index
    %get3A_7 = vector.load %arg1[%get3A_4, %get3A_5, %get3A_6] : memref<2x2000x32xf32, #tpu.memory_space<vmem>>, vector<1x2000x32xf32>
    %get3A_8 = vector.shape_cast %get3A_7 : vector<1x2000x32xf32> to vector<2000x32xf32>
    %add3A = arith.addf %get3A_3, %get3A_8 : vector<2000x32xf32>
    %get3A_9 = arith.constant 0 : index
    %get3A_10 = arith.constant 0 : index
    %get3A_11 = arith.constant 0 : index
    %get3A_12 = vector.load %arg2[%get3A_9, %get3A_10, %get3A_11] : memref<2x2000x32xf32, #tpu.memory_space<vmem>>, vector<1x2000x32xf32>
    %get3A_13 = vector.shape_cast %get3A_12 : vector<1x2000x32xf32> to vector<2000x32xf32>
    %get3A_14 = arith.constant 1 : index
    %get3A_15 = arith.constant 0 : index
    %get3A_16 = arith.constant 0 : index
    %get3A_17 = vector.load %arg2[%get3A_14, %get3A_15, %get3A_16] : memref<2x2000x32xf32, #tpu.memory_space<vmem>>, vector<1x2000x32xf32>
    %get3A_18 = vector.shape_cast %get3A_17 : vector<1x2000x32xf32> to vector<2000x32xf32>
    %add3A_19 = arith.addf %get3A_13, %get3A_18 : vector<2000x32xf32>
    %get3A_20 = arith.constant 0 : index
    %get3A_21 = arith.constant 0 : index
    %get3A_22 = arith.constant 0 : index
    %get3A_23 = vector.load %arg3[%get3A_20, %get3A_21, %get3A_22] : memref<2x2000x32xf32, #tpu.memory_space<vmem>>, vector<1x2000x32xf32>
    %get3A_24 = vector.shape_cast %get3A_23 : vector<1x2000x32xf32> to vector<2000x32xf32>
    %get3A_25 = arith.constant 1 : index
    %get3A_26 = arith.constant 0 : index
    %get3A_27 = arith.constant 0 : index
    %get3A_28 = vector.load %arg3[%get3A_25, %get3A_26, %get3A_27] : memref<2x2000x32xf32, #tpu.memory_space<vmem>>, vector<1x2000x32xf32>
    %get3A_29 = vector.shape_cast %get3A_28 : vector<1x2000x32xf32> to vector<2000x32xf32>
    %add3A_30 = arith.addf %get3A_24, %get3A_29 : vector<2000x32xf32>
    %get3A_31 = arith.constant 0 : index
    %get3A_32 = arith.constant 0 : index
    %get3A_33 = arith.constant 0 : index
    %get3A_34 = vector.load %arg4[%get3A_31, %get3A_32, %get3A_33] : memref<2x2000x32xf32, #tpu.memory_space<vmem>>, vector<1x2000x32xf32>
    %get3A_35 = vector.shape_cast %get3A_34 : vector<1x2000x32xf32> to vector<2000x32xf32>
    %get3A_36 = arith.constant 1 : index
    %get3A_37 = arith.constant 0 : index
    %get3A_38 = arith.constant 0 : index
    %get3A_39 = vector.load %arg4[%get3A_36, %get3A_37, %get3A_38] : memref<2x2000x32xf32, #tpu.memory_space<vmem>>, vector<1x2000x32xf32>
    %get3A_40 = vector.shape_cast %get3A_39 : vector<1x2000x32xf32> to vector<2000x32xf32>
    %add3A_41 = arith.addf %get3A_35, %get3A_40 : vector<2000x32xf32>
    %concatenate3A = tpu.concatenate %add3A, %add3A_19, %add3A_30, %add3A_41 in 1 : vector<2000x32xf32>, vector<2000x32xf32>, vector<2000x32xf32>, vector<2000x32xf32> -> vector<2000x128xf32>
    %get3A_42 = arith.constant 0 : index
    %get3A_43 = arith.constant 0 : index
    %get3A_44 = vector.load %arg5[%get3A_42, %get3A_43] : memref<2000x1xf32, #tpu.memory_space<vmem>>, vector<2000x1xf32>
    %mul3A = vector.broadcast %get3A_44 : vector<2000x1xf32> to vector<2000x128xf32>
    %mul3A_45 = arith.mulf %concatenate3A, %mul3A : vector<2000x128xf32>
    %get3A_46 = arith.constant 0 : index
    %get3A_47 = arith.constant 0 : index
    %get3A_48 = vector.load %arg6[%get3A_46, %get3A_47] : memref<2000x32xf32, #tpu.memory_space<vmem>>, vector<2000x32xf32>
    %get3A_49 = arith.constant 0 : index
    %get3A_50 = arith.constant 0 : index
    %get3A_51 = vector.load %arg7[%get3A_49, %get3A_50] : memref<2000x32xf32, #tpu.memory_space<vmem>>, vector<2000x32xf32>
    %get3A_52 = arith.constant 0 : index
    %get3A_53 = arith.constant 0 : index
    %get3A_54 = vector.load %arg8[%get3A_52, %get3A_53] : memref<2000x32xf32, #tpu.memory_space<vmem>>, vector<2000x32xf32>
    %get3A_55 = arith.constant 0 : index
    %get3A_56 = arith.constant 0 : index
    %get3A_57 = vector.load %arg9[%get3A_55, %get3A_56] : memref<2000x32xf32, #tpu.memory_space<vmem>>, vector<2000x32xf32>
    %concatenate3A_58 = tpu.concatenate %get3A_48, %get3A_51, %get3A_54, %get3A_57 in 1 : vector<2000x32xf32>, vector<2000x32xf32>, vector<2000x32xf32>, vector<2000x32xf32> -> vector<2000x128xf32>
    %get3A_59 = arith.constant 0 : index
    %get3A_60 = arith.constant 0 : index
    %get3A_61 = vector.load %arg10[%get3A_59, %get3A_60] : memref<128x128xf32, #tpu.memory_space<vmem>>, vector<128x128xf32>
    %dot_general3A = arith.constant dense<0.000000e+00> : vector<2000x128xf32>
    %dot_general3A_62 = tpu.matmul %mul3A_45, %get3A_61, %dot_general3A {dimension_numbers = #tpu.dot_dimension_numbers<[1], [0], [0], [1], [0, 0, 1, 1], [], []>, transpose_lhs_hint = false} : vector<2000x128xf32>, vector<128x128xf32>, vector<2000x128xf32> -> vector<2000x128xf32>
    %get3A_63 = arith.constant 0 : index
    %get3A_64 = arith.constant 0 : index
    %get3A_65 = vector.load %arg11[%get3A_63, %get3A_64] : memref<1x128xf32, #tpu.memory_space<vmem>>, vector<1x128xf32>
    %add3A_66 = vector.broadcast %get3A_65 : vector<1x128xf32> to vector<2000x128xf32>
    %add3A_67 = arith.addf %dot_general3A_62, %add3A_66 : vector<2000x128xf32>
    %get3A_68 = arith.constant 0 : index
    %get3A_69 = arith.constant 0 : index
    %get3A_70 = vector.load %arg12[%get3A_68, %get3A_69] : memref<128x128xf32, #tpu.memory_space<vmem>>, vector<128x128xf32>
    %dot_general3A_71 = arith.constant dense<0.000000e+00> : vector<2000x128xf32>
    %dot_general3A_72 = tpu.matmul %concatenate3A_58, %get3A_70, %dot_general3A_71 {dimension_numbers = #tpu.dot_dimension_numbers<[1], [0], [0], [1], [0, 0, 1, 1], [], []>, transpose_lhs_hint = false} : vector<2000x128xf32>, vector<128x128xf32>, vector<2000x128xf32> -> vector<2000x128xf32>
    %add3A_73 = arith.addf %add3A_67, %dot_general3A_72 : vector<2000x128xf32>
    %mul3A_74 = arith.mulf %add3A_73, %add3A_73 : vector<2000x128xf32>
    %reduce_sum3A = arith.constant dense<0.000000e+00> : vector<2000xf32>
    %reduce_sum3A_75 = vector.multi_reduction <add>, %mul3A_74, %reduce_sum3A [1] : vector<2000x128xf32> to vector<2000xf32>
    %broadcast_in_dim3A = vector.shape_cast %reduce_sum3A_75 : vector<2000xf32> to vector<2000x1xf32>
    %sqrt3A = math.sqrt %broadcast_in_dim3A : vector<2000x1xf32>
    %max3A = arith.constant 9.99999996E-13 : f32
    %max3A_76 = vector.broadcast %max3A : f32 to vector<2000x1xf32>
    %max3A_77 = arith.maximumf %sqrt3A, %max3A_76 : vector<2000x1xf32>
    %div3A = vector.broadcast %max3A_77 : vector<2000x1xf32> to vector<2000x128xf32>
    %div3A_78 = arith.divf %add3A_73, %div3A : vector<2000x128xf32>
    %swap3A = arith.constant 0 : index
    %swap3A_79 = arith.constant 0 : index
    %swap3A_80 = vector.load %arg13[%swap3A, %swap3A_79] : memref<2000x128xf32, #tpu.memory_space<vmem>>, vector<2000x128xf32>
    tpu.vector_store %arg13[%swap3A, %swap3A_79], %div3A_78 {strides = array<i32>} : memref<2000x128xf32, #tpu.memory_space<vmem>>, vector<2000x128xf32>,
    %eq3A = arith.constant 0 : i32
    %eq3A_81 = arith.cmpi eq, %arg0, %eq3A : i32
    %convert_element_type3A = arith.extui %eq3A_81 : i1 to i32
    %cond3A = arith.constant 0 : i32
    %cond3A_82 = arith.cmpi ne, %convert_element_type3A, %cond3A : i32
    scf.if %cond3A_82 {
      %broadcast_in_dim3A_104 = arith.constant 0.000000e+00 : f32
      %broadcast_in_dim3A_105 = vector.broadcast %broadcast_in_dim3A_104 : f32 to vector<8x128xf32>
      %swap3A_106 = arith.constant 0 : index
      %swap3A_107 = arith.constant 0 : index
      %swap3A_108 = vector.load %arg14[%swap3A_106, %swap3A_107] : memref<8x128xf32, #tpu.memory_space<vmem>>, vector<8x128xf32>
      tpu.vector_store %arg14[%swap3A_106, %swap3A_107], %broadcast_in_dim3A_105 {strides = array<i32>} : memref<8x128xf32, #tpu.memory_space<vmem>>, vector<8x128xf32>,
    } else {
    }
    %get3A_83 = arith.constant 0 : index
    %get3A_84 = arith.constant 0 : index
    %get3A_85 = vector.load %arg14[%get3A_83, %get3A_84] : memref<8x128xf32, #tpu.memory_space<vmem>>, vector<1x128xf32>
    %reduce_sum3A_86 = arith.constant dense<0.000000e+00> : vector<128xf32>
    %reduce_sum3A_87 = vector.multi_reduction <add>, %div3A_78, %reduce_sum3A_86 [0] : vector<2000x128xf32> to vector<128xf32>
    %broadcast_in_dim3A_88 = vector.shape_cast %reduce_sum3A_87 : vector<128xf32> to vector<1x128xf32>
    %add3A_89 = arith.addf %get3A_85, %broadcast_in_dim3A_88 : vector<1x128xf32>
    %swap3A_90 = arith.constant 0 : index
    %swap3A_91 = arith.constant 0 : index
    %swap3A_92 = vector.load %arg14[%swap3A_90, %swap3A_91] : memref<8x128xf32, #tpu.memory_space<vmem>>, vector<1x128xf32>
    tpu.vector_store %arg14[%swap3A_90, %swap3A_91], %add3A_89 {strides = array<i32>} : memref<8x128xf32, #tpu.memory_space<vmem>>, vector<1x128xf32>,
    %get3A_93 = arith.constant 1 : index
    %get3A_94 = arith.constant 0 : index
    %get3A_95 = vector.load %arg14[%get3A_93, %get3A_94] : memref<8x128xf32, #tpu.memory_space<vmem>>, vector<1x128xf32>
    %mul3A_96 = arith.mulf %div3A_78, %div3A_78 : vector<2000x128xf32>
    %reduce_sum3A_97 = arith.constant dense<0.000000e+00> : vector<128xf32>
    %reduce_sum3A_98 = vector.multi_reduction <add>, %mul3A_96, %reduce_sum3A_97 [0] : vector<2000x128xf32> to vector<128xf32>
    %broadcast_in_dim3A_99 = vector.shape_cast %reduce_sum3A_98 : vector<128xf32> to vector<1x128xf32>
    %add3A_100 = arith.addf %get3A_95, %broadcast_in_dim3A_99 : vector<1x128xf32>
    %swap3A_101 = arith.constant 1 : index
    %swap3A_102 = arith.constant 0 : index
    %swap3A_103 = vector.load %arg14[%swap3A_101, %swap3A_102] : memref<8x128xf32, #tpu.memory_space<vmem>>, vector<1x128xf32>
    tpu.vector_store %arg14[%swap3A_101, %swap3A_102], %add3A_100 {strides = array<i32>} : memref<8x128xf32, #tpu.memory_space<vmem>>, vector<1x128xf32>,
    return
  }
  func.func @transform_0(%arg0: i32) -> (i32, i32, i32) {
    %c0_i32 = arith.constant 0 : i32
    %c0_i32_0 = arith.constant 0 : i32
    %c0_i32_1 = arith.constant 0 : i32
    return %c0_i32, %arg0, %c0_i32_0 : i32, i32, i32
  }
  func.func @transform_1(%arg0: i32) -> (i32, i32, i32) {
    %c0_i32 = arith.constant 0 : i32
    %c0_i32_0 = arith.constant 0 : i32
    %c0_i32_1 = arith.constant 0 : i32
    return %c0_i32, %arg0, %c0_i32_0 : i32, i32, i32
  }
  func.func @transform_2(%arg0: i32) -> (i32, i32, i32) {
    %c0_i32 = arith.constant 0 : i32
    %c0_i32_0 = arith.constant 0 : i32
    %c0_i32_1 = arith.constant 0 : i32
    return %c0_i32, %arg0, %c0_i32_0 : i32, i32, i32
  }
  func.func @transform_3(%arg0: i32) -> (i32, i32, i32) {
    %c0_i32 = arith.constant 0 : i32
    %c0_i32_0 = arith.constant 0 : i32
    %c0_i32_1 = arith.constant 0 : i32
    return %c0_i32, %arg0, %c0_i32_0 : i32, i32, i32
  }
  func.func @transform_4(%arg0: i32) -> (i32, i32) {
    %c0_i32 = arith.constant 0 : i32
    %c0_i32_0 = arith.constant 0 : i32
    return %arg0, %c0_i32 : i32, i32
  }
  func.func @transform_5(%arg0: i32) -> (i32, i32) {
    %c0_i32 = arith.constant 0 : i32
    %c0_i32_0 = arith.constant 0 : i32
    return %arg0, %c0_i32 : i32, i32
  }
  func.func @transform_6(%arg0: i32) -> (i32, i32) {
    %c0_i32 = arith.constant 0 : i32
    %c0_i32_0 = arith.constant 0 : i32
    return %arg0, %c0_i32 : i32, i32
  }
  func.func @transform_7(%arg0: i32) -> (i32, i32) {
    %c0_i32 = arith.constant 0 : i32
    %c0_i32_0 = arith.constant 0 : i32
    return %arg0, %c0_i32 : i32, i32
  }
  func.func @transform_8(%arg0: i32) -> (i32, i32) {
    %c0_i32 = arith.constant 0 : i32
    %c0_i32_0 = arith.constant 0 : i32
    return %arg0, %c0_i32 : i32, i32
  }
  func.func @transform_9(%arg0: i32) -> (i32, i32) {
    %c0_i32 = arith.constant 0 : i32
    %c0_i32_0 = arith.constant 0 : i32
    %c0_i32_1 = arith.constant 0 : i32
    return %c0_i32, %c0_i32_0 : i32, i32
  }
  func.func @transform_10(%arg0: i32) -> (i32, i32) {
    %c0_i32 = arith.constant 0 : i32
    %c0_i32_0 = arith.constant 0 : i32
    %c0_i32_1 = arith.constant 0 : i32
    return %c0_i32, %c0_i32_0 : i32, i32
  }
  func.func @transform_11(%arg0: i32) -> (i32, i32) {
    %c0_i32 = arith.constant 0 : i32
    %c0_i32_0 = arith.constant 0 : i32
    %c0_i32_1 = arith.constant 0 : i32
    return %c0_i32, %c0_i32_0 : i32, i32
  }
  func.func @transform_12(%arg0: i32) -> (i32, i32) {
    %c0_i32 = arith.constant 0 : i32
    %c0_i32_0 = arith.constant 0 : i32
    return %arg0, %c0_i32 : i32, i32
  }
  func.func @transform_13(%arg0: i32) -> (i32, i32) {
    %c0_i32 = arith.constant 0 : i32
    %c0_i32_0 = arith.constant 0 : i32
    %c0_i32_1 = arith.constant 0 : i32
    return %c0_i32, %c0_i32_0 : i32, i32
  }
}

module attributes {stable_mosaic.version = 14 : i64} {
  func.func @_tc4_body(%arg0: i32, %arg1: memref<2000x128xf32, #tpu.memory_space<vmem>>, %arg2: memref<8x128xf32, #tpu.memory_space<vmem>>, %arg3: memref<1x128xf32, #tpu.memory_space<vmem>>, %arg4: memref<1x128xf32, #tpu.memory_space<vmem>>, %arg5: memref<128x64xf32, #tpu.memory_space<vmem>>, %arg6: memref<1x64xf32, #tpu.memory_space<vmem>>, %arg7: memref<128x64xf32, #tpu.memory_space<vmem>>, %arg8: memref<2000x32xf32, #tpu.memory_space<vmem>>, %arg9: memref<2000x32xf32, #tpu.memory_space<vmem>>, %arg10: memref<2000x64xf32, #tpu.memory_space<vmem>>) attributes {dimension_semantics = [#tpu.dimension_semantics<arbitrary>], iteration_bounds = array<i64: 25>, scalar_prefetch = 0 : i64, scratch_operands = 0 : i64, tpu.core_type = #tpu.core_type<tc>, window_params = [{transform_indices = @transform_0, window_bounds = array<i64: 2000, 128>}, {pipeline_mode = #tpu.pipeline_mode<synchronous>, transform_indices = @transform_1, window_bounds = array<i64: 8, 128>}, {pipeline_mode = #tpu.pipeline_mode<synchronous>, transform_indices = @transform_2, window_bounds = array<i64: 1, 128>}, {pipeline_mode = #tpu.pipeline_mode<synchronous>, transform_indices = @transform_3, window_bounds = array<i64: 1, 128>}, {pipeline_mode = #tpu.pipeline_mode<synchronous>, transform_indices = @transform_4, window_bounds = array<i64: 128, 64>}, {pipeline_mode = #tpu.pipeline_mode<synchronous>, transform_indices = @transform_5, window_bounds = array<i64: 1, 64>}, {pipeline_mode = #tpu.pipeline_mode<synchronous>, transform_indices = @transform_6, window_bounds = array<i64: 128, 64>}, {transform_indices = @transform_7, window_bounds = array<i64: 2000, 32>}, {transform_indices = @transform_8, window_bounds = array<i64: 2000, 32>}, {transform_indices = @transform_9, window_bounds = array<i64: 2000, 64>}]} {
    %get3A = arith.constant 0 : index
    %get3A_0 = arith.constant 0 : index
    %get3A_1 = vector.load %arg1[%get3A, %get3A_0] : memref<2000x128xf32, #tpu.memory_space<vmem>>, vector<2000x128xf32>
    %get3A_2 = arith.constant 0 : index
    %get3A_3 = arith.constant 0 : index
    %get3A_4 = vector.load %arg2[%get3A_2, %get3A_3] : memref<8x128xf32, #tpu.memory_space<vmem>>, vector<1x128xf32>
    %div3A = arith.constant 5.000000e+04 : f32
    %div3A_5 = vector.broadcast %div3A : f32 to vector<1x128xf32>
    %div3A_6 = arith.divf %get3A_4, %div3A_5 : vector<1x128xf32>
    %get3A_7 = arith.constant 1 : index
    %get3A_8 = arith.constant 0 : index
    %get3A_9 = vector.load %arg2[%get3A_7, %get3A_8] : memref<8x128xf32, #tpu.memory_space<vmem>>, vector<1x128xf32>
    %div3A_10 = arith.constant 5.000000e+04 : f32
    %div3A_11 = vector.broadcast %div3A_10 : f32 to vector<1x128xf32>
    %div3A_12 = arith.divf %get3A_9, %div3A_11 : vector<1x128xf32>
    %mul3A = arith.mulf %div3A_6, %div3A_6 : vector<1x128xf32>
    %sub3A = arith.subf %div3A_12, %mul3A : vector<1x128xf32>
    %get3A_13 = arith.constant 0 : index
    %get3A_14 = arith.constant 0 : index
    %get3A_15 = vector.load %arg3[%get3A_13, %get3A_14] : memref<1x128xf32, #tpu.memory_space<vmem>>, vector<1x128xf32>
    %add3A = arith.constant 9.99999974E-6 : f32
    %add3A_16 = vector.broadcast %add3A : f32 to vector<1x128xf32>
    %add3A_17 = arith.addf %sub3A, %add3A_16 : vector<1x128xf32>
    %sqrt3A = math.sqrt %add3A_17 : vector<1x128xf32>
    %div3A_18 = arith.divf %get3A_15, %sqrt3A : vector<1x128xf32>
    %get3A_19 = arith.constant 0 : index
    %get3A_20 = arith.constant 0 : index
    %get3A_21 = vector.load %arg4[%get3A_19, %get3A_20] : memref<1x128xf32, #tpu.memory_space<vmem>>, vector<1x128xf32>
    %mul3A_22 = arith.mulf %div3A_6, %div3A_18 : vector<1x128xf32>
    %sub3A_23 = arith.subf %get3A_21, %mul3A_22 : vector<1x128xf32>
    %mul3A_24 = vector.broadcast %div3A_18 : vector<1x128xf32> to vector<2000x128xf32>
    %mul3A_25 = arith.mulf %get3A_1, %mul3A_24 : vector<2000x128xf32>
    %add3A_26 = vector.broadcast %sub3A_23 : vector<1x128xf32> to vector<2000x128xf32>
    %add3A_27 = arith.addf %mul3A_25, %add3A_26 : vector<2000x128xf32>
    %max3A = arith.constant 0.000000e+00 : f32
    %max3A_28 = vector.broadcast %max3A : f32 to vector<2000x128xf32>
    %max3A_29 = arith.maximumf %add3A_27, %max3A_28 : vector<2000x128xf32>
    %get3A_30 = arith.constant 0 : index
    %get3A_31 = arith.constant 0 : index
    %get3A_32 = vector.load %arg5[%get3A_30, %get3A_31] : memref<128x64xf32, #tpu.memory_space<vmem>>, vector<128x64xf32>
    %dot_general3A = arith.constant dense<0.000000e+00> : vector<2000x64xf32>
    %dot_general3A_33 = tpu.matmul %max3A_29, %get3A_32, %dot_general3A {dimension_numbers = #tpu.dot_dimension_numbers<[1], [0], [0], [1], [0, 0, 1, 1], [], []>, transpose_lhs_hint = false} : vector<2000x128xf32>, vector<128x64xf32>, vector<2000x64xf32> -> vector<2000x64xf32>
    %slice3A = vector.extract_strided_slice %dot_general3A_33 {offsets = [0, 0], sizes = [2000, 32], strides = [1, 1]} : vector<2000x64xf32> to vector<2000x32xf32>
    %swap3A = arith.constant 0 : index
    %swap3A_34 = arith.constant 0 : index
    %swap3A_35 = vector.load %arg8[%swap3A, %swap3A_34] : memref<2000x32xf32, #tpu.memory_space<vmem>>, vector<2000x32xf32>
    tpu.vector_store %arg8[%swap3A, %swap3A_34], %slice3A {strides = array<i32>} : memref<2000x32xf32, #tpu.memory_space<vmem>>, vector<2000x32xf32>,
    %slice3A_36 = vector.extract_strided_slice %dot_general3A_33 {offsets = [0, 32], sizes = [2000, 32], strides = [1, 1]} : vector<2000x64xf32> to vector<2000x32xf32>
    %swap3A_37 = arith.constant 0 : index
    %swap3A_38 = arith.constant 0 : index
    %swap3A_39 = vector.load %arg9[%swap3A_37, %swap3A_38] : memref<2000x32xf32, #tpu.memory_space<vmem>>, vector<2000x32xf32>
    tpu.vector_store %arg9[%swap3A_37, %swap3A_38], %slice3A_36 {strides = array<i32>} : memref<2000x32xf32, #tpu.memory_space<vmem>>, vector<2000x32xf32>,
    %get3A_40 = arith.constant 0 : index
    %get3A_41 = arith.constant 0 : index
    %get3A_42 = vector.load %arg7[%get3A_40, %get3A_41] : memref<128x64xf32, #tpu.memory_space<vmem>>, vector<128x64xf32>
    %dot_general3A_43 = arith.constant dense<0.000000e+00> : vector<2000x64xf32>
    %dot_general3A_44 = tpu.matmul %max3A_29, %get3A_42, %dot_general3A_43 {dimension_numbers = #tpu.dot_dimension_numbers<[1], [0], [0], [1], [0, 0, 1, 1], [], []>, transpose_lhs_hint = false} : vector<2000x128xf32>, vector<128x64xf32>, vector<2000x64xf32> -> vector<2000x64xf32>
    %get3A_45 = arith.constant 0 : index
    %get3A_46 = arith.constant 0 : index
    %get3A_47 = vector.load %arg6[%get3A_45, %get3A_46] : memref<1x64xf32, #tpu.memory_space<vmem>>, vector<1x64xf32>
    %add3A_48 = vector.broadcast %get3A_47 : vector<1x64xf32> to vector<2000x64xf32>
    %add3A_49 = arith.addf %dot_general3A_44, %add3A_48 : vector<2000x64xf32>
    %swap3A_50 = arith.constant 0 : index
    %swap3A_51 = arith.constant 0 : index
    %swap3A_52 = vector.load %arg10[%swap3A_50, %swap3A_51] : memref<2000x64xf32, #tpu.memory_space<vmem>>, vector<2000x64xf32>
    tpu.vector_store %arg10[%swap3A_50, %swap3A_51], %add3A_49 {strides = array<i32>} : memref<2000x64xf32, #tpu.memory_space<vmem>>, vector<2000x64xf32>,
    return
  }
  func.func @transform_0(%arg0: i32) -> (i32, i32) {
    %c0_i32 = arith.constant 0 : i32
    %c0_i32_0 = arith.constant 0 : i32
    return %arg0, %c0_i32 : i32, i32
  }
  func.func @transform_1(%arg0: i32) -> (i32, i32) {
    %c0_i32 = arith.constant 0 : i32
    %c0_i32_0 = arith.constant 0 : i32
    %c0_i32_1 = arith.constant 0 : i32
    return %c0_i32, %c0_i32_0 : i32, i32
  }
  func.func @transform_2(%arg0: i32) -> (i32, i32) {
    %c0_i32 = arith.constant 0 : i32
    %c0_i32_0 = arith.constant 0 : i32
    %c0_i32_1 = arith.constant 0 : i32
    return %c0_i32, %c0_i32_0 : i32, i32
  }
  func.func @transform_3(%arg0: i32) -> (i32, i32) {
    %c0_i32 = arith.constant 0 : i32
    %c0_i32_0 = arith.constant 0 : i32
    %c0_i32_1 = arith.constant 0 : i32
    return %c0_i32, %c0_i32_0 : i32, i32
  }
  func.func @transform_4(%arg0: i32) -> (i32, i32) {
    %c0_i32 = arith.constant 0 : i32
    %c0_i32_0 = arith.constant 0 : i32
    %c0_i32_1 = arith.constant 0 : i32
    return %c0_i32, %c0_i32_0 : i32, i32
  }
  func.func @transform_5(%arg0: i32) -> (i32, i32) {
    %c0_i32 = arith.constant 0 : i32
    %c0_i32_0 = arith.constant 0 : i32
    %c0_i32_1 = arith.constant 0 : i32
    return %c0_i32, %c0_i32_0 : i32, i32
  }
  func.func @transform_6(%arg0: i32) -> (i32, i32) {
    %c0_i32 = arith.constant 0 : i32
    %c0_i32_0 = arith.constant 0 : i32
    %c0_i32_1 = arith.constant 0 : i32
    return %c0_i32, %c0_i32_0 : i32, i32
  }
  func.func @transform_7(%arg0: i32) -> (i32, i32) {
    %c0_i32 = arith.constant 0 : i32
    %c0_i32_0 = arith.constant 0 : i32
    return %arg0, %c0_i32 : i32, i32
  }
  func.func @transform_8(%arg0: i32) -> (i32, i32) {
    %c0_i32 = arith.constant 0 : i32
    %c0_i32_0 = arith.constant 0 : i32
    return %arg0, %c0_i32 : i32, i32
  }
  func.func @transform_9(%arg0: i32) -> (i32, i32) {
    %c0_i32 = arith.constant 0 : i32
    %c0_i32_0 = arith.constant 0 : i32
    return %arg0, %c0_i32 : i32, i32
  }
}

module attributes {stable_mosaic.version = 14 : i64} {
  func.func @_tc5_body(%arg0: i32, %arg1: memref<2x2000x32xf32, #tpu.memory_space<vmem>>, %arg2: memref<2x2000x32xf32, #tpu.memory_space<vmem>>, %arg3: memref<2000x1xf32, #tpu.memory_space<vmem>>, %arg4: memref<2000x64xf32, #tpu.memory_space<vmem>>, %arg5: memref<2000x64xf32, #tpu.memory_space<vmem>>, %arg6: memref<8x64xf32, #tpu.memory_space<vmem>>) attributes {dimension_semantics = [#tpu.dimension_semantics<arbitrary>], iteration_bounds = array<i64: 25>, scalar_prefetch = 0 : i64, scratch_operands = 0 : i64, tpu.core_type = #tpu.core_type<tc>, window_params = [{transform_indices = @transform_0, window_bounds = array<i64: 2, 2000, 32>}, {transform_indices = @transform_1, window_bounds = array<i64: 2, 2000, 32>}, {transform_indices = @transform_2, window_bounds = array<i64: 2000, 1>}, {transform_indices = @transform_3, window_bounds = array<i64: 2000, 64>}, {transform_indices = @transform_4, window_bounds = array<i64: 2000, 64>}, {pipeline_mode = #tpu.pipeline_mode<synchronous>, transform_indices = @transform_5, window_bounds = array<i64: 8, 64>}]} {
    %get3A = arith.constant 0 : index
    %get3A_0 = arith.constant 0 : index
    %get3A_1 = arith.constant 0 : index
    %get3A_2 = vector.load %arg1[%get3A, %get3A_0, %get3A_1] : memref<2x2000x32xf32, #tpu.memory_space<vmem>>, vector<1x2000x32xf32>
    %get3A_3 = vector.shape_cast %get3A_2 : vector<1x2000x32xf32> to vector<2000x32xf32>
    %get3A_4 = arith.constant 1 : index
    %get3A_5 = arith.constant 0 : index
    %get3A_6 = arith.constant 0 : index
    %get3A_7 = vector.load %arg1[%get3A_4, %get3A_5, %get3A_6] : memref<2x2000x32xf32, #tpu.memory_space<vmem>>, vector<1x2000x32xf32>
    %get3A_8 = vector.shape_cast %get3A_7 : vector<1x2000x32xf32> to vector<2000x32xf32>
    %add3A = arith.addf %get3A_3, %get3A_8 : vector<2000x32xf32>
    %get3A_9 = arith.constant 0 : index
    %get3A_10 = arith.constant 0 : index
    %get3A_11 = arith.constant 0 : index
    %get3A_12 = vector.load %arg2[%get3A_9, %get3A_10, %get3A_11] : memref<2x2000x32xf32, #tpu.memory_space<vmem>>, vector<1x2000x32xf32>
    %get3A_13 = vector.shape_cast %get3A_12 : vector<1x2000x32xf32> to vector<2000x32xf32>
    %get3A_14 = arith.constant 1 : index
    %get3A_15 = arith.constant 0 : index
    %get3A_16 = arith.constant 0 : index
    %get3A_17 = vector.load %arg2[%get3A_14, %get3A_15, %get3A_16] : memref<2x2000x32xf32, #tpu.memory_space<vmem>>, vector<1x2000x32xf32>
    %get3A_18 = vector.shape_cast %get3A_17 : vector<1x2000x32xf32> to vector<2000x32xf32>
    %add3A_19 = arith.addf %get3A_13, %get3A_18 : vector<2000x32xf32>
    %concatenate3A = tpu.concatenate %add3A, %add3A_19 in 1 : vector<2000x32xf32>, vector<2000x32xf32> -> vector<2000x64xf32>
    %get3A_20 = arith.constant 0 : index
    %get3A_21 = arith.constant 0 : index
    %get3A_22 = vector.load %arg3[%get3A_20, %get3A_21] : memref<2000x1xf32, #tpu.memory_space<vmem>>, vector<2000x1xf32>
    %mul3A = vector.broadcast %get3A_22 : vector<2000x1xf32> to vector<2000x64xf32>
    %mul3A_23 = arith.mulf %concatenate3A, %mul3A : vector<2000x64xf32>
    %get3A_24 = arith.constant 0 : index
    %get3A_25 = arith.constant 0 : index
    %get3A_26 = vector.load %arg4[%get3A_24, %get3A_25] : memref<2000x64xf32, #tpu.memory_space<vmem>>, vector<2000x64xf32>
    %add3A_27 = arith.addf %mul3A_23, %get3A_26 : vector<2000x64xf32>
    %mul3A_28 = arith.mulf %add3A_27, %add3A_27 : vector<2000x64xf32>
    %reduce_sum3A = arith.constant dense<0.000000e+00> : vector<2000xf32>
    %reduce_sum3A_29 = vector.multi_reduction <add>, %mul3A_28, %reduce_sum3A [1] : vector<2000x64xf32> to vector<2000xf32>
    %broadcast_in_dim3A = vector.shape_cast %reduce_sum3A_29 : vector<2000xf32> to vector<2000x1xf32>
    %sqrt3A = math.sqrt %broadcast_in_dim3A : vector<2000x1xf32>
    %max3A = arith.constant 9.99999996E-13 : f32
    %max3A_30 = vector.broadcast %max3A : f32 to vector<2000x1xf32>
    %max3A_31 = arith.maximumf %sqrt3A, %max3A_30 : vector<2000x1xf32>
    %div3A = vector.broadcast %max3A_31 : vector<2000x1xf32> to vector<2000x64xf32>
    %div3A_32 = arith.divf %add3A_27, %div3A : vector<2000x64xf32>
    %swap3A = arith.constant 0 : index
    %swap3A_33 = arith.constant 0 : index
    %swap3A_34 = vector.load %arg5[%swap3A, %swap3A_33] : memref<2000x64xf32, #tpu.memory_space<vmem>>, vector<2000x64xf32>
    tpu.vector_store %arg5[%swap3A, %swap3A_33], %div3A_32 {strides = array<i32>} : memref<2000x64xf32, #tpu.memory_space<vmem>>, vector<2000x64xf32>,
    %eq3A = arith.constant 0 : i32
    %eq3A_35 = arith.cmpi eq, %arg0, %eq3A : i32
    %convert_element_type3A = arith.extui %eq3A_35 : i1 to i32
    %cond3A = arith.constant 0 : i32
    %cond3A_36 = arith.cmpi ne, %convert_element_type3A, %cond3A : i32
    scf.if %cond3A_36 {
      %broadcast_in_dim3A_58 = arith.constant 0.000000e+00 : f32
      %broadcast_in_dim3A_59 = vector.broadcast %broadcast_in_dim3A_58 : f32 to vector<8x64xf32>
      %swap3A_60 = arith.constant 0 : index
      %swap3A_61 = arith.constant 0 : index
      %swap3A_62 = vector.load %arg6[%swap3A_60, %swap3A_61] : memref<8x64xf32, #tpu.memory_space<vmem>>, vector<8x64xf32>
      tpu.vector_store %arg6[%swap3A_60, %swap3A_61], %broadcast_in_dim3A_59 {strides = array<i32>} : memref<8x64xf32, #tpu.memory_space<vmem>>, vector<8x64xf32>,
    } else {
    }
    %get3A_37 = arith.constant 0 : index
    %get3A_38 = arith.constant 0 : index
    %get3A_39 = vector.load %arg6[%get3A_37, %get3A_38] : memref<8x64xf32, #tpu.memory_space<vmem>>, vector<1x64xf32>
    %reduce_sum3A_40 = arith.constant dense<0.000000e+00> : vector<64xf32>
    %reduce_sum3A_41 = vector.multi_reduction <add>, %div3A_32, %reduce_sum3A_40 [0] : vector<2000x64xf32> to vector<64xf32>
    %broadcast_in_dim3A_42 = vector.shape_cast %reduce_sum3A_41 : vector<64xf32> to vector<1x64xf32>
    %add3A_43 = arith.addf %get3A_39, %broadcast_in_dim3A_42 : vector<1x64xf32>
    %swap3A_44 = arith.constant 0 : index
    %swap3A_45 = arith.constant 0 : index
    %swap3A_46 = vector.load %arg6[%swap3A_44, %swap3A_45] : memref<8x64xf32, #tpu.memory_space<vmem>>, vector<1x64xf32>
    tpu.vector_store %arg6[%swap3A_44, %swap3A_45], %add3A_43 {strides = array<i32>} : memref<8x64xf32, #tpu.memory_space<vmem>>, vector<1x64xf32>,
    %get3A_47 = arith.constant 1 : index
    %get3A_48 = arith.constant 0 : index
    %get3A_49 = vector.load %arg6[%get3A_47, %get3A_48] : memref<8x64xf32, #tpu.memory_space<vmem>>, vector<1x64xf32>
    %mul3A_50 = arith.mulf %div3A_32, %div3A_32 : vector<2000x64xf32>
    %reduce_sum3A_51 = arith.constant dense<0.000000e+00> : vector<64xf32>
    %reduce_sum3A_52 = vector.multi_reduction <add>, %mul3A_50, %reduce_sum3A_51 [0] : vector<2000x64xf32> to vector<64xf32>
    %broadcast_in_dim3A_53 = vector.shape_cast %reduce_sum3A_52 : vector<64xf32> to vector<1x64xf32>
    %add3A_54 = arith.addf %get3A_49, %broadcast_in_dim3A_53 : vector<1x64xf32>
    %swap3A_55 = arith.constant 1 : index
    %swap3A_56 = arith.constant 0 : index
    %swap3A_57 = vector.load %arg6[%swap3A_55, %swap3A_56] : memref<8x64xf32, #tpu.memory_space<vmem>>, vector<1x64xf32>
    tpu.vector_store %arg6[%swap3A_55, %swap3A_56], %add3A_54 {strides = array<i32>} : memref<8x64xf32, #tpu.memory_space<vmem>>, vector<1x64xf32>,
    return
  }
  func.func @transform_0(%arg0: i32) -> (i32, i32, i32) {
    %c0_i32 = arith.constant 0 : i32
    %c0_i32_0 = arith.constant 0 : i32
    %c0_i32_1 = arith.constant 0 : i32
    return %c0_i32, %arg0, %c0_i32_0 : i32, i32, i32
  }
  func.func @transform_1(%arg0: i32) -> (i32, i32, i32) {
    %c0_i32 = arith.constant 0 : i32
    %c0_i32_0 = arith.constant 0 : i32
    %c0_i32_1 = arith.constant 0 : i32
    return %c0_i32, %arg0, %c0_i32_0 : i32, i32, i32
  }
  func.func @transform_2(%arg0: i32) -> (i32, i32) {
    %c0_i32 = arith.constant 0 : i32
    %c0_i32_0 = arith.constant 0 : i32
    return %arg0, %c0_i32 : i32, i32
  }
  func.func @transform_3(%arg0: i32) -> (i32, i32) {
    %c0_i32 = arith.constant 0 : i32
    %c0_i32_0 = arith.constant 0 : i32
    return %arg0, %c0_i32 : i32, i32
  }
  func.func @transform_4(%arg0: i32) -> (i32, i32) {
    %c0_i32 = arith.constant 0 : i32
    %c0_i32_0 = arith.constant 0 : i32
    return %arg0, %c0_i32 : i32, i32
  }
  func.func @transform_5(%arg0: i32) -> (i32, i32) {
    %c0_i32 = arith.constant 0 : i32
    %c0_i32_0 = arith.constant 0 : i32
    %c0_i32_1 = arith.constant 0 : i32
    return %c0_i32, %c0_i32_0 : i32, i32
  }
}

module attributes {stable_mosaic.version = 14 : i64} {
  func.func @_tc6_body(%arg0: i32, %arg1: memref<2000x64xf32, #tpu.memory_space<vmem>>, %arg2: memref<8x64xf32, #tpu.memory_space<vmem>>, %arg3: memref<1x64xf32, #tpu.memory_space<vmem>>, %arg4: memref<1x64xf32, #tpu.memory_space<vmem>>, %arg5: memref<64x64xf32, #tpu.memory_space<vmem>>, %arg6: memref<1x64xf32, #tpu.memory_space<vmem>>, %arg7: memref<64x32xf32, #tpu.memory_space<vmem>>, %arg8: memref<1x32xf32, #tpu.memory_space<vmem>>, %arg9: memref<32x1xf32, #tpu.memory_space<vmem>>, %arg10: memref<1x1xf32, #tpu.memory_space<vmem>>, %arg11: memref<2000x1xf32, #tpu.memory_space<vmem>>) attributes {dimension_semantics = [#tpu.dimension_semantics<arbitrary>], iteration_bounds = array<i64: 25>, scalar_prefetch = 0 : i64, scratch_operands = 0 : i64, tpu.core_type = #tpu.core_type<tc>, window_params = [{transform_indices = @transform_0, window_bounds = array<i64: 2000, 64>}, {pipeline_mode = #tpu.pipeline_mode<synchronous>, transform_indices = @transform_1, window_bounds = array<i64: 8, 64>}, {pipeline_mode = #tpu.pipeline_mode<synchronous>, transform_indices = @transform_2, window_bounds = array<i64: 1, 64>}, {pipeline_mode = #tpu.pipeline_mode<synchronous>, transform_indices = @transform_3, window_bounds = array<i64: 1, 64>}, {pipeline_mode = #tpu.pipeline_mode<synchronous>, transform_indices = @transform_4, window_bounds = array<i64: 64, 64>}, {pipeline_mode = #tpu.pipeline_mode<synchronous>, transform_indices = @transform_5, window_bounds = array<i64: 1, 64>}, {pipeline_mode = #tpu.pipeline_mode<synchronous>, transform_indices = @transform_6, window_bounds = array<i64: 64, 32>}, {pipeline_mode = #tpu.pipeline_mode<synchronous>, transform_indices = @transform_7, window_bounds = array<i64: 1, 32>}, {pipeline_mode = #tpu.pipeline_mode<synchronous>, transform_indices = @transform_8, window_bounds = array<i64: 32, 1>}, {pipeline_mode = #tpu.pipeline_mode<synchronous>, transform_indices = @transform_9, window_bounds = array<i64: 1, 1>}, {transform_indices = @transform_10, window_bounds = array<i64: 2000, 1>}]} {
    %get3A = arith.constant 0 : index
    %get3A_0 = arith.constant 0 : index
    %get3A_1 = vector.load %arg1[%get3A, %get3A_0] : memref<2000x64xf32, #tpu.memory_space<vmem>>, vector<2000x64xf32>
    %get3A_2 = arith.constant 0 : index
    %get3A_3 = arith.constant 0 : index
    %get3A_4 = vector.load %arg2[%get3A_2, %get3A_3] : memref<8x64xf32, #tpu.memory_space<vmem>>, vector<1x64xf32>
    %div3A = arith.constant 5.000000e+04 : f32
    %div3A_5 = vector.broadcast %div3A : f32 to vector<1x64xf32>
    %div3A_6 = arith.divf %get3A_4, %div3A_5 : vector<1x64xf32>
    %get3A_7 = arith.constant 1 : index
    %get3A_8 = arith.constant 0 : index
    %get3A_9 = vector.load %arg2[%get3A_7, %get3A_8] : memref<8x64xf32, #tpu.memory_space<vmem>>, vector<1x64xf32>
    %div3A_10 = arith.constant 5.000000e+04 : f32
    %div3A_11 = vector.broadcast %div3A_10 : f32 to vector<1x64xf32>
    %div3A_12 = arith.divf %get3A_9, %div3A_11 : vector<1x64xf32>
    %mul3A = arith.mulf %div3A_6, %div3A_6 : vector<1x64xf32>
    %sub3A = arith.subf %div3A_12, %mul3A : vector<1x64xf32>
    %get3A_13 = arith.constant 0 : index
    %get3A_14 = arith.constant 0 : index
    %get3A_15 = vector.load %arg3[%get3A_13, %get3A_14] : memref<1x64xf32, #tpu.memory_space<vmem>>, vector<1x64xf32>
    %add3A = arith.constant 9.99999974E-6 : f32
    %add3A_16 = vector.broadcast %add3A : f32 to vector<1x64xf32>
    %add3A_17 = arith.addf %sub3A, %add3A_16 : vector<1x64xf32>
    %sqrt3A = math.sqrt %add3A_17 : vector<1x64xf32>
    %div3A_18 = arith.divf %get3A_15, %sqrt3A : vector<1x64xf32>
    %get3A_19 = arith.constant 0 : index
    %get3A_20 = arith.constant 0 : index
    %get3A_21 = vector.load %arg4[%get3A_19, %get3A_20] : memref<1x64xf32, #tpu.memory_space<vmem>>, vector<1x64xf32>
    %mul3A_22 = arith.mulf %div3A_6, %div3A_18 : vector<1x64xf32>
    %sub3A_23 = arith.subf %get3A_21, %mul3A_22 : vector<1x64xf32>
    %mul3A_24 = vector.broadcast %div3A_18 : vector<1x64xf32> to vector<2000x64xf32>
    %mul3A_25 = arith.mulf %get3A_1, %mul3A_24 : vector<2000x64xf32>
    %add3A_26 = vector.broadcast %sub3A_23 : vector<1x64xf32> to vector<2000x64xf32>
    %add3A_27 = arith.addf %mul3A_25, %add3A_26 : vector<2000x64xf32>
    %get3A_28 = arith.constant 0 : index
    %get3A_29 = arith.constant 0 : index
    %get3A_30 = vector.load %arg5[%get3A_28, %get3A_29] : memref<64x64xf32, #tpu.memory_space<vmem>>, vector<64x64xf32>
    %dot_general3A = arith.constant dense<0.000000e+00> : vector<2000x64xf32>
    %dot_general3A_31 = tpu.matmul %add3A_27, %get3A_30, %dot_general3A {dimension_numbers = #tpu.dot_dimension_numbers<[1], [0], [0], [1], [0, 0, 1, 1], [], []>, transpose_lhs_hint = false} : vector<2000x64xf32>, vector<64x64xf32>, vector<2000x64xf32> -> vector<2000x64xf32>
    %get3A_32 = arith.constant 0 : index
    %get3A_33 = arith.constant 0 : index
    %get3A_34 = vector.load %arg6[%get3A_32, %get3A_33] : memref<1x64xf32, #tpu.memory_space<vmem>>, vector<1x64xf32>
    %add3A_35 = vector.broadcast %get3A_34 : vector<1x64xf32> to vector<2000x64xf32>
    %add3A_36 = arith.addf %dot_general3A_31, %add3A_35 : vector<2000x64xf32>
    %max3A = arith.constant 0.000000e+00 : f32
    %max3A_37 = vector.broadcast %max3A : f32 to vector<2000x64xf32>
    %max3A_38 = arith.maximumf %add3A_36, %max3A_37 : vector<2000x64xf32>
    %get3A_39 = arith.constant 0 : index
    %get3A_40 = arith.constant 0 : index
    %get3A_41 = vector.load %arg7[%get3A_39, %get3A_40] : memref<64x32xf32, #tpu.memory_space<vmem>>, vector<64x32xf32>
    %dot_general3A_42 = arith.constant dense<0.000000e+00> : vector<2000x32xf32>
    %dot_general3A_43 = tpu.matmul %max3A_38, %get3A_41, %dot_general3A_42 {dimension_numbers = #tpu.dot_dimension_numbers<[1], [0], [0], [1], [0, 0, 1, 1], [], []>, transpose_lhs_hint = false} : vector<2000x64xf32>, vector<64x32xf32>, vector<2000x32xf32> -> vector<2000x32xf32>
    %get3A_44 = arith.constant 0 : index
    %get3A_45 = arith.constant 0 : index
    %get3A_46 = vector.load %arg8[%get3A_44, %get3A_45] : memref<1x32xf32, #tpu.memory_space<vmem>>, vector<1x32xf32>
    %add3A_47 = vector.broadcast %get3A_46 : vector<1x32xf32> to vector<2000x32xf32>
    %add3A_48 = arith.addf %dot_general3A_43, %add3A_47 : vector<2000x32xf32>
    %max3A_49 = arith.constant 0.000000e+00 : f32
    %max3A_50 = vector.broadcast %max3A_49 : f32 to vector<2000x32xf32>
    %max3A_51 = arith.maximumf %add3A_48, %max3A_50 : vector<2000x32xf32>
    %get3A_52 = arith.constant 0 : index
    %get3A_53 = arith.constant 0 : index
    %get3A_54 = vector.load %arg9[%get3A_52, %get3A_53] : memref<32x1xf32, #tpu.memory_space<vmem>>, vector<32x1xf32>
    %dot_general3A_55 = arith.constant dense<0.000000e+00> : vector<2000x1xf32>
    %dot_general3A_56 = tpu.matmul %max3A_51, %get3A_54, %dot_general3A_55 {dimension_numbers = #tpu.dot_dimension_numbers<[1], [0], [0], [1], [0, 0, 1, 1], [], []>, transpose_lhs_hint = false} : vector<2000x32xf32>, vector<32x1xf32>, vector<2000x1xf32> -> vector<2000x1xf32>
    %get3A_57 = arith.constant 0 : index
    %get3A_58 = arith.constant 0 : index
    %get3A_59 = vector.load %arg10[%get3A_57, %get3A_58] : memref<1x1xf32, #tpu.memory_space<vmem>>, vector<1x1xf32>
    %add3A_60 = vector.broadcast %get3A_59 : vector<1x1xf32> to vector<2000x1xf32>
    %add3A_61 = arith.addf %dot_general3A_56, %add3A_60 : vector<2000x1xf32>
    %swap3A = arith.constant 0 : index
    %swap3A_62 = arith.constant 0 : index
    %swap3A_63 = vector.load %arg11[%swap3A, %swap3A_62] : memref<2000x1xf32, #tpu.memory_space<vmem>>, vector<2000x1xf32>
    tpu.vector_store %arg11[%swap3A, %swap3A_62], %add3A_61 {strides = array<i32>} : memref<2000x1xf32, #tpu.memory_space<vmem>>, vector<2000x1xf32>,
    return
  }
  func.func @transform_0(%arg0: i32) -> (i32, i32) {
    %c0_i32 = arith.constant 0 : i32
    %c0_i32_0 = arith.constant 0 : i32
    return %arg0, %c0_i32 : i32, i32
  }
  func.func @transform_1(%arg0: i32) -> (i32, i32) {
    %c0_i32 = arith.constant 0 : i32
    %c0_i32_0 = arith.constant 0 : i32
    %c0_i32_1 = arith.constant 0 : i32
    return %c0_i32, %c0_i32_0 : i32, i32
  }
  func.func @transform_2(%arg0: i32) -> (i32, i32) {
    %c0_i32 = arith.constant 0 : i32
    %c0_i32_0 = arith.constant 0 : i32
    %c0_i32_1 = arith.constant 0 : i32
    return %c0_i32, %c0_i32_0 : i32, i32
  }
  func.func @transform_3(%arg0: i32) -> (i32, i32) {
    %c0_i32 = arith.constant 0 : i32
    %c0_i32_0 = arith.constant 0 : i32
    %c0_i32_1 = arith.constant 0 : i32
    return %c0_i32, %c0_i32_0 : i32, i32
  }
  func.func @transform_4(%arg0: i32) -> (i32, i32) {
    %c0_i32 = arith.constant 0 : i32
    %c0_i32_0 = arith.constant 0 : i32
    %c0_i32_1 = arith.constant 0 : i32
    return %c0_i32, %c0_i32_0 : i32, i32
  }
  func.func @transform_5(%arg0: i32) -> (i32, i32) {
    %c0_i32 = arith.constant 0 : i32
    %c0_i32_0 = arith.constant 0 : i32
    %c0_i32_1 = arith.constant 0 : i32
    return %c0_i32, %c0_i32_0 : i32, i32
  }
  func.func @transform_6(%arg0: i32) -> (i32, i32) {
    %c0_i32 = arith.constant 0 : i32
    %c0_i32_0 = arith.constant 0 : i32
    %c0_i32_1 = arith.constant 0 : i32
    return %c0_i32, %c0_i32_0 : i32, i32
  }
  func.func @transform_7(%arg0: i32) -> (i32, i32) {
    %c0_i32 = arith.constant 0 : i32
    %c0_i32_0 = arith.constant 0 : i32
    %c0_i32_1 = arith.constant 0 : i32
    return %c0_i32, %c0_i32_0 : i32, i32
  }
  func.func @transform_8(%arg0: i32) -> (i32, i32) {
    %c0_i32 = arith.constant 0 : i32
    %c0_i32_0 = arith.constant 0 : i32
    %c0_i32_1 = arith.constant 0 : i32
    return %c0_i32, %c0_i32_0 : i32, i32
  }
  func.func @transform_9(%arg0: i32) -> (i32, i32) {
    %c0_i32 = arith.constant 0 : i32
    %c0_i32_0 = arith.constant 0 : i32
    %c0_i32_1 = arith.constant 0 : i32
    return %c0_i32, %c0_i32_0 : i32, i32
  }
  func.func @transform_10(%arg0: i32) -> (i32, i32) {
    %c0_i32 = arith.constant 0 : i32
    %c0_i32_0 = arith.constant 0 : i32
    return %arg0, %c0_i32 : i32, i32
  }
}

</mosaic_0001>

<sc_bundles>
// kernel: kernel.11.cloned.1.call-start
scs
__scs_entry_jumppad:
0x0: {  	(pc) =	sbr.rel $0x88, $3  }
0x1: {  	(tag) =	ssettag $0x0;
	lr =	simm.s32 $0x1  }
0x2: {  	[smem:$0x3F8A] =	sst lr;
	_ =	strace $0xD0000000  }
0x3: {  	_ = 	snop  }
0x4: {  	_ = 	snop  }
0x5: {  	_ = 	snop  }
0x6: {  	_ = 	snop  }
0x7: {  	_ = 	snop  }
__scs_overlays_trampoline_lowered:
0x8: {  	[smem:$0x3F99] =	sst s0  }
0x9: {  	[smem:$0x3F9A] =	sst s1  }
0xa: {  	[smem:$0x3F9B] =	sst s2  }
0xb: {  	[smem:$0x3F9C] =	sst s3  }
0xc: {  	[smem:$0x3F9D] =	sst s4  }
0xd: {  	[smem:$0x3F9E] =	sst s5  }
0xe: {  	[smem:$0x3F9F] =	sst s6  }
0xf: {  	[smem:$0x3FA0] =	sst s7  }
0x10: {  	[smem:$0x3FA1] =	sst s8  }
0x11: {  	[smem:$0x3FA2] =	sst s9;
	s0 =	simm.s32 @!p0 $0x0  }
0x12: {  	s1 =	sld [smem:$0x3F88];
	s0 =	simm.s32 @p0 $0x1  }
0x13: {  	[smem:$0x3FA3] =	sst s0;
	s0 =	simm.s32 @!p1 $0x0  }
0x14: {  	s2 =	sld [smem:$0x3F87];
	s0 =	simm.s32 @p1 $0x1  }
0x15: {  	[smem:$0x3FA4] =	sst s0;
	s0 =	simm.s32 @!p2 $0x0  }
0x16: {  	s3 =	sld [smem:$0x3FDB];
	s0 =	simm.s32 @p2 $0x1  }
0x17: {  	s4 =	simm.s32 $0x1BF5;
	[smem:$0x3FA6] =	sst s0  }
0x18: {  	s0 =	sld [smem:$0x3F89];
	_ =	swait.ge [sflag:s4], $0x0  }
0x19: {  	s7 =	sld [smem:$0x3F8A]  }
0x1a: {  	s8 =	sadd.s32 $0xFFFFE003, lr  }
0x1b: {  	s9 =	sadd.s32 $0xFFFFFEF7, lr;
	s5 =	simm.s32 $0xFFFFFFFF;
	p2 =	slt.u32 s8, $0xFFFFF086  }
0x1c: {  	p1 =	slt.u32 s9, $0xF7A;
	s5 =	simm.s32 @!p2 $0x0  }
0x1d: {  	s5 =	simm.s32 @p1 $0x1;
	p0 =	seq.s32 s7, s2  }
0x1e: {  	s7 =	smul.u32 @!p0 $0xF7A, s2;
	p2 =	seq.s32 @!p0 s5, $0x0  }
0x1f: {  	s9 =	smul.u32 $0xF7A, s1;
	s8 =	simm.s32 @!p0 $0x1BF5;
	p2 =	por !p2, p0  }
0x20: {  	[sflag:s8] =	ssyncset.s32 @!p0 $0xFFFFF086;
	s6 =	sadd.s32 @!p0 s3, s7;
	s7 =	simm.s32 @!p0 $0x108  }
0x21: {  	s3 =	sadd.s32 s3, s9;
	s6 =	sadd.s32 @!p0 $0x88, s6;
	s7 =	simm.s32 @p2 $0x1082  }
0x22: {  	[simem:s7], [sflag:s8] =	dma.local @!p0 [hbm:s6], $0xF7A  }
0x23: {  	s9 =	sor.u32 $0xD0000000, s2;
	s6 =	simm.s32 $0x108;
	_ =	swait.ge @!p0 [sflag:s8], $0x0  }
0x24: {  	s3 =	sadd.s32 $0x88, s3;
	s6 =	simm.s32 @!p1 $0x1082;
	[sflag:s4] =	ssyncset.s32 $0xFFFFF086  }
0x25: {  	[simem:s6], [sflag:s4] =	dma.local [hbm:s3], $0xF7A  }
0x26: {  	[smem:$0x3F8A] =	sst s1;
	(tag) =	ssettag s2;
	_ =	strace s9  }
0x27: {  	s1 =	sld [smem:$0x3F9A]  }
0x28: {  	s2 =	sld [smem:$0x3F9B]  }
0x29: {  	s4 =	sld [smem:$0x3F9D]  }
0x2a: {  	p0 =	seq.s32 s5, $0x0;
	s5 =	sld [smem:$0x3F9E]  }
0x2b: {  	s6 =	sld [smem:$0x3F9F]  }
0x2c: {  	s7 =	sld [smem:$0x3FA0]  }
0x2d: {  	s3 =	simm.s32 $0x108;
	s8 =	sld [smem:$0x3FA1]  }
0x2e: {  	s3 =	simm.s32 @!p0 $0x1082;
	s9 =	sld [smem:$0x3FA2]  }
0x2f: {  	lr =	sadd.s32 s0, s3;
	s0 =	sld [smem:$0x3F99]  }
0x30: {  	s3 =	sld [smem:$0x3F9C]  }
0x31: {  	[smem:$0x3FA5] =	sst s10  }
0x32: {  	s10 =	sld [smem:$0x3FA3];
	_ =	sdelay $0x3  }
0x33: {  	p0 =	seq.s32 s10, $0x1;
	s10 =	sld [smem:$0x3FA5];
	_ =	sdelay $0x3  }
0x34: {  	[smem:$0x3FA5] =	sst s10  }
0x35: {  	s10 =	sld [smem:$0x3FA4];
	_ =	sdelay $0x3  }
0x36: {  	p1 =	seq.s32 s10, $0x1;
	s10 =	sld [smem:$0x3FA5];
	_ =	sdelay $0x3  }
0x37: {  	[smem:$0x3FA5] =	sst s10  }
0x38: {  	s10 =	sld [smem:$0x3FA6]  }
0x39: {  	_ = 	snop;
	(pc) =	sbr.ind lr, $3  }
0x3a: {  	_ = 	snop  }
0x3b: {  	_ = 	snop  }
0x3c: {  	p2 =	seq.s32 s10, $0x1;
	s10 =	sld [smem:$0x3FA5]  }
0x3d: {  	_ =	shalt  }
0x3e: {  	_ =	shalt  }
0x3f: {  	_ =	shalt  }
0x40: {  	_ =	shalt  }
0x41: {  	_ =	shalt  }
0x42: {  	_ =	shalt  }
0x43: {  	_ =	shalt  }
0x44: {  	_ =	shalt  }
0x45: {  	_ =	shalt  }
0x46: {  	_ =	shalt  }
0x47: {  	_ =	shalt  }
0x48: {  	_ =	shalt  }
0x49: {  	_ =	shalt  }
0x4a: {  	_ =	shalt  }
0x4b: {  	_ =	shalt  }
0x4c: {  	_ =	shalt  }
0x4d: {  	_ =	shalt  }
0x4e: {  	_ =	shalt  }
0x4f: {  	_ =	shalt  }
0x50: {  	_ =	shalt  }
0x51: {  	_ =	shalt  }
0x52: {  	_ =	shalt  }
0x53: {  	_ =	shalt  }
0x54: {  	_ =	shalt  }
0x55: {  	_ =	shalt  }
0x56: {  	_ =	shalt  }
0x57: {  	_ =	shalt  }
0x58: {  	_ =	shalt  }
0x59: {  	_ =	shalt  }
0x5a: {  	_ =	shalt  }
0x5b: {  	_ =	shalt  }
0x5c: {  	_ =	shalt  }
0x5d: {  	_ =	shalt  }
0x5e: {  	_ =	shalt  }
0x5f: {  	_ =	shalt  }
0x60: {  	_ =	shalt  }
0x61: {  	_ =	shalt  }
0x62: {  	_ =	shalt  }
0x63: {  	_ =	shalt  }
0x64: {  	_ =	shalt  }
0x65: {  	_ =	shalt  }
0x66: {  	_ =	shalt  }
0x67: {  	_ =	shalt  }
0x68: {  	_ =	shalt  }
0x69: {  	_ =	shalt  }
0x6a: {  	_ =	shalt  }
0x6b: {  	_ =	shalt  }
0x6c: {  	_ =	shalt  }
0x6d: {  	_ =	shalt  }
0x6e: {  	_ =	shalt  }
0x6f: {  	_ =	shalt  }
0x70: {  	_ =	shalt  }
0x71: {  	_ =	shalt  }
0x72: {  	_ =	shalt  }
0x73: {  	_ =	shalt  }
0x74: {  	_ =	shalt  }
0x75: {  	_ =	shalt  }
0x76: {  	_ =	shalt  }
0x77: {  	_ =	shalt  }
0x78: {  	_ =	shalt  }
0x79: {  	_ =	shalt  }
0x7a: {  	_ =	shalt  }
0x7b: {  	_ =	shalt  }
0x7c: {  	_ =	shalt  }
0x7d: {  	_ =	shalt  }
0x7e: {  	_ =	shalt  }
0x7f: {  	_ =	shalt  }
0x80: {  	_ =	shalt  }
0x81: {  	_ =	shalt  }
0x82: {  	_ =	shalt  }
0x83: {  	_ =	shalt  }
0x84: {  	_ =	shalt  }
0x85: {  	_ =	shalt  }
0x86: {  	_ =	shalt  }
0x87: {  	_ =	shalt  }
.Lfunc_end0:
.L_simem_size_0:
called_computation_lowered:
.L_overlay_start_0:
0x88: {  	s2 =	sld [smem:$0x3FD9]  }
0x89: {  	s3 =	sld [smem:$0x3FFE];
	_ =	sdelay $0x1  }
0x8a: {  	s1 =	srdreg.scid  }
0x8b: {  	s0 =	sand.u32 $0x1, s1  }
0x8c: {  	s17 =	sshll.u32 s0, $0xA;
	s2 =	sadd.s32 s3, s2  }
0x8d: {  	s2 =	sadd.s32 s2, s17  }
0x8e: {  	[smem:$0x3FB1] =	sst s2  }
0x8f: {  	_ = 	snop  }
0x90: {  	s2 =	sld [smem:$0x3FD0];
	(tm) =	ssettm $0x1  }
0x91: {  	s18 =	sld [smem:$0x3FFB];
	_ =	sdelay $0x3  }
0x92: {  	_ =	strace s18  }
0x93: {  	s3 =	sld [smem:$0x3FFC];
	_ =	sdelay $0x3  }
0x94: {  	_ =	strace s3  }
0x95: {  	s3 =	sld [smem:$0x3FFD];
	_ =	sdelay $0x3  }
0x96: {  	_ =	strace s3  }
0x97: {  	_ =	strace $0x8FFFFFFF  }
0x98: {  	s19 =	sld [smem:$0x3FDB];
	_ =	sdelay $0x1  }
0x99: {  	s4 =	simm.s32 $_scs_section_size  }
0x9a: {  	s5 =	simm.s32 $_size__tile_overlayer_lowered;
	s6 =	simm.s32 $_tile_overlayer_lowered  }
0x9b: {  	s22 =	simm.s32 $0x1BFF;
	s21 =	sshll.u32 s6, $0x1;
	s3 =	sadd.s32 s4, s19  }
0x9c: {  	s7 =	simm.s32 $0x0;
	s20 =	sshll.u32 s5, $0x1;
	s5 =	sadd.s32 s21, s3  }
0x9d: {  	[timem:s7], [sflag:s22] =	dma.local [hbm:s5], s20  }
0x9e: {  	_ =	swait.ge [sflag:s22], s20  }
0x9f: {  	s4 =	ssub.s32 $0x0, s20;
	[sflag:s22] =	ssyncset.done $0x0  }
0xa0: {  	[sflag:s22] =	ssyncadd.s32 s4;
	_ =	sdelay $0x1  }
0xa1: {  	s23 =	simm.s32 $0x1B8B  }
0xa2: {  	_ =	swait.ge [sflag:s23], $0x1  }
0xa3: {  	[sflag:s23] =	ssyncset.done $0x0  }
0xa4: {  	s25 =	simm.s32 $0x1B8E;
	s24 =	sld [smem:$0x3FFE];
	[sflag:s23] =	ssyncadd.s32 $0xFFFFFFFF  }
0xa5: {  	s26 =	simm.s32 $execute0_lowered;
	[smem:$0x3FD2] =	sst s25  }
0xa6: {  	s5 =	sshll.u32 s26, $0x1;
	_ =	strace $0x80000046;
	[dreg:$0x1] =	wrdreg $0xFFFFFFFF  }
0xa7: {  	s28 =	simm.s32 $_size_execute0_lowered;
	s3 =	sadd.s32 s3, s5;
	[dreg:$0x0] =	wrdreg $0x0  }
0xa8: {  	s5 =	sshll.u32 s28, $0x1;
	[dreg:$0x2] =	wrdreg s3  }
0xa9: {  	[dreg:$0x3] =	wrdreg s5  }
0xaa: {  	[dreg:$0x4] =	wrdreg $0xC0  }
0xab: {  	_ =	task [dreg:s7], $0x5FFFF  }
0xac: {  	[dreg:$0x1] =	wrdreg $0xFFFFFFFF  }
0xad: {  	[dreg:$0x0] =	wrdreg $0x60  }
0xae: {  	[dreg:$0x2] =	wrdreg s24  }
0xaf: {  	[dreg:$0x3] =	wrdreg s2  }
0xb0: {  	[dreg:$0x4] =	wrdreg $0x37A00  }
0xb1: {  	[dreg:$0x5] =	wrdreg $0x9  }
0xb2: {  	_ =	task.clear_ibuf [dreg:s7], $0x6FFFF;
	_ =	strace $0x90000046  }
0xb3: {  	s29 =	simm.s32 $0x9;
	_ =	strace $0x80000048  }
0xb4: {  	_ =	swait.ge [sflag:s29], $0x1  }
0xb5: {  	[sflag:s29] =	ssyncadd.s32 $0xFFFFFFFF  }
0xb6: {  	_ =	strace $0x90000048  }
0xb7: {  	_ =	sfence  }
0xb8: {  	s30 =	sld [smem:$0x0];
	_ =	sdelay $0x2  }
0xb9: {  	s31 =	sshll.u32 s1, $0xD;
	s1 =	sshrl.u32 s1, $0x2  }
0xba: {  	s3 =	sand.u32 $0x4000, s31;
	s1 =	sadd.s32 s1, s30  }
0xbb: {  	s0 =	sor.u32 s3, s0;
	s1 =	sshll.u32 s1, $0x11  }
0xbc: {  	s0 =	sor.u32 s1, s0  }
0xbd: {  	s0 =	sadd.s32 $0x8F2B, s0  }
0xbe: {  	[sflag:s0] =	ssyncadd.remote.s32 $0x1  }
0xbf: {  	_ =	sfence.sel $0xFFFF  }
0xc0: {  	[dreg:$0x0] =	wrdreg $0xFFFFFFFF;
	(pc) =	sbr.abs _section_cstart, $3  }
0xc1: {  	[dreg:$0x1] =	wrdreg $0xFFFFFFFF  }
0xc2: {  	_ =	task.clear_ibuf [dreg:s7], $0x2FFFF;
	_ =	strace $0x9FFFFFFF  }
0xc3: {  	(tm) =	ssettm $0x7FFFFFFF  }
tec
execute0_lowered:
.L_overlay_start_1:
0x0: {  	(tag) =	ssettag $0x1  }
0x1: {  	s8 =	rddreg [dreg:$0x0]  }
0x2: {  	s2 =	rddreg [dreg:$0x1];
	s1 =	srdreg.scid  }
0x3: {  	s0 =	stileid.u32;
	s3 =	rddreg [dreg:$0x2]  }
0x4: {  	s4 =	simm.s32 $0x0;
	s15 =	simm.s32 $0x23A0;
	s16 =	simm.s32 $0x7D  }
0x5: {  	s17 =	simm.s32 $0x7D0;
	s18 =	simm.s32 $0x1;
	s19 =	simm.s32 $0x2  }
0x6: {  	s20 =	simm.s32 $0x2320;
	s21 =	simm.s32 $0x36A0;
	s22 =	simm.s32 $0x3720  }
0x7: {  	s23 =	simm.s32 $0x0;
	s9 =	sand.u32 $0x1, s1;
	s1 =	rddreg [dreg:$0x3]  }
0x8: {  	s10 =	smul.u32 $0xC380, s0;
	[smem:$0x7FF] =	sst s4;
	s5 =	sadd.s32 $0x1DA00, s8  }
0x9: {  	s31 =	sshll.u32 s0, $0x6;
	s6 =	smul.u32 $0xC3800, s9;
	s12 =	ssub.s32 $0x2, s9  }
0xa: {  	_ =	strace $0x80000047;
	s30 =	sshll.u32 s9, $0x4;
	s29 =	sshrl.u32 s12, $0x1  }
0xb: {  	s13 =	sor.u32 s0, s30;
	s14 =	sadd.s32 s10, s3;
	s7 =	sadd.s32 s10, s6  }
0xc: {  	s6 =	sadd.s32 $0x4A00, s8;
	s12 =	ssub.s32 s12, s29;
	s11 =	sshrl.u32 s7, $0x3  }
0xd: {  	s9 =	smul.u32 $0x6400, s13;
	s13 =	simm.s32 $0x3;
	s11 =	sadd.s32 s11, s8  }
0xe: {  	s7 =	sadd.s32 $0x36A00, s8;
	s8 =	sor.u32 $0x1C03, s31;
	s10 =	sadd.s32 $0x4F200, s11  }
0xf: {  	s11 =	smax.u32 s12, $0x1;
	s12 =	sshrl.u32 s14, $0x3;
	s14 =	simm.s32 $0xFA0  }
.LBB2_1:
0x10: {  	[spmem:s12], [sflag:s8] =	dma.local [hbm:s2], $0x1870  }
0x11: {  	_ =	swait.ge [sflag:s13], $0x1870  }
0x12: {  	[sflag:s13] =	ssyncset.done $0x0  }
0x13: {  	[sflag:s13] =	ssyncadd.s32 $0xFFFFE790  }
0x14: {  	s24 =	simm.s32 $0x0;
	[bflag:$0x0] =	sbarrier.arrive $0xFFFF  }
.LBB2_2:
0x15: {  	s25 =	smul.u32 $0x1400, s24;
	_ =	sdelay $0x1  }
0x16: {  	s25 =	sadd.s32 s9, s25  }
0x17: {  	s25 =	sshrl.u32 s25, $0x3  }
0x18: {  	s28 =	simm.s32 $0x0;
	s26 =	sadd.s32 s5, s25  }
0x19: {  	[tilespmem:s14], [sflag:$0x3] =	stream.linear.gather [hbm4b:s26+s28], $0x1400, $0x38;
	[tilespmem:$0xFB20] =	vst v63  }
0x1a: {  	_ =	swait.ge [sflag:s13], $0x1400  }
0x1b: {  	[sflag:s13] =	ssyncset.done $0x0  }
0x1c: {  	s25 =	sadd.s32 s6, s25;
	[sflag:s13] =	ssyncadd.s32 $0xFFFFEC00  }
0x1d: {  	[tilespmem:s15], [sflag:$0x3] =	stream.linear.gather [hbm4b:s25+s28], $0x1400, $0x38;
	[tilespmem:$0xFB20] =	vst v63  }
0x1e: {  	_ =	swait.ge [sflag:s13], $0x1400  }
0x1f: {  	[sflag:s13] =	ssyncset.done $0x0  }
0x20: {  	[sflag:s13] =	ssyncadd.s32 $0xFFFFEC00  }
0x21: {  	[tilespmem:s28], [sflag:$0x1] =	stream.indirect.gather [hbm4b:s7+s16], $0x10, s14, s16, $0xb8;
	[tilespmem:$0xFB20] =	vst v63  }
0x22: {  	s28 =	simm.s32 $0x1020  }
0x23: {  	[tilespmem:s17], [sflag:$0x2] =	stream.indirect.gather [hbm4b:s7+s16], $0x10, s28, s16, $0xb8;
	[tilespmem:$0xFB20] =	vst v63  }
0x24: {  	_ =	swait.ge [sflag:s18], $0x7D0  }
0x25: {  	[sflag:s18] =	ssyncset.done $0x0  }
0x26: {  	s29 =	simm.s32 $0x23A0;
	[sflag:s18] =	ssyncadd.s32 $0xFFFFF830  }
0x27: {  	[spmem:s3] =	stream.indirect.scatter.add.f32 [tilespmem:s4], [sflag:$0x3], $0x10, s29, s16, $0xb8;
	[tilespmem:$0xFB20] =	vst v63  }
0x28: {  	_ =	swait.ge [sflag:s13], $0x7D0  }
0x29: {  	[sflag:s13] =	ssyncset.done $0x0  }
0x2a: {  	s30 =	simm.s32 $0x10A0;
	[sflag:s13] =	ssyncadd.s32 $0xFFFFF830  }
0x2b: {  	[tilespmem:s4], [sflag:$0x1] =	stream.indirect.gather [hbm4b:s7+s16], $0x10, s30, s16, $0xb8;
	[tilespmem:$0xFB20] =	vst v63  }
0x2c: {  	_ =	swait.ge [sflag:s19], $0x7D0  }
0x2d: {  	[sflag:s19] =	ssyncset.done $0x0  }
0x2e: {  	s31 =	simm.s32 $0x2420;
	[sflag:s19] =	ssyncadd.s32 $0xFFFFF830  }
0x2f: {  	[spmem:s3] =	stream.indirect.scatter.add.f32 [tilespmem:s17], [sflag:$0x3], $0x10, s31, s16, $0xb8;
	[tilespmem:$0xFB20] =	vst v63  }
0x30: {  	_ =	swait.ge [sflag:s13], $0x7D0  }
0x31: {  	s26 =	simm.s32 $0x800;
	s25 =	simm.s32 $0x100;
	[sflag:s13] =	ssyncset.done $0x0  }
.LBB2_3:
0x32: {  	s28 =	sadd.s32 $0x1020, s25  }
0x33: {  	[sflag:s13] =	ssyncadd.s32 $0xFFFFF830;
	s29 =	smov.u32 s26;
	s30 =	sadd.s32 $0x400, s26  }
0x34: {  	[tilespmem:s17], [sflag:$0x2] =	stream.indirect.gather [hbm4b:s7+s16], $0x10, s28, s16, $0xb8;
	[tilespmem:$0xFB20] =	vst v63  }
0x35: {  	p0 =	sne.s32 s26, $0x4800;
	_ =	swait.ge [sflag:s18], $0x7D0  }
0x36: {  	[sflag:s18] =	ssyncset.done $0x0  }
0x37: {  	s26 =	sadd.s32 $0x23A0, s25;
	[sflag:s18] =	ssyncadd.s32 $0xFFFFF830  }
0x38: {  	[spmem:s3] =	stream.indirect.scatter.add.f32 [tilespmem:s4], [sflag:$0x3], $0x10, s26, s16, $0xb8;
	[tilespmem:$0xFB20] =	vst v63  }
0x39: {  	_ =	swait.ge [sflag:s13], $0x7D0  }
0x3a: {  	[sflag:s13] =	ssyncset.done $0x0  }
0x3b: {  	s26 =	sadd.s32 $0x10A0, s25;
	[sflag:s13] =	ssyncadd.s32 $0xFFFFF830  }
0x3c: {  	[tilespmem:s4], [sflag:$0x1] =	stream.indirect.gather [hbm4b:s7+s16], $0x10, s26, s16, $0xb8;
	[tilespmem:$0xFB20] =	vst v63  }
0x3d: {  	_ =	swait.ge [sflag:s19], $0x7D0  }
.Ltmp0:
0x3e: {  	[sflag:s19] =	ssyncset.done $0x0;
	(pc) =	sbr.rel @p0 .LBB2_3-.Ltmp0, $4  }
0x3f: {  	s25 =	sadd.s32 $0x2420, s25;
	[sflag:s19] =	ssyncadd.s32 $0xFFFFF830  }
0x40: {  	[spmem:s3] =	stream.indirect.scatter.add.f32 [tilespmem:s17], [sflag:$0x3], $0x10, s25, s16, $0xb8;
	[tilespmem:$0xFB20] =	vst v63  }
0x41: {  	_ =	swait.ge [sflag:s13], $0x7D0  }
0x42: {  	s26 =	smov.u32 s30;
	s25 =	sshra.s32 s29, $0x2;
	[sflag:s13] =	ssyncset.done $0x0  }
0x43: {  	s26 =	sadd.s32 $0x1020, s25;
	[sflag:s13] =	ssyncadd.s32 $0xFFFFF830  }
0x44: {  	[tilespmem:s17], [sflag:$0x2] =	stream.indirect.gather [hbm4b:s7+s16], $0x10, s26, s16, $0xb8;
	[tilespmem:$0xFB20] =	vst v63  }
0x45: {  	_ =	swait.ge [sflag:s18], $0x7D0  }
0x46: {  	[sflag:s18] =	ssyncset.done $0x0  }
0x47: {  	s29 =	sadd.s32 $0x23A0, s25;
	[sflag:s18] =	ssyncadd.s32 $0xFFFFF830  }
0x48: {  	[spmem:s3] =	stream.indirect.scatter.add.f32 [tilespmem:s4], [sflag:$0x3], $0x10, s29, s16, $0xb8;
	[tilespmem:$0xFB20] =	vst v63  }
0x49: {  	_ =	swait.ge [sflag:s13], $0x7D0  }
0x4a: {  	[sflag:s13] =	ssyncset.done $0x0  }
0x4b: {  	s30 =	sadd.s32 $0x10A0, s25;
	[sflag:s13] =	ssyncadd.s32 $0xFFFFF830  }
0x4c: {  	[tilespmem:s4], [sflag:$0x1] =	stream.indirect.gather [hbm4b:s7+s16], $0x10, s30, s16, $0xb8;
	[tilespmem:$0xFB20] =	vst v63  }
0x4d: {  	_ =	swait.ge [sflag:s19], $0x7D0  }
0x4e: {  	[sflag:s19] =	ssyncset.done $0x0  }
0x4f: {  	s31 =	sadd.s32 $0x2420, s25;
	[sflag:s19] =	ssyncadd.s32 $0xFFFFF830  }
0x50: {  	[spmem:s3] =	stream.indirect.scatter.add.f32 [tilespmem:s17], [sflag:$0x3], $0x10, s31, s16, $0xb8;
	[tilespmem:$0xFB20] =	vst v63  }
0x51: {  	_ =	swait.ge [sflag:s13], $0x7D0  }
0x52: {  	[sflag:s13] =	ssyncset.done $0x0  }
0x53: {  	[sflag:s13] =	ssyncadd.s32 $0xFFFFF830  }
0x54: {  	[tilespmem:s17], [sflag:$0x2] =	stream.indirect.gather [hbm4b:s7+s16], $0x10, s20, s16, $0xb8;
	[tilespmem:$0xFB20] =	vst v63  }
0x55: {  	_ =	swait.ge [sflag:s18], $0x7D0  }
0x56: {  	[sflag:s18] =	ssyncset.done $0x0  }
0x57: {  	[sflag:s18] =	ssyncadd.s32 $0xFFFFF830  }
0x58: {  	[spmem:s3] =	stream.indirect.scatter.add.f32 [tilespmem:s4], [sflag:$0x3], $0x10, s21, s16, $0xb8;
	[tilespmem:$0xFB20] =	vst v63  }
0x59: {  	_ =	swait.ge [sflag:s13], $0x7D0  }
0x5a: {  	[sflag:s13] =	ssyncset.done $0x0  }
0x5b: {  	[sflag:s13] =	ssyncadd.s32 $0xFFFFF830  }
0x5c: {  	s24 =	sadd.s32 $0x1, s24;
	_ =	swait.ge [sflag:s19], $0x7D0  }
0x5d: {  	p0 =	sne.s32 s24, $0x5;
	[sflag:s19] =	ssyncset.done $0x0  }
.Ltmp1:
0x5e: {  	[sflag:s19] =	ssyncadd.s32 $0xFFFFF830;
	(pc) =	sbr.rel @p0 .LBB2_2-.Ltmp1, $4  }
0x5f: {  	[spmem:s3] =	stream.indirect.scatter.add.f32 [tilespmem:s17], [sflag:$0x3], $0x10, s22, s16, $0xb8;
	[tilespmem:$0xFB20] =	vst v63  }
0x60: {  	_ =	swait.ge [sflag:s13], $0x7D0  }
0x61: {  	[sflag:s13] =	ssyncset.done $0x0  }
0x62: {  	[sflag:s13] =	ssyncadd.s32 $0xFFFFF830  }
0x63: {  	s23 =	sadd.s32 $0x1, s23  }
0x64: {  	p0 =	sne.s32 s23, s11  }
.Ltmp2:
0x65: {  	[bflag:$0x0] =	sbarrier.arrive $0xFFFF;
	(pc) =	sbr.rel @p0 .LBB2_1-.Ltmp2, $4  }
0x66: {  	[hbm:s10], [sflag:s8] =	dma.local [spmem:s12], $0x1870  }
0x67: {  	_ =	swait.ge [sflag:s13], $0x1870  }
0x68: {  	[sflag:s13] =	ssyncset.done $0x0  }
0x69: {  	[sflag:s13] =	ssyncadd.s32 $0xFFFFE790  }
0x6a: {  	_ =	sfence.sel $0x180000  }
0x6b: {  	[bflag:$0x0] =	sbarrier.arrive $0xFFFF  }
0x6c: {  	p0 =	sne.s32 s0, $0x0;
	_ =	strace $0x90000047  }
0x6d: {  	s0 =	sadd.s32 @!p0 $0x100000, s1;
	[bflag:$0x2] =	sbarrier.arrive $0xFFFF  }
0x6e: {  	[sflag:s0] =	ssyncadd.tile.s32 @!p0 $0x1;
	_ =	shalt  }
.Lfunc_end2:
_tile_overlayer_lowered:
.L_overlay_start_2:
0x6f: {  	(tag) =	ssettag $0x2  }
0x70: {  	s0 =	rddreg [dreg:$0x0];
	s2 =	stileid.u32  }
0x71: {  	s1 =	rddreg [dreg:$0x1];
	p0 =	sne.s32 s2, $0x0  }
0x72: {  	s3 =	rddreg [dreg:$0x2];
	[bflag:$0x3] =	sbarrier.arrive $0xFFFF;
	s2 =	simm.s32 @!p0 $0x1C03  }
0x73: {  	[timem:s3], [sflag:s2] =	dma.local @!p0 [hbm:s0], s1  }
0x74: {  	s0 =	simm.s32 @!p0 $0x3  }
0x75: {  	_ =	swait.ge @!p0 [sflag:s0], s1  }
0x76: {  	s1 =	ssub.s32 @!p0 $0x0, s1;
	[sflag:s0] =	ssyncset.done @!p0 $0x0  }
0x77: {  	[sflag:s0] =	ssyncadd.s32 @!p0 s1  }
0x78: {  	[bflag:$0x3] =	sbarrier.arrive $0xFFFF  }
0x79: {  	_ =	shalt  }

// kernel: kernel.14.cloned.1.call-start
scs
__scs_entry_jumppad:
0x0: {  	(pc) =	sbr.rel $0x88, $3  }
0x1: {  	(tag) =	ssettag $0x0;
	lr =	simm.s32 $0x1  }
0x2: {  	[smem:$0x3F8A] =	sst lr;
	_ =	strace $0xD0000000  }
0x3: {  	_ = 	snop  }
0x4: {  	_ = 	snop  }
0x5: {  	_ = 	snop  }
0x6: {  	_ = 	snop  }
0x7: {  	_ = 	snop  }
__scs_overlays_trampoline_lowered:
0x8: {  	[smem:$0x3F99] =	sst s0  }
0x9: {  	[smem:$0x3F9A] =	sst s1  }
0xa: {  	[smem:$0x3F9B] =	sst s2  }
0xb: {  	[smem:$0x3F9C] =	sst s3  }
0xc: {  	[smem:$0x3F9D] =	sst s4  }
0xd: {  	[smem:$0x3F9E] =	sst s5  }
0xe: {  	[smem:$0x3F9F] =	sst s6  }
0xf: {  	[smem:$0x3FA0] =	sst s7  }
0x10: {  	[smem:$0x3FA1] =	sst s8  }
0x11: {  	[smem:$0x3FA2] =	sst s9;
	s0 =	simm.s32 @!p0 $0x0  }
0x12: {  	s1 =	sld [smem:$0x3F88];
	s0 =	simm.s32 @p0 $0x1  }
0x13: {  	[smem:$0x3FA3] =	sst s0;
	s0 =	simm.s32 @!p1 $0x0  }
0x14: {  	s2 =	sld [smem:$0x3F87];
	s0 =	simm.s32 @p1 $0x1  }
0x15: {  	[smem:$0x3FA4] =	sst s0;
	s0 =	simm.s32 @!p2 $0x0  }
0x16: {  	s3 =	sld [smem:$0x3FDB];
	s0 =	simm.s32 @p2 $0x1  }
0x17: {  	s4 =	simm.s32 $0x1BF5;
	[smem:$0x3FA6] =	sst s0  }
0x18: {  	s0 =	sld [smem:$0x3F89];
	_ =	swait.ge [sflag:s4], $0x0  }
0x19: {  	s7 =	sld [smem:$0x3F8A]  }
0x1a: {  	s8 =	sadd.s32 $0xFFFFE003, lr  }
0x1b: {  	s9 =	sadd.s32 $0xFFFFFEF7, lr;
	s5 =	simm.s32 $0xFFFFFFFF;
	p2 =	slt.u32 s8, $0xFFFFF086  }
0x1c: {  	p1 =	slt.u32 s9, $0xF7A;
	s5 =	simm.s32 @!p2 $0x0  }
0x1d: {  	s5 =	simm.s32 @p1 $0x1;
	p0 =	seq.s32 s7, s2  }
0x1e: {  	s7 =	smul.u32 @!p0 $0xF7A, s2;
	p2 =	seq.s32 @!p0 s5, $0x0  }
0x1f: {  	s9 =	smul.u32 $0xF7A, s1;
	s8 =	simm.s32 @!p0 $0x1BF5;
	p2 =	por !p2, p0  }
0x20: {  	[sflag:s8] =	ssyncset.s32 @!p0 $0xFFFFF086;
	s6 =	sadd.s32 @!p0 s3, s7;
	s7 =	simm.s32 @!p0 $0x108  }
0x21: {  	s3 =	sadd.s32 s3, s9;
	s6 =	sadd.s32 @!p0 $0x88, s6;
	s7 =	simm.s32 @p2 $0x1082  }
0x22: {  	[simem:s7], [sflag:s8] =	dma.local @!p0 [hbm:s6], $0xF7A  }
0x23: {  	s9 =	sor.u32 $0xD0000000, s2;
	s6 =	simm.s32 $0x108;
	_ =	swait.ge @!p0 [sflag:s8], $0x0  }
0x24: {  	s3 =	sadd.s32 $0x88, s3;
	s6 =	simm.s32 @!p1 $0x1082;
	[sflag:s4] =	ssyncset.s32 $0xFFFFF086  }
0x25: {  	[simem:s6], [sflag:s4] =	dma.local [hbm:s3], $0xF7A  }
0x26: {  	[smem:$0x3F8A] =	sst s1;
	(tag) =	ssettag s2;
	_ =	strace s9  }
0x27: {  	s1 =	sld [smem:$0x3F9A]  }
0x28: {  	s2 =	sld [smem:$0x3F9B]  }
0x29: {  	s4 =	sld [smem:$0x3F9D]  }
0x2a: {  	p0 =	seq.s32 s5, $0x0;
	s5 =	sld [smem:$0x3F9E]  }
0x2b: {  	s6 =	sld [smem:$0x3F9F]  }
0x2c: {  	s7 =	sld [smem:$0x3FA0]  }
0x2d: {  	s3 =	simm.s32 $0x108;
	s8 =	sld [smem:$0x3FA1]  }
0x2e: {  	s3 =	simm.s32 @!p0 $0x1082;
	s9 =	sld [smem:$0x3FA2]  }
0x2f: {  	lr =	sadd.s32 s0, s3;
	s0 =	sld [smem:$0x3F99]  }
0x30: {  	s3 =	sld [smem:$0x3F9C]  }
0x31: {  	[smem:$0x3FA5] =	sst s10  }
0x32: {  	s10 =	sld [smem:$0x3FA3];
	_ =	sdelay $0x3  }
0x33: {  	p0 =	seq.s32 s10, $0x1;
	s10 =	sld [smem:$0x3FA5];
	_ =	sdelay $0x3  }
0x34: {  	[smem:$0x3FA5] =	sst s10  }
0x35: {  	s10 =	sld [smem:$0x3FA4];
	_ =	sdelay $0x3  }
0x36: {  	p1 =	seq.s32 s10, $0x1;
	s10 =	sld [smem:$0x3FA5];
	_ =	sdelay $0x3  }
0x37: {  	[smem:$0x3FA5] =	sst s10  }
0x38: {  	s10 =	sld [smem:$0x3FA6]  }
0x39: {  	_ = 	snop;
	(pc) =	sbr.ind lr, $3  }
0x3a: {  	_ = 	snop  }
0x3b: {  	_ = 	snop  }
0x3c: {  	p2 =	seq.s32 s10, $0x1;
	s10 =	sld [smem:$0x3FA5]  }
0x3d: {  	_ =	shalt  }
0x3e: {  	_ =	shalt  }
0x3f: {  	_ =	shalt  }
0x40: {  	_ =	shalt  }
0x41: {  	_ =	shalt  }
0x42: {  	_ =	shalt  }
0x43: {  	_ =	shalt  }
0x44: {  	_ =	shalt  }
0x45: {  	_ =	shalt  }
0x46: {  	_ =	shalt  }
0x47: {  	_ =	shalt  }
0x48: {  	_ =	shalt  }
0x49: {  	_ =	shalt  }
0x4a: {  	_ =	shalt  }
0x4b: {  	_ =	shalt  }
0x4c: {  	_ =	shalt  }
0x4d: {  	_ =	shalt  }
0x4e: {  	_ =	shalt  }
0x4f: {  	_ =	shalt  }
0x50: {  	_ =	shalt  }
0x51: {  	_ =	shalt  }
0x52: {  	_ =	shalt  }
0x53: {  	_ =	shalt  }
0x54: {  	_ =	shalt  }
0x55: {  	_ =	shalt  }
0x56: {  	_ =	shalt  }
0x57: {  	_ =	shalt  }
0x58: {  	_ =	shalt  }
0x59: {  	_ =	shalt  }
0x5a: {  	_ =	shalt  }
0x5b: {  	_ =	shalt  }
0x5c: {  	_ =	shalt  }
0x5d: {  	_ =	shalt  }
0x5e: {  	_ =	shalt  }
0x5f: {  	_ =	shalt  }
0x60: {  	_ =	shalt  }
0x61: {  	_ =	shalt  }
0x62: {  	_ =	shalt  }
0x63: {  	_ =	shalt  }
0x64: {  	_ =	shalt  }
0x65: {  	_ =	shalt  }
0x66: {  	_ =	shalt  }
0x67: {  	_ =	shalt  }
0x68: {  	_ =	shalt  }
0x69: {  	_ =	shalt  }
0x6a: {  	_ =	shalt  }
0x6b: {  	_ =	shalt  }
0x6c: {  	_ =	shalt  }
0x6d: {  	_ =	shalt  }
0x6e: {  	_ =	shalt  }
0x6f: {  	_ =	shalt  }
0x70: {  	_ =	shalt  }
0x71: {  	_ =	shalt  }
0x72: {  	_ =	shalt  }
0x73: {  	_ =	shalt  }
0x74: {  	_ =	shalt  }
0x75: {  	_ =	shalt  }
0x76: {  	_ =	shalt  }
0x77: {  	_ =	shalt  }
0x78: {  	_ =	shalt  }
0x79: {  	_ =	shalt  }
0x7a: {  	_ =	shalt  }
0x7b: {  	_ =	shalt  }
0x7c: {  	_ =	shalt  }
0x7d: {  	_ =	shalt  }
0x7e: {  	_ =	shalt  }
0x7f: {  	_ =	shalt  }
0x80: {  	_ =	shalt  }
0x81: {  	_ =	shalt  }
0x82: {  	_ =	shalt  }
0x83: {  	_ =	shalt  }
0x84: {  	_ =	shalt  }
0x85: {  	_ =	shalt  }
0x86: {  	_ =	shalt  }
0x87: {  	_ =	shalt  }
.Lfunc_end0:
.L_simem_size_0:
called_computation.1_lowered:
.L_overlay_start_0:
0x88: {  	s2 =	sld [smem:$0x3FD9]  }
0x89: {  	s3 =	sld [smem:$0x3FFE];
	_ =	sdelay $0x1  }
0x8a: {  	s1 =	srdreg.scid  }
0x8b: {  	s0 =	sand.u32 $0x1, s1  }
0x8c: {  	s16 =	sshll.u32 s0, $0xA;
	s2 =	sadd.s32 s3, s2  }
0x8d: {  	s2 =	sadd.s32 s2, s16  }
0x8e: {  	[smem:$0x3FB1] =	sst s2  }
0x8f: {  	_ = 	snop  }
0x90: {  	(tm) =	ssettm $0x1  }
0x91: {  	s17 =	sld [smem:$0x3FFB];
	_ =	sdelay $0x3  }
0x92: {  	_ =	strace s17  }
0x93: {  	s2 =	sld [smem:$0x3FFC];
	_ =	sdelay $0x3  }
0x94: {  	_ =	strace s2  }
0x95: {  	s2 =	sld [smem:$0x3FFD];
	_ =	sdelay $0x3  }
0x96: {  	_ =	strace s2  }
0x97: {  	_ =	strace $0x8FFFFFFF  }
0x98: {  	s18 =	sld [smem:$0x3FDB];
	_ =	sdelay $0x1  }
0x99: {  	s19 =	simm.s32 $_scs_section_size  }
0x9a: {  	s4 =	simm.s32 $_size__tile_overlayer_lowered;
	s5 =	simm.s32 $_tile_overlayer_lowered  }
0x9b: {  	s22 =	simm.s32 $0x1BFF;
	s21 =	sshll.u32 s5, $0x1;
	s2 =	sadd.s32 s19, s18  }
0x9c: {  	s6 =	simm.s32 $0x0;
	s20 =	sshll.u32 s4, $0x1;
	s4 =	sadd.s32 s21, s2  }
0x9d: {  	[timem:s6], [sflag:s22] =	dma.local [hbm:s4], s20  }
0x9e: {  	_ =	swait.ge [sflag:s22], s20  }
0x9f: {  	s3 =	ssub.s32 $0x0, s20;
	[sflag:s22] =	ssyncset.done $0x0  }
0xa0: {  	[sflag:s22] =	ssyncadd.s32 s3;
	_ =	sdelay $0x1  }
0xa1: {  	s23 =	simm.s32 $0x1B8B  }
0xa2: {  	_ =	swait.ge [sflag:s23], $0x1  }
0xa3: {  	[sflag:s23] =	ssyncset.done $0x0  }
0xa4: {  	s25 =	simm.s32 $0x1B8E;
	s24 =	sld [smem:$0x3FFE];
	[sflag:s23] =	ssyncadd.s32 $0xFFFFFFFF  }
0xa5: {  	s26 =	simm.s32 $execute0_lowered;
	[smem:$0x3FD2] =	sst s25  }
0xa6: {  	s4 =	sshll.u32 s26, $0x1;
	_ =	strace $0x80000049;
	[dreg:$0x1] =	wrdreg $0xFFFFFFFF  }
0xa7: {  	s28 =	simm.s32 $_size_execute0_lowered;
	s2 =	sadd.s32 s2, s4;
	[dreg:$0x0] =	wrdreg $0x0  }
0xa8: {  	s4 =	sshll.u32 s28, $0x1;
	[dreg:$0x2] =	wrdreg s2  }
0xa9: {  	[dreg:$0x3] =	wrdreg s4  }
0xaa: {  	[dreg:$0x4] =	wrdreg $0xC0  }
0xab: {  	_ =	task [dreg:s6], $0x5FFFF  }
0xac: {  	[dreg:$0x1] =	wrdreg $0xFFFFFFFF  }
0xad: {  	[dreg:$0x0] =	wrdreg $0x60  }
0xae: {  	[dreg:$0x2] =	wrdreg s24  }
0xaf: {  	[dreg:$0x3] =	wrdreg $0x47400  }
0xb0: {  	[dreg:$0x4] =	wrdreg $0x9  }
0xb1: {  	_ =	task.clear_ibuf [dreg:s6], $0x5FFFF;
	_ =	strace $0x90000049  }
0xb2: {  	s29 =	simm.s32 $0x9;
	_ =	strace $0x8000004B  }
0xb3: {  	_ =	swait.ge [sflag:s29], $0x1  }
0xb4: {  	[sflag:s29] =	ssyncadd.s32 $0xFFFFFFFF  }
0xb5: {  	_ =	strace $0x9000004B  }
0xb6: {  	_ =	sfence  }
0xb7: {  	s30 =	sld [smem:$0x0];
	_ =	sdelay $0x2  }
0xb8: {  	s31 =	sshll.u32 s1, $0xD;
	s1 =	sshrl.u32 s1, $0x2  }
0xb9: {  	s3 =	sand.u32 $0x4000, s31;
	s1 =	sadd.s32 s1, s30  }
0xba: {  	s0 =	sor.u32 s3, s0;
	s1 =	sshll.u32 s1, $0x11  }
0xbb: {  	s0 =	sor.u32 s1, s0  }
0xbc: {  	s0 =	sadd.s32 $0x8F2B, s0  }
0xbd: {  	[sflag:s0] =	ssyncadd.remote.s32 $0x1  }
0xbe: {  	_ =	sfence.sel $0xFFFF  }
0xbf: {  	[dreg:$0x0] =	wrdreg $0xFFFFFFFF;
	(pc) =	sbr.abs _section_cstart, $3  }
0xc0: {  	[dreg:$0x1] =	wrdreg $0xFFFFFFFF  }
0xc1: {  	_ =	task.clear_ibuf [dreg:s6], $0x2FFFF;
	_ =	strace $0x9FFFFFFF  }
0xc2: {  	(tm) =	ssettm $0x7FFFFFFF  }
0xc3: {  	_ =	shalt  }
tec
execute0_lowered:
.L_overlay_start_1:
0x0: {  	(tag) =	ssettag $0x1  }
0x1: {  	s0 =	rddreg [dreg:$0x0]  }
0x2: {  	s2 =	rddreg [dreg:$0x1]  }
0x3: {  	s3 =	simm.s32 $0x0;
	s1 =	srdreg.scid;
	s14 =	stileid.u32  }
0x4: {  	s19 =	simm.s32 $0x3;
	s20 =	simm.s32 $0x1F40;
	s21 =	simm.s32 $0x3340  }
0x5: {  	s22 =	simm.s32 $0x7D;
	s28 =	simm.s32 $0x4640;
	s29 =	simm.s32 $0x46C0  }
0x6: {  	s30 =	simm.s32 $0x0;
	[smem:$0x7FF] =	sst s3;
	s11 =	smul.u32 $0x18700, s14  }
0x7: {  	s4 =	sadd.s32 $0x1DA00, s0;
	s5 =	sadd.s32 $0x4A00, s0;
	s6 =	sadd.s32 $0x344400, s0  }
0x8: {  	s1 =	sand.u32 $0x1, s1;
	s7 =	sadd.s32 $0x2B1A00, s0;
	s8 =	sadd.s32 $0x280C00, s0  }
0x9: {  	s24 =	sshll.u32 s14, $0x6;
	s9 =	smul.u32 $0x187000, s1;
	s13 =	ssub.s32 $0x2, s1  }
0xa: {  	_ =	strace $0x8000004A;
	s1 =	sshll.u32 s1, $0x4;
	s23 =	sshrl.u32 s13, $0x1  }
0xb: {  	s1 =	sor.u32 s14, s1;
	s18 =	sadd.s32 s11, s2;
	s10 =	sadd.s32 s11, s9  }
0xc: {  	s9 =	sadd.s32 $0x313600, s0;
	s13 =	ssub.s32 s13, s23;
	s12 =	sshrl.u32 s10, $0x3  }
0xd: {  	s11 =	sor.u32 $0x1C03, s24;
	s10 =	sadd.s32 $0x2E2800, s0;
	s0 =	sadd.s32 s12, s0  }
0xe: {  	s18 =	sshrl.u32 s18, $0x3;
	s23 =	simm.s32 $0xFA0;
	s25 =	sadd.s32 $0x639C00, s0  }
0xf: {  	s24 =	simm.s32 $0x1;
	s26 =	sadd.s32 $0x5D8000, s0;
	[dreg:$0x3] =	wrdreg s25  }
0x10: {  	s17 =	smax.u32 s13, $0x1;
	s31 =	sadd.s32 $0x576400, s0;
	[dreg:$0x4] =	wrdreg s26  }
0x11: {  	s12 =	smul.u32 $0x6400, s1;
	s0 =	sadd.s32 $0x514800, s0;
	[dreg:$0x5] =	wrdreg s31  }
0x12: {  	[dreg:$0x6] =	wrdreg s0;
	s25 =	simm.s32 $0x2;
	s26 =	simm.s32 $0x32C0  }
.LBB2_1:
0x13: {  	[spmem:s18], [sflag:s11] =	dma.local [hbm:s6], $0x30E0  }
0x14: {  	_ =	swait.ge [sflag:s19], $0x30E0  }
0x15: {  	[sflag:s19] =	ssyncset.done $0x0  }
0x16: {  	[sflag:s19] =	ssyncadd.s32 $0xFFFFCF20  }
0x17: {  	s31 =	simm.s32 $0x0;
	[bflag:$0x0] =	sbarrier.arrive $0xFFFF  }
.LBB2_2:
0x18: {  	s0 =	smul.u32 $0x1400, s31;
	_ =	sdelay $0x1  }
0x19: {  	s0 =	sadd.s32 s12, s0  }
0x1a: {  	s0 =	sshrl.u32 s0, $0x3  }
0x1b: {  	s13 =	simm.s32 $0x0;
	s1 =	sadd.s32 s4, s0  }
0x1c: {  	[tilespmem:s20], [sflag:$0x3] =	stream.linear.gather [hbm4b:s1+s13], $0x1400, $0x38;
	[tilespmem:$0x1CE40] =	vst v63  }
0x1d: {  	_ =	swait.ge [sflag:s19], $0x1400  }
0x1e: {  	[sflag:s19] =	ssyncset.done $0x0  }
0x1f: {  	s0 =	sadd.s32 s5, s0;
	[sflag:s19] =	ssyncadd.s32 $0xFFFFEC00  }
0x20: {  	[tilespmem:s21], [sflag:$0x3] =	stream.linear.gather [hbm4b:s0+s13], $0x1400, $0x38;
	[tilespmem:$0x1CE40] =	vst v63  }
0x21: {  	_ =	swait.ge [sflag:s19], $0x1400  }
0x22: {  	[sflag:s19] =	ssyncset.done $0x0  }
0x23: {  	[sflag:s19] =	ssyncadd.s32 $0xFFFFEC00  }
0x24: {  	[tilespmem:s13], [sflag:$0x1] =	stream.indirect.gather [hbm4b:s7+s22], $0x20, s20, s22, $0xb8;
	[tilespmem:$0x1CE40] =	vst v63  }
0x25: {  	s13 =	simm.s32 $0x1FC0  }
0x26: {  	[tilespmem:s23], [sflag:$0x2] =	stream.indirect.gather [hbm4b:s7+s22], $0x20, s13, s22, $0xb8;
	[tilespmem:$0x1CE40] =	vst v63  }
0x27: {  	_ =	swait.ge [sflag:s24], $0xFA0  }
0x28: {  	[sflag:s24] =	ssyncset.done $0x0  }
0x29: {  	s14 =	simm.s32 $0x3340;
	[sflag:s24] =	ssyncadd.s32 $0xFFFFF060  }
0x2a: {  	[spmem:s2] =	stream.indirect.scatter.add.f32 [tilespmem:s3], [sflag:$0x3], $0x20, s14, s22, $0xb8;
	[tilespmem:$0x1CE40] =	vst v63  }
0x2b: {  	_ =	swait.ge [sflag:s19], $0xFA0  }
0x2c: {  	[sflag:s19] =	ssyncset.done $0x0  }
0x2d: {  	s15 =	simm.s32 $0x2040;
	[sflag:s19] =	ssyncadd.s32 $0xFFFFF060  }
0x2e: {  	[tilespmem:s3], [sflag:$0x1] =	stream.indirect.gather [hbm4b:s7+s22], $0x20, s15, s22, $0xb8;
	[tilespmem:$0x1CE40] =	vst v63  }
0x2f: {  	_ =	swait.ge [sflag:s25], $0xFA0  }
0x30: {  	[sflag:s25] =	ssyncset.done $0x0  }
0x31: {  	s16 =	simm.s32 $0x33C0;
	[sflag:s25] =	ssyncadd.s32 $0xFFFFF060  }
0x32: {  	[spmem:s2] =	stream.indirect.scatter.add.f32 [tilespmem:s23], [sflag:$0x3], $0x20, s16, s22, $0xb8;
	[tilespmem:$0x1CE40] =	vst v63  }
0x33: {  	_ =	swait.ge [sflag:s19], $0xFA0  }
0x34: {  	s1 =	simm.s32 $0x800;
	s0 =	simm.s32 $0x100;
	[sflag:s19] =	ssyncset.done $0x0  }
.LBB2_3:
0x35: {  	s13 =	sadd.s32 $0x1FC0, s0  }
0x36: {  	[sflag:s19] =	ssyncadd.s32 $0xFFFFF060;
	s14 =	smov.u32 s1;
	s15 =	sadd.s32 $0x400, s1  }
0x37: {  	[tilespmem:s23], [sflag:$0x2] =	stream.indirect.gather [hbm4b:s7+s22], $0x20, s13, s22, $0xb8;
	[tilespmem:$0x1CE40] =	vst v63  }
0x38: {  	p0 =	sne.s32 s1, $0x4800;
	_ =	swait.ge [sflag:s24], $0xFA0  }
0x39: {  	[sflag:s24] =	ssyncset.done $0x0  }
0x3a: {  	s1 =	sadd.s32 $0x3340, s0;
	[sflag:s24] =	ssyncadd.s32 $0xFFFFF060  }
0x3b: {  	[spmem:s2] =	stream.indirect.scatter.add.f32 [tilespmem:s3], [sflag:$0x3], $0x20, s1, s22, $0xb8;
	[tilespmem:$0x1CE40] =	vst v63  }
0x3c: {  	_ =	swait.ge [sflag:s19], $0xFA0  }
0x3d: {  	[sflag:s19] =	ssyncset.done $0x0  }
0x3e: {  	s1 =	sadd.s32 $0x2040, s0;
	[sflag:s19] =	ssyncadd.s32 $0xFFFFF060  }
0x3f: {  	[tilespmem:s3], [sflag:$0x1] =	stream.indirect.gather [hbm4b:s7+s22], $0x20, s1, s22, $0xb8;
	[tilespmem:$0x1CE40] =	vst v63  }
0x40: {  	_ =	swait.ge [sflag:s25], $0xFA0  }
.Ltmp0:
0x41: {  	[sflag:s25] =	ssyncset.done $0x0;
	(pc) =	sbr.rel @p0 .LBB2_3-.Ltmp0, $4  }
0x42: {  	s0 =	sadd.s32 $0x33C0, s0;
	[sflag:s25] =	ssyncadd.s32 $0xFFFFF060  }
0x43: {  	[spmem:s2] =	stream.indirect.scatter.add.f32 [tilespmem:s23], [sflag:$0x3], $0x20, s0, s22, $0xb8;
	[tilespmem:$0x1CE40] =	vst v63  }
0x44: {  	_ =	swait.ge [sflag:s19], $0xFA0  }
0x45: {  	s1 =	smov.u32 s15;
	s0 =	sshra.s32 s14, $0x2;
	[sflag:s19] =	ssyncset.done $0x0  }
0x46: {  	s1 =	sadd.s32 $0x1FC0, s0;
	[sflag:s19] =	ssyncadd.s32 $0xFFFFF060  }
0x47: {  	[tilespmem:s23], [sflag:$0x2] =	stream.indirect.gather [hbm4b:s7+s22], $0x20, s1, s22, $0xb8;
	[tilespmem:$0x1CE40] =	vst v63  }
0x48: {  	_ =	swait.ge [sflag:s24], $0xFA0  }
0x49: {  	[sflag:s24] =	ssyncset.done $0x0  }
0x4a: {  	s14 =	sadd.s32 $0x3340, s0;
	[sflag:s24] =	ssyncadd.s32 $0xFFFFF060  }
0x4b: {  	[spmem:s2] =	stream.indirect.scatter.add.f32 [tilespmem:s3], [sflag:$0x3], $0x20, s14, s22, $0xb8;
	[tilespmem:$0x1CE40] =	vst v63  }
0x4c: {  	_ =	swait.ge [sflag:s19], $0xFA0  }
0x4d: {  	[sflag:s19] =	ssyncset.done $0x0  }
0x4e: {  	s15 =	sadd.s32 $0x2040, s0;
	[sflag:s19] =	ssyncadd.s32 $0xFFFFF060  }
0x4f: {  	[tilespmem:s3], [sflag:$0x1] =	stream.indirect.gather [hbm4b:s7+s22], $0x20, s15, s22, $0xb8;
	[tilespmem:$0x1CE40] =	vst v63  }
0x50: {  	_ =	swait.ge [sflag:s25], $0xFA0  }
0x51: {  	[sflag:s25] =	ssyncset.done $0x0  }
0x52: {  	s16 =	sadd.s32 $0x33C0, s0;
	[sflag:s25] =	ssyncadd.s32 $0xFFFFF060  }
0x53: {  	[spmem:s2] =	stream.indirect.scatter.add.f32 [tilespmem:s23], [sflag:$0x3], $0x20, s16, s22, $0xb8;
	[tilespmem:$0x1CE40] =	vst v63  }
0x54: {  	_ =	swait.ge [sflag:s19], $0xFA0  }
0x55: {  	[sflag:s19] =	ssyncset.done $0x0  }
0x56: {  	[sflag:s19] =	ssyncadd.s32 $0xFFFFF060  }
0x57: {  	[tilespmem:s23], [sflag:$0x2] =	stream.indirect.gather [hbm4b:s7+s22], $0x20, s26, s22, $0xb8;
	[tilespmem:$0x1CE40] =	vst v63  }
0x58: {  	_ =	swait.ge [sflag:s24], $0xFA0  }
0x59: {  	[sflag:s24] =	ssyncset.done $0x0  }
0x5a: {  	[sflag:s24] =	ssyncadd.s32 $0xFFFFF060  }
0x5b: {  	[spmem:s2] =	stream.indirect.scatter.add.f32 [tilespmem:s3], [sflag:$0x3], $0x20, s28, s22, $0xb8;
	[tilespmem:$0x1CE40] =	vst v63  }
0x5c: {  	_ =	swait.ge [sflag:s19], $0xFA0  }
0x5d: {  	[sflag:s19] =	ssyncset.done $0x0  }
0x5e: {  	[sflag:s19] =	ssyncadd.s32 $0xFFFFF060  }
0x5f: {  	s31 =	sadd.s32 $0x1, s31;
	_ =	swait.ge [sflag:s25], $0xFA0  }
0x60: {  	p0 =	sne.s32 s31, $0x5;
	[sflag:s25] =	ssyncset.done $0x0  }
.Ltmp1:
0x61: {  	[sflag:s25] =	ssyncadd.s32 $0xFFFFF060;
	(pc) =	sbr.rel @p0 .LBB2_2-.Ltmp1, $4  }
0x62: {  	[spmem:s2] =	stream.indirect.scatter.add.f32 [tilespmem:s23], [sflag:$0x3], $0x20, s29, s22, $0xb8;
	[tilespmem:$0x1CE40] =	vst v63  }
0x63: {  	_ =	swait.ge [sflag:s19], $0xFA0  }
0x64: {  	[sflag:s19] =	ssyncset.done $0x0  }
0x65: {  	[sflag:s19] =	ssyncadd.s32 $0xFFFFF060  }
0x66: {  	[bflag:$0x0] =	sbarrier.arrive $0xFFFF  }
0x67: {  	s0 =	rddreg [dreg:$0x3]  }
0x68: {  	[hbm:s0], [sflag:s11] =	dma.local [spmem:s18], $0x30E0  }
0x69: {  	_ =	swait.ge [sflag:s19], $0x30E0  }
0x6a: {  	[sflag:s19] =	ssyncset.done $0x0  }
0x6b: {  	[sflag:s19] =	ssyncadd.s32 $0xFFFFCF20  }
0x6c: {  	[spmem:s18], [sflag:s11] =	dma.local [hbm:s6], $0x30E0  }
0x6d: {  	_ =	swait.ge [sflag:s19], $0x30E0  }
0x6e: {  	[sflag:s19] =	ssyncset.done $0x0  }
0x6f: {  	[sflag:s19] =	ssyncadd.s32 $0xFFFFCF20  }
0x70: {  	s31 =	simm.s32 $0x0;
	s0 =	simm.s32 $0x0;
	[bflag:$0x0] =	sbarrier.arrive $0xFFFF  }
.LBB2_6:
0x71: {  	s1 =	smul.u32 $0x1400, s0;
	_ =	sdelay $0x1  }
0x72: {  	s1 =	sadd.s32 s12, s1  }
0x73: {  	s1 =	sshrl.u32 s1, $0x3  }
0x74: {  	s13 =	sadd.s32 s4, s1  }
0x75: {  	[tilespmem:s20], [sflag:$0x3] =	stream.linear.gather [hbm4b:s13+s31], $0x1400, $0x38;
	[tilespmem:$0x1CE40] =	vst v63  }
0x76: {  	_ =	swait.ge [sflag:s19], $0x1400  }
0x77: {  	[sflag:s19] =	ssyncset.done $0x0  }
0x78: {  	s1 =	sadd.s32 s5, s1;
	[sflag:s19] =	ssyncadd.s32 $0xFFFFEC00  }
0x79: {  	[tilespmem:s21], [sflag:$0x3] =	stream.linear.gather [hbm4b:s1+s31], $0x1400, $0x38;
	[tilespmem:$0x1CE40] =	vst v63  }
0x7a: {  	_ =	swait.ge [sflag:s19], $0x1400  }
0x7b: {  	[sflag:s19] =	ssyncset.done $0x0  }
0x7c: {  	[sflag:s19] =	ssyncadd.s32 $0xFFFFEC00  }
0x7d: {  	[tilespmem:s31], [sflag:$0x1] =	stream.indirect.gather [hbm4b:s8+s22], $0x20, s20, s22, $0xb8;
	[tilespmem:$0x1CE40] =	vst v63  }
0x7e: {  	s13 =	simm.s32 $0x1FC0  }
0x7f: {  	[tilespmem:s23], [sflag:$0x2] =	stream.indirect.gather [hbm4b:s8+s22], $0x20, s13, s22, $0xb8;
	[tilespmem:$0x1CE40] =	vst v63  }
0x80: {  	_ =	swait.ge [sflag:s24], $0xFA0  }
0x81: {  	[sflag:s24] =	ssyncset.done $0x0  }
0x82: {  	s14 =	simm.s32 $0x3340;
	[sflag:s24] =	ssyncadd.s32 $0xFFFFF060  }
0x83: {  	[spmem:s2] =	stream.indirect.scatter.add.f32 [tilespmem:s3], [sflag:$0x3], $0x20, s14, s22, $0xb8;
	[tilespmem:$0x1CE40] =	vst v63  }
0x84: {  	_ =	swait.ge [sflag:s19], $0xFA0  }
0x85: {  	[sflag:s19] =	ssyncset.done $0x0  }
0x86: {  	s15 =	simm.s32 $0x2040;
	[sflag:s19] =	ssyncadd.s32 $0xFFFFF060  }
0x87: {  	[tilespmem:s3], [sflag:$0x1] =	stream.indirect.gather [hbm4b:s8+s22], $0x20, s15, s22, $0xb8;
	[tilespmem:$0x1CE40] =	vst v63  }
0x88: {  	_ =	swait.ge [sflag:s25], $0xFA0  }
0x89: {  	[sflag:s25] =	ssyncset.done $0x0  }
0x8a: {  	s16 =	simm.s32 $0x33C0;
	[sflag:s25] =	ssyncadd.s32 $0xFFFFF060  }
0x8b: {  	[spmem:s2] =	stream.indirect.scatter.add.f32 [tilespmem:s23], [sflag:$0x3], $0x20, s16, s22, $0xb8;
	[tilespmem:$0x1CE40] =	vst v63  }
0x8c: {  	_ =	swait.ge [sflag:s19], $0xFA0  }
0x8d: {  	s1 =	simm.s32 $0x100;
	s13 =	simm.s32 $0x800;
	[sflag:s19] =	ssyncset.done $0x0  }
.LBB2_7:
0x8e: {  	s14 =	sadd.s32 $0x1FC0, s1  }
0x8f: {  	[sflag:s19] =	ssyncadd.s32 $0xFFFFF060;
	s15 =	smov.u32 s13;
	s16 =	sadd.s32 $0x400, s13  }
0x90: {  	[tilespmem:s23], [sflag:$0x2] =	stream.indirect.gather [hbm4b:s8+s22], $0x20, s14, s22, $0xb8;
	[tilespmem:$0x1CE40] =	vst v63  }
0x91: {  	p0 =	sne.s32 s13, $0x4800;
	_ =	swait.ge [sflag:s24], $0xFA0  }
0x92: {  	[sflag:s24] =	ssyncset.done $0x0  }
0x93: {  	s13 =	sadd.s32 $0x3340, s1;
	[sflag:s24] =	ssyncadd.s32 $0xFFFFF060  }
0x94: {  	[spmem:s2] =	stream.indirect.scatter.add.f32 [tilespmem:s3], [sflag:$0x3], $0x20, s13, s22, $0xb8;
	[tilespmem:$0x1CE40] =	vst v63  }
0x95: {  	_ =	swait.ge [sflag:s19], $0xFA0  }
0x96: {  	[sflag:s19] =	ssyncset.done $0x0  }
0x97: {  	s13 =	sadd.s32 $0x2040, s1;
	[sflag:s19] =	ssyncadd.s32 $0xFFFFF060  }
0x98: {  	[tilespmem:s3], [sflag:$0x1] =	stream.indirect.gather [hbm4b:s8+s22], $0x20, s13, s22, $0xb8;
	[tilespmem:$0x1CE40] =	vst v63  }
0x99: {  	_ =	swait.ge [sflag:s25], $0xFA0  }
.Ltmp2:
0x9a: {  	[sflag:s25] =	ssyncset.done $0x0;
	(pc) =	sbr.rel @p0 .LBB2_7-.Ltmp2, $4  }
0x9b: {  	s1 =	sadd.s32 $0x33C0, s1;
	[sflag:s25] =	ssyncadd.s32 $0xFFFFF060  }
0x9c: {  	[spmem:s2] =	stream.indirect.scatter.add.f32 [tilespmem:s23], [sflag:$0x3], $0x20, s1, s22, $0xb8;
	[tilespmem:$0x1CE40] =	vst v63  }
0x9d: {  	_ =	swait.ge [sflag:s19], $0xFA0  }
0x9e: {  	s13 =	smov.u32 s16;
	s1 =	sshra.s32 s15, $0x2;
	[sflag:s19] =	ssyncset.done $0x0  }
0x9f: {  	s13 =	sadd.s32 $0x1FC0, s1;
	[sflag:s19] =	ssyncadd.s32 $0xFFFFF060  }
0xa0: {  	[tilespmem:s23], [sflag:$0x2] =	stream.indirect.gather [hbm4b:s8+s22], $0x20, s13, s22, $0xb8;
	[tilespmem:$0x1CE40] =	vst v63  }
0xa1: {  	_ =	swait.ge [sflag:s24], $0xFA0  }
0xa2: {  	[sflag:s24] =	ssyncset.done $0x0  }
0xa3: {  	s14 =	sadd.s32 $0x3340, s1;
	[sflag:s24] =	ssyncadd.s32 $0xFFFFF060  }
0xa4: {  	[spmem:s2] =	stream.indirect.scatter.add.f32 [tilespmem:s3], [sflag:$0x3], $0x20, s14, s22, $0xb8;
	[tilespmem:$0x1CE40] =	vst v63  }
0xa5: {  	_ =	swait.ge [sflag:s19], $0xFA0  }
0xa6: {  	[sflag:s19] =	ssyncset.done $0x0  }
0xa7: {  	s15 =	sadd.s32 $0x2040, s1;
	[sflag:s19] =	ssyncadd.s32 $0xFFFFF060  }
0xa8: {  	[tilespmem:s3], [sflag:$0x1] =	stream.indirect.gather [hbm4b:s8+s22], $0x20, s15, s22, $0xb8;
	[tilespmem:$0x1CE40] =	vst v63  }
0xa9: {  	_ =	swait.ge [sflag:s25], $0xFA0  }
0xaa: {  	[sflag:s25] =	ssyncset.done $0x0  }
0xab: {  	s16 =	sadd.s32 $0x33C0, s1;
	[sflag:s25] =	ssyncadd.s32 $0xFFFFF060  }
0xac: {  	[spmem:s2] =	stream.indirect.scatter.add.f32 [tilespmem:s23], [sflag:$0x3], $0x20, s16, s22, $0xb8;
	[tilespmem:$0x1CE40] =	vst v63  }
0xad: {  	_ =	swait.ge [sflag:s19], $0xFA0  }
0xae: {  	[sflag:s19] =	ssyncset.done $0x0  }
0xaf: {  	[sflag:s19] =	ssyncadd.s32 $0xFFFFF060  }
0xb0: {  	[tilespmem:s23], [sflag:$0x2] =	stream.indirect.gather [hbm4b:s8+s22], $0x20, s26, s22, $0xb8;
	[tilespmem:$0x1CE40] =	vst v63  }
0xb1: {  	_ =	swait.ge [sflag:s24], $0xFA0  }
0xb2: {  	[sflag:s24] =	ssyncset.done $0x0  }
0xb3: {  	[sflag:s24] =	ssyncadd.s32 $0xFFFFF060  }
0xb4: {  	[spmem:s2] =	stream.indirect.scatter.add.f32 [tilespmem:s3], [sflag:$0x3], $0x20, s28, s22, $0xb8;
	[tilespmem:$0x1CE40] =	vst v63  }
0xb5: {  	_ =	swait.ge [sflag:s19], $0xFA0  }
0xb6: {  	[sflag:s19] =	ssyncset.done $0x0  }
0xb7: {  	[sflag:s19] =	ssyncadd.s32 $0xFFFFF060  }
0xb8: {  	s0 =	sadd.s32 $0x1, s0;
	_ =	swait.ge [sflag:s25], $0xFA0  }
0xb9: {  	p0 =	sne.s32 s0, $0x5;
	[sflag:s25] =	ssyncset.done $0x0  }
.Ltmp3:
0xba: {  	[sflag:s25] =	ssyncadd.s32 $0xFFFFF060;
	(pc) =	sbr.rel @p0 .LBB2_6-.Ltmp3, $4  }
0xbb: {  	[spmem:s2] =	stream.indirect.scatter.add.f32 [tilespmem:s23], [sflag:$0x3], $0x20, s29, s22, $0xb8;
	[tilespmem:$0x1CE40] =	vst v63  }
0xbc: {  	_ =	swait.ge [sflag:s19], $0xFA0  }
0xbd: {  	[sflag:s19] =	ssyncset.done $0x0  }
0xbe: {  	[sflag:s19] =	ssyncadd.s32 $0xFFFFF060  }
0xbf: {  	[bflag:$0x0] =	sbarrier.arrive $0xFFFF  }
0xc0: {  	s0 =	rddreg [dreg:$0x4]  }
0xc1: {  	[hbm:s0], [sflag:s11] =	dma.local [spmem:s18], $0x30E0  }
0xc2: {  	_ =	swait.ge [sflag:s19], $0x30E0  }
0xc3: {  	[sflag:s19] =	ssyncset.done $0x0  }
0xc4: {  	[sflag:s19] =	ssyncadd.s32 $0xFFFFCF20  }
0xc5: {  	[spmem:s18], [sflag:s11] =	dma.local [hbm:s6], $0x30E0  }
0xc6: {  	_ =	swait.ge [sflag:s19], $0x30E0  }
0xc7: {  	[sflag:s19] =	ssyncset.done $0x0  }
0xc8: {  	[sflag:s19] =	ssyncadd.s32 $0xFFFFCF20  }
0xc9: {  	s31 =	simm.s32 $0x0;
	s0 =	simm.s32 $0x0;
	[bflag:$0x0] =	sbarrier.arrive $0xFFFF  }
.LBB2_10:
0xca: {  	s1 =	smul.u32 $0x1400, s0;
	_ =	sdelay $0x1  }
0xcb: {  	s1 =	sadd.s32 s12, s1  }
0xcc: {  	s1 =	sshrl.u32 s1, $0x3  }
0xcd: {  	s13 =	sadd.s32 s4, s1  }
0xce: {  	[tilespmem:s20], [sflag:$0x3] =	stream.linear.gather [hbm4b:s13+s31], $0x1400, $0x38;
	[tilespmem:$0x1CE40] =	vst v63  }
0xcf: {  	_ =	swait.ge [sflag:s19], $0x1400  }
0xd0: {  	[sflag:s19] =	ssyncset.done $0x0  }
0xd1: {  	s1 =	sadd.s32 s5, s1;
	[sflag:s19] =	ssyncadd.s32 $0xFFFFEC00  }
0xd2: {  	[tilespmem:s21], [sflag:$0x3] =	stream.linear.gather [hbm4b:s1+s31], $0x1400, $0x38;
	[tilespmem:$0x1CE40] =	vst v63  }
0xd3: {  	_ =	swait.ge [sflag:s19], $0x1400  }
0xd4: {  	[sflag:s19] =	ssyncset.done $0x0  }
0xd5: {  	[sflag:s19] =	ssyncadd.s32 $0xFFFFEC00  }
0xd6: {  	[tilespmem:s31], [sflag:$0x1] =	stream.indirect.gather [hbm4b:s9+s22], $0x20, s20, s22, $0xb8;
	[tilespmem:$0x1CE40] =	vst v63  }
0xd7: {  	s13 =	simm.s32 $0x1FC0  }
0xd8: {  	[tilespmem:s23], [sflag:$0x2] =	stream.indirect.gather [hbm4b:s9+s22], $0x20, s13, s22, $0xb8;
	[tilespmem:$0x1CE40] =	vst v63  }
0xd9: {  	_ =	swait.ge [sflag:s24], $0xFA0  }
0xda: {  	[sflag:s24] =	ssyncset.done $0x0  }
0xdb: {  	s14 =	simm.s32 $0x3340;
	[sflag:s24] =	ssyncadd.s32 $0xFFFFF060  }
0xdc: {  	[spmem:s2] =	stream.indirect.scatter.add.f32 [tilespmem:s3], [sflag:$0x3], $0x20, s14, s22, $0xb8;
	[tilespmem:$0x1CE40] =	vst v63  }
0xdd: {  	_ =	swait.ge [sflag:s19], $0xFA0  }
0xde: {  	[sflag:s19] =	ssyncset.done $0x0  }
0xdf: {  	s15 =	simm.s32 $0x2040;
	[sflag:s19] =	ssyncadd.s32 $0xFFFFF060  }
0xe0: {  	[tilespmem:s3], [sflag:$0x1] =	stream.indirect.gather [hbm4b:s9+s22], $0x20, s15, s22, $0xb8;
	[tilespmem:$0x1CE40] =	vst v63  }
0xe1: {  	_ =	swait.ge [sflag:s25], $0xFA0  }
0xe2: {  	[sflag:s25] =	ssyncset.done $0x0  }
0xe3: {  	s16 =	simm.s32 $0x33C0;
	[sflag:s25] =	ssyncadd.s32 $0xFFFFF060  }
0xe4: {  	[spmem:s2] =	stream.indirect.scatter.add.f32 [tilespmem:s23], [sflag:$0x3], $0x20, s16, s22, $0xb8;
	[tilespmem:$0x1CE40] =	vst v63  }
0xe5: {  	_ =	swait.ge [sflag:s19], $0xFA0  }
0xe6: {  	s1 =	simm.s32 $0x100;
	s13 =	simm.s32 $0x800;
	[sflag:s19] =	ssyncset.done $0x0  }
.LBB2_11:
0xe7: {  	s14 =	sadd.s32 $0x1FC0, s1  }
0xe8: {  	[sflag:s19] =	ssyncadd.s32 $0xFFFFF060;
	s15 =	smov.u32 s13;
	s16 =	sadd.s32 $0x400, s13  }
0xe9: {  	[tilespmem:s23], [sflag:$0x2] =	stream.indirect.gather [hbm4b:s9+s22], $0x20, s14, s22, $0xb8;
	[tilespmem:$0x1CE40] =	vst v63  }
0xea: {  	p0 =	sne.s32 s13, $0x4800;
	_ =	swait.ge [sflag:s24], $0xFA0  }
0xeb: {  	[sflag:s24] =	ssyncset.done $0x0  }
0xec: {  	s13 =	sadd.s32 $0x3340, s1;
	[sflag:s24] =	ssyncadd.s32 $0xFFFFF060  }
0xed: {  	[spmem:s2] =	stream.indirect.scatter.add.f32 [tilespmem:s3], [sflag:$0x3], $0x20, s13, s22, $0xb8;
	[tilespmem:$0x1CE40] =	vst v63  }
0xee: {  	_ =	swait.ge [sflag:s19], $0xFA0  }
0xef: {  	[sflag:s19] =	ssyncset.done $0x0  }
0xf0: {  	s13 =	sadd.s32 $0x2040, s1;
	[sflag:s19] =	ssyncadd.s32 $0xFFFFF060  }
0xf1: {  	[tilespmem:s3], [sflag:$0x1] =	stream.indirect.gather [hbm4b:s9+s22], $0x20, s13, s22, $0xb8;
	[tilespmem:$0x1CE40] =	vst v63  }
0xf2: {  	_ =	swait.ge [sflag:s25], $0xFA0  }
.Ltmp4:
0xf3: {  	[sflag:s25] =	ssyncset.done $0x0;
	(pc) =	sbr.rel @p0 .LBB2_11-.Ltmp4, $4  }
0xf4: {  	s1 =	sadd.s32 $0x33C0, s1;
	[sflag:s25] =	ssyncadd.s32 $0xFFFFF060  }
0xf5: {  	[spmem:s2] =	stream.indirect.scatter.add.f32 [tilespmem:s23], [sflag:$0x3], $0x20, s1, s22, $0xb8;
	[tilespmem:$0x1CE40] =	vst v63  }
0xf6: {  	_ =	swait.ge [sflag:s19], $0xFA0  }
0xf7: {  	s13 =	smov.u32 s16;
	s1 =	sshra.s32 s15, $0x2;
	[sflag:s19] =	ssyncset.done $0x0  }
0xf8: {  	s13 =	sadd.s32 $0x1FC0, s1;
	[sflag:s19] =	ssyncadd.s32 $0xFFFFF060  }
0xf9: {  	[tilespmem:s23], [sflag:$0x2] =	stream.indirect.gather [hbm4b:s9+s22], $0x20, s13, s22, $0xb8;
	[tilespmem:$0x1CE40] =	vst v63  }
0xfa: {  	_ =	swait.ge [sflag:s24], $0xFA0  }
0xfb: {  	[sflag:s24] =	ssyncset.done $0x0  }
0xfc: {  	s14 =	sadd.s32 $0x3340, s1;
	[sflag:s24] =	ssyncadd.s32 $0xFFFFF060  }
0xfd: {  	[spmem:s2] =	stream.indirect.scatter.add.f32 [tilespmem:s3], [sflag:$0x3], $0x20, s14, s22, $0xb8;
	[tilespmem:$0x1CE40] =	vst v63  }
0xfe: {  	_ =	swait.ge [sflag:s19], $0xFA0  }
0xff: {  	[sflag:s19] =	ssyncset.done $0x0  }
0x100: {  	s15 =	sadd.s32 $0x2040, s1;
	[sflag:s19] =	ssyncadd.s32 $0xFFFFF060  }
0x101: {  	[tilespmem:s3], [sflag:$0x1] =	stream.indirect.gather [hbm4b:s9+s22], $0x20, s15, s22, $0xb8;
	[tilespmem:$0x1CE40] =	vst v63  }
0x102: {  	_ =	swait.ge [sflag:s25], $0xFA0  }
0x103: {  	[sflag:s25] =	ssyncset.done $0x0  }
0x104: {  	s16 =	sadd.s32 $0x33C0, s1;
	[sflag:s25] =	ssyncadd.s32 $0xFFFFF060  }
0x105: {  	[spmem:s2] =	stream.indirect.scatter.add.f32 [tilespmem:s23], [sflag:$0x3], $0x20, s16, s22, $0xb8;
	[tilespmem:$0x1CE40] =	vst v63  }
0x106: {  	_ =	swait.ge [sflag:s19], $0xFA0  }
0x107: {  	[sflag:s19] =	ssyncset.done $0x0  }
0x108: {  	[sflag:s19] =	ssyncadd.s32 $0xFFFFF060  }
0x109: {  	[tilespmem:s23], [sflag:$0x2] =	stream.indirect.gather [hbm4b:s9+s22], $0x20, s26, s22, $0xb8;
	[tilespmem:$0x1CE40] =	vst v63  }
0x10a: {  	_ =	swait.ge [sflag:s24], $0xFA0  }
0x10b: {  	[sflag:s24] =	ssyncset.done $0x0  }
0x10c: {  	[sflag:s24] =	ssyncadd.s32 $0xFFFFF060  }
0x10d: {  	[spmem:s2] =	stream.indirect.scatter.add.f32 [tilespmem:s3], [sflag:$0x3], $0x20, s28, s22, $0xb8;
	[tilespmem:$0x1CE40] =	vst v63  }
0x10e: {  	_ =	swait.ge [sflag:s19], $0xFA0  }
0x10f: {  	[sflag:s19] =	ssyncset.done $0x0  }
0x110: {  	[sflag:s19] =	ssyncadd.s32 $0xFFFFF060  }
0x111: {  	s0 =	sadd.s32 $0x1, s0;
	_ =	swait.ge [sflag:s25], $0xFA0  }
0x112: {  	p0 =	sne.s32 s0, $0x5;
	[sflag:s25] =	ssyncset.done $0x0  }
.Ltmp5:
0x113: {  	[sflag:s25] =	ssyncadd.s32 $0xFFFFF060;
	(pc) =	sbr.rel @p0 .LBB2_10-.Ltmp5, $4  }
0x114: {  	[spmem:s2] =	stream.indirect.scatter.add.f32 [tilespmem:s23], [sflag:$0x3], $0x20, s29, s22, $0xb8;
	[tilespmem:$0x1CE40] =	vst v63  }
0x115: {  	_ =	swait.ge [sflag:s19], $0xFA0  }
0x116: {  	[sflag:s19] =	ssyncset.done $0x0  }
0x117: {  	[sflag:s19] =	ssyncadd.s32 $0xFFFFF060  }
0x118: {  	[bflag:$0x0] =	sbarrier.arrive $0xFFFF  }
0x119: {  	s0 =	rddreg [dreg:$0x5]  }
0x11a: {  	[hbm:s0], [sflag:s11] =	dma.local [spmem:s18], $0x30E0  }
0x11b: {  	_ =	swait.ge [sflag:s19], $0x30E0  }
0x11c: {  	[sflag:s19] =	ssyncset.done $0x0  }
0x11d: {  	[sflag:s19] =	ssyncadd.s32 $0xFFFFCF20  }
0x11e: {  	[spmem:s18], [sflag:s11] =	dma.local [hbm:s6], $0x30E0  }
0x11f: {  	_ =	swait.ge [sflag:s19], $0x30E0  }
0x120: {  	[sflag:s19] =	ssyncset.done $0x0  }
0x121: {  	[sflag:s19] =	ssyncadd.s32 $0xFFFFCF20  }
0x122: {  	s31 =	simm.s32 $0x0;
	s0 =	simm.s32 $0x0;
	[bflag:$0x0] =	sbarrier.arrive $0xFFFF  }
.LBB2_14:
0x123: {  	s1 =	smul.u32 $0x1400, s0;
	_ =	sdelay $0x1  }
0x124: {  	s1 =	sadd.s32 s12, s1  }
0x125: {  	s1 =	sshrl.u32 s1, $0x3  }
0x126: {  	s13 =	sadd.s32 s4, s1  }
0x127: {  	[tilespmem:s20], [sflag:$0x3] =	stream.linear.gather [hbm4b:s13+s31], $0x1400, $0x38;
	[tilespmem:$0x1CE40] =	vst v63  }
0x128: {  	_ =	swait.ge [sflag:s19], $0x1400  }
0x129: {  	[sflag:s19] =	ssyncset.done $0x0  }
0x12a: {  	s1 =	sadd.s32 s5, s1;
	[sflag:s19] =	ssyncadd.s32 $0xFFFFEC00  }
0x12b: {  	[tilespmem:s21], [sflag:$0x3] =	stream.linear.gather [hbm4b:s1+s31], $0x1400, $0x38;
	[tilespmem:$0x1CE40] =	vst v63  }
0x12c: {  	_ =	swait.ge [sflag:s19], $0x1400  }
0x12d: {  	[sflag:s19] =	ssyncset.done $0x0  }
0x12e: {  	[sflag:s19] =	ssyncadd.s32 $0xFFFFEC00  }
0x12f: {  	[tilespmem:s31], [sflag:$0x1] =	stream.indirect.gather [hbm4b:s10+s22], $0x20, s20, s22, $0xb8;
	[tilespmem:$0x1CE40] =	vst v63  }
0x130: {  	s13 =	simm.s32 $0x1FC0  }
0x131: {  	[tilespmem:s23], [sflag:$0x2] =	stream.indirect.gather [hbm4b:s10+s22], $0x20, s13, s22, $0xb8;
	[tilespmem:$0x1CE40] =	vst v63  }
0x132: {  	_ =	swait.ge [sflag:s24], $0xFA0  }
0x133: {  	[sflag:s24] =	ssyncset.done $0x0  }
0x134: {  	s14 =	simm.s32 $0x3340;
	[sflag:s24] =	ssyncadd.s32 $0xFFFFF060  }
0x135: {  	[spmem:s2] =	stream.indirect.scatter.add.f32 [tilespmem:s3], [sflag:$0x3], $0x20, s14, s22, $0xb8;
	[tilespmem:$0x1CE40] =	vst v63  }
0x136: {  	_ =	swait.ge [sflag:s19], $0xFA0  }
0x137: {  	[sflag:s19] =	ssyncset.done $0x0  }
0x138: {  	s15 =	simm.s32 $0x2040;
	[sflag:s19] =	ssyncadd.s32 $0xFFFFF060  }
0x139: {  	[tilespmem:s3], [sflag:$0x1] =	stream.indirect.gather [hbm4b:s10+s22], $0x20, s15, s22, $0xb8;
	[tilespmem:$0x1CE40] =	vst v63  }
0x13a: {  	_ =	swait.ge [sflag:s25], $0xFA0  }
0x13b: {  	[sflag:s25] =	ssyncset.done $0x0  }
0x13c: {  	s16 =	simm.s32 $0x33C0;
	[sflag:s25] =	ssyncadd.s32 $0xFFFFF060  }
0x13d: {  	[spmem:s2] =	stream.indirect.scatter.add.f32 [tilespmem:s23], [sflag:$0x3], $0x20, s16, s22, $0xb8;
	[tilespmem:$0x1CE40] =	vst v63  }
0x13e: {  	_ =	swait.ge [sflag:s19], $0xFA0  }
0x13f: {  	s1 =	simm.s32 $0x100;
	s13 =	simm.s32 $0x800;
	[sflag:s19] =	ssyncset.done $0x0  }
.LBB2_15:
0x140: {  	s14 =	sadd.s32 $0x1FC0, s1  }
0x141: {  	[sflag:s19] =	ssyncadd.s32 $0xFFFFF060;
	s15 =	smov.u32 s13;
	s16 =	sadd.s32 $0x400, s13  }
0x142: {  	[tilespmem:s23], [sflag:$0x2] =	stream.indirect.gather [hbm4b:s10+s22], $0x20, s14, s22, $0xb8;
	[tilespmem:$0x1CE40] =	vst v63  }
0x143: {  	p0 =	sne.s32 s13, $0x4800;
	_ =	swait.ge [sflag:s24], $0xFA0  }
0x144: {  	[sflag:s24] =	ssyncset.done $0x0  }
0x145: {  	s13 =	sadd.s32 $0x3340, s1;
	[sflag:s24] =	ssyncadd.s32 $0xFFFFF060  }
0x146: {  	[spmem:s2] =	stream.indirect.scatter.add.f32 [tilespmem:s3], [sflag:$0x3], $0x20, s13, s22, $0xb8;
	[tilespmem:$0x1CE40] =	vst v63  }
0x147: {  	_ =	swait.ge [sflag:s19], $0xFA0  }
0x148: {  	[sflag:s19] =	ssyncset.done $0x0  }
0x149: {  	s13 =	sadd.s32 $0x2040, s1;
	[sflag:s19] =	ssyncadd.s32 $0xFFFFF060  }
0x14a: {  	[tilespmem:s3], [sflag:$0x1] =	stream.indirect.gather [hbm4b:s10+s22], $0x20, s13, s22, $0xb8;
	[tilespmem:$0x1CE40] =	vst v63  }
0x14b: {  	_ =	swait.ge [sflag:s25], $0xFA0  }
.Ltmp6:
0x14c: {  	[sflag:s25] =	ssyncset.done $0x0;
	(pc) =	sbr.rel @p0 .LBB2_15-.Ltmp6, $4  }
0x14d: {  	s1 =	sadd.s32 $0x33C0, s1;
	[sflag:s25] =	ssyncadd.s32 $0xFFFFF060  }
0x14e: {  	[spmem:s2] =	stream.indirect.scatter.add.f32 [tilespmem:s23], [sflag:$0x3], $0x20, s1, s22, $0xb8;
	[tilespmem:$0x1CE40] =	vst v63  }
0x14f: {  	_ =	swait.ge [sflag:s19], $0xFA0  }
0x150: {  	s13 =	smov.u32 s16;
	s1 =	sshra.s32 s15, $0x2;
	[sflag:s19] =	ssyncset.done $0x0  }
0x151: {  	s13 =	sadd.s32 $0x1FC0, s1;
	[sflag:s19] =	ssyncadd.s32 $0xFFFFF060  }
0x152: {  	[tilespmem:s23], [sflag:$0x2] =	stream.indirect.gather [hbm4b:s10+s22], $0x20, s13, s22, $0xb8;
	[tilespmem:$0x1CE40] =	vst v63  }
0x153: {  	_ =	swait.ge [sflag:s24], $0xFA0  }
0x154: {  	[sflag:s24] =	ssyncset.done $0x0  }
0x155: {  	s14 =	sadd.s32 $0x3340, s1;
	[sflag:s24] =	ssyncadd.s32 $0xFFFFF060  }
0x156: {  	[spmem:s2] =	stream.indirect.scatter.add.f32 [tilespmem:s3], [sflag:$0x3], $0x20, s14, s22, $0xb8;
	[tilespmem:$0x1CE40] =	vst v63  }
0x157: {  	_ =	swait.ge [sflag:s19], $0xFA0  }
0x158: {  	[sflag:s19] =	ssyncset.done $0x0  }
0x159: {  	s15 =	sadd.s32 $0x2040, s1;
	[sflag:s19] =	ssyncadd.s32 $0xFFFFF060  }
0x15a: {  	[tilespmem:s3], [sflag:$0x1] =	stream.indirect.gather [hbm4b:s10+s22], $0x20, s15, s22, $0xb8;
	[tilespmem:$0x1CE40] =	vst v63  }
0x15b: {  	_ =	swait.ge [sflag:s25], $0xFA0  }
0x15c: {  	[sflag:s25] =	ssyncset.done $0x0  }
0x15d: {  	s16 =	sadd.s32 $0x33C0, s1;
	[sflag:s25] =	ssyncadd.s32 $0xFFFFF060  }
0x15e: {  	[spmem:s2] =	stream.indirect.scatter.add.f32 [tilespmem:s23], [sflag:$0x3], $0x20, s16, s22, $0xb8;
	[tilespmem:$0x1CE40] =	vst v63  }
0x15f: {  	_ =	swait.ge [sflag:s19], $0xFA0  }
0x160: {  	[sflag:s19] =	ssyncset.done $0x0  }
0x161: {  	[sflag:s19] =	ssyncadd.s32 $0xFFFFF060  }
0x162: {  	[tilespmem:s23], [sflag:$0x2] =	stream.indirect.gather [hbm4b:s10+s22], $0x20, s26, s22, $0xb8;
	[tilespmem:$0x1CE40] =	vst v63  }
0x163: {  	_ =	swait.ge [sflag:s24], $0xFA0  }
0x164: {  	[sflag:s24] =	ssyncset.done $0x0  }
0x165: {  	[sflag:s24] =	ssyncadd.s32 $0xFFFFF060  }
0x166: {  	[spmem:s2] =	stream.indirect.scatter.add.f32 [tilespmem:s3], [sflag:$0x3], $0x20, s28, s22, $0xb8;
	[tilespmem:$0x1CE40] =	vst v63  }
0x167: {  	_ =	swait.ge [sflag:s19], $0xFA0  }
0x168: {  	[sflag:s19] =	ssyncset.done $0x0  }
0x169: {  	[sflag:s19] =	ssyncadd.s32 $0xFFFFF060  }
0x16a: {  	s0 =	sadd.s32 $0x1, s0;
	_ =	swait.ge [sflag:s25], $0xFA0  }
0x16b: {  	p0 =	sne.s32 s0, $0x5;
	[sflag:s25] =	ssyncset.done $0x0  }
.Ltmp7:
0x16c: {  	[sflag:s25] =	ssyncadd.s32 $0xFFFFF060;
	(pc) =	sbr.rel @p0 .LBB2_14-.Ltmp7, $4  }
0x16d: {  	[spmem:s2] =	stream.indirect.scatter.add.f32 [tilespmem:s23], [sflag:$0x3], $0x20, s29, s22, $0xb8;
	[tilespmem:$0x1CE40] =	vst v63  }
0x16e: {  	_ =	swait.ge [sflag:s19], $0xFA0  }
0x16f: {  	[sflag:s19] =	ssyncset.done $0x0  }
0x170: {  	[sflag:s19] =	ssyncadd.s32 $0xFFFFF060  }
0x171: {  	s30 =	sadd.s32 $0x1, s30  }
0x172: {  	[bflag:$0x0] =	sbarrier.arrive $0xFFFF;
	p0 =	sne.s32 s30, s17  }
.Ltmp8:
0x173: {  	s0 =	rddreg [dreg:$0x6];
	(pc) =	sbr.rel @p0 .LBB2_1-.Ltmp8, $4  }
0x174: {  	[hbm:s0], [sflag:s11] =	dma.local [spmem:s18], $0x30E0  }
0x175: {  	_ =	swait.ge [sflag:s19], $0x30E0  }
0x176: {  	[sflag:s19] =	ssyncset.done $0x0  }
0x177: {  	[sflag:s19] =	ssyncadd.s32 $0xFFFFCF20  }
0x178: {  	_ =	sfence.sel $0x180000  }
0x179: {  	[bflag:$0x0] =	sbarrier.arrive $0xFFFF  }
0x17a: {  	_ =	strace $0x9000004A  }
0x17b: {  	s0 =	stileid.u32;
	[bflag:$0x2] =	sbarrier.arrive $0xFFFF  }
0x17c: {  	p0 =	sne.s32 s0, $0x0;
	s0 =	rddreg [dreg:$0x2]  }
0x17d: {  	s0 =	sadd.s32 @!p0 $0x100000, s0  }
0x17e: {  	[sflag:s0] =	ssyncadd.tile.s32 @!p0 $0x1;
	_ =	shalt  }
.Lfunc_end2:
_tile_overlayer_lowered:
.L_overlay_start_2:
0x17f: {  	(tag) =	ssettag $0x2  }
0x180: {  	s0 =	rddreg [dreg:$0x0];
	s2 =	stileid.u32  }
0x181: {  	s1 =	rddreg [dreg:$0x1];
	p0 =	sne.s32 s2, $0x0  }
0x182: {  	s3 =	rddreg [dreg:$0x2];
	[bflag:$0x3] =	sbarrier.arrive $0xFFFF;
	s2 =	simm.s32 @!p0 $0x1C03  }
0x183: {  	[timem:s3], [sflag:s2] =	dma.local @!p0 [hbm:s0], s1  }
0x184: {  	s0 =	simm.s32 @!p0 $0x3  }
0x185: {  	_ =	swait.ge @!p0 [sflag:s0], s1  }
0x186: {  	s1 =	ssub.s32 @!p0 $0x0, s1;
	[sflag:s0] =	ssyncset.done @!p0 $0x0  }
0x187: {  	[sflag:s0] =	ssyncadd.s32 @!p0 s1  }
0x188: {  	[bflag:$0x3] =	sbarrier.arrive $0xFFFF  }
0x189: {  	_ =	shalt  }

// kernel: kernel.17.cloned.1.call-start
scs
__scs_entry_jumppad:
0x0: {  	(pc) =	sbr.rel $0x88, $3  }
0x1: {  	(tag) =	ssettag $0x0;
	lr =	simm.s32 $0x1  }
0x2: {  	[smem:$0x3F8A] =	sst lr;
	_ =	strace $0xD0000000  }
0x3: {  	_ = 	snop  }
0x4: {  	_ = 	snop  }
0x5: {  	_ = 	snop  }
0x6: {  	_ = 	snop  }
0x7: {  	_ = 	snop  }
__scs_overlays_trampoline_lowered:
0x8: {  	[smem:$0x3F99] =	sst s0  }
0x9: {  	[smem:$0x3F9A] =	sst s1  }
0xa: {  	[smem:$0x3F9B] =	sst s2  }
0xb: {  	[smem:$0x3F9C] =	sst s3  }
0xc: {  	[smem:$0x3F9D] =	sst s4  }
0xd: {  	[smem:$0x3F9E] =	sst s5  }
0xe: {  	[smem:$0x3F9F] =	sst s6  }
0xf: {  	[smem:$0x3FA0] =	sst s7  }
0x10: {  	[smem:$0x3FA1] =	sst s8  }
0x11: {  	[smem:$0x3FA2] =	sst s9;
	s0 =	simm.s32 @!p0 $0x0  }
0x12: {  	s1 =	sld [smem:$0x3F88];
	s0 =	simm.s32 @p0 $0x1  }
0x13: {  	[smem:$0x3FA3] =	sst s0;
	s0 =	simm.s32 @!p1 $0x0  }
0x14: {  	s2 =	sld [smem:$0x3F87];
	s0 =	simm.s32 @p1 $0x1  }
0x15: {  	[smem:$0x3FA4] =	sst s0;
	s0 =	simm.s32 @!p2 $0x0  }
0x16: {  	s3 =	sld [smem:$0x3FDB];
	s0 =	simm.s32 @p2 $0x1  }
0x17: {  	s4 =	simm.s32 $0x1BF5;
	[smem:$0x3FA6] =	sst s0  }
0x18: {  	s0 =	sld [smem:$0x3F89];
	_ =	swait.ge [sflag:s4], $0x0  }
0x19: {  	s7 =	sld [smem:$0x3F8A]  }
0x1a: {  	s8 =	sadd.s32 $0xFFFFE003, lr  }
0x1b: {  	s9 =	sadd.s32 $0xFFFFFEF7, lr;
	s5 =	simm.s32 $0xFFFFFFFF;
	p2 =	slt.u32 s8, $0xFFFFF086  }
0x1c: {  	p1 =	slt.u32 s9, $0xF7A;
	s5 =	simm.s32 @!p2 $0x0  }
0x1d: {  	s5 =	simm.s32 @p1 $0x1;
	p0 =	seq.s32 s7, s2  }
0x1e: {  	s7 =	smul.u32 @!p0 $0xF7A, s2;
	p2 =	seq.s32 @!p0 s5, $0x0  }
0x1f: {  	s9 =	smul.u32 $0xF7A, s1;
	s8 =	simm.s32 @!p0 $0x1BF5;
	p2 =	por !p2, p0  }
0x20: {  	[sflag:s8] =	ssyncset.s32 @!p0 $0xFFFFF086;
	s6 =	sadd.s32 @!p0 s3, s7;
	s7 =	simm.s32 @!p0 $0x108  }
0x21: {  	s3 =	sadd.s32 s3, s9;
	s6 =	sadd.s32 @!p0 $0x88, s6;
	s7 =	simm.s32 @p2 $0x1082  }
0x22: {  	[simem:s7], [sflag:s8] =	dma.local @!p0 [hbm:s6], $0xF7A  }
0x23: {  	s9 =	sor.u32 $0xD0000000, s2;
	s6 =	simm.s32 $0x108;
	_ =	swait.ge @!p0 [sflag:s8], $0x0  }
0x24: {  	s3 =	sadd.s32 $0x88, s3;
	s6 =	simm.s32 @!p1 $0x1082;
	[sflag:s4] =	ssyncset.s32 $0xFFFFF086  }
0x25: {  	[simem:s6], [sflag:s4] =	dma.local [hbm:s3], $0xF7A  }
0x26: {  	[smem:$0x3F8A] =	sst s1;
	(tag) =	ssettag s2;
	_ =	strace s9  }
0x27: {  	s1 =	sld [smem:$0x3F9A]  }
0x28: {  	s2 =	sld [smem:$0x3F9B]  }
0x29: {  	s4 =	sld [smem:$0x3F9D]  }
0x2a: {  	p0 =	seq.s32 s5, $0x0;
	s5 =	sld [smem:$0x3F9E]  }
0x2b: {  	s6 =	sld [smem:$0x3F9F]  }
0x2c: {  	s7 =	sld [smem:$0x3FA0]  }
0x2d: {  	s3 =	simm.s32 $0x108;
	s8 =	sld [smem:$0x3FA1]  }
0x2e: {  	s3 =	simm.s32 @!p0 $0x1082;
	s9 =	sld [smem:$0x3FA2]  }
0x2f: {  	lr =	sadd.s32 s0, s3;
	s0 =	sld [smem:$0x3F99]  }
0x30: {  	s3 =	sld [smem:$0x3F9C]  }
0x31: {  	[smem:$0x3FA5] =	sst s10  }
0x32: {  	s10 =	sld [smem:$0x3FA3];
	_ =	sdelay $0x3  }
0x33: {  	p0 =	seq.s32 s10, $0x1;
	s10 =	sld [smem:$0x3FA5];
	_ =	sdelay $0x3  }
0x34: {  	[smem:$0x3FA5] =	sst s10  }
0x35: {  	s10 =	sld [smem:$0x3FA4];
	_ =	sdelay $0x3  }
0x36: {  	p1 =	seq.s32 s10, $0x1;
	s10 =	sld [smem:$0x3FA5];
	_ =	sdelay $0x3  }
0x37: {  	[smem:$0x3FA5] =	sst s10  }
0x38: {  	s10 =	sld [smem:$0x3FA6]  }
0x39: {  	_ = 	snop;
	(pc) =	sbr.ind lr, $3  }
0x3a: {  	_ = 	snop  }
0x3b: {  	_ = 	snop  }
0x3c: {  	p2 =	seq.s32 s10, $0x1;
	s10 =	sld [smem:$0x3FA5]  }
0x3d: {  	_ =	shalt  }
0x3e: {  	_ =	shalt  }
0x3f: {  	_ =	shalt  }
0x40: {  	_ =	shalt  }
0x41: {  	_ =	shalt  }
0x42: {  	_ =	shalt  }
0x43: {  	_ =	shalt  }
0x44: {  	_ =	shalt  }
0x45: {  	_ =	shalt  }
0x46: {  	_ =	shalt  }
0x47: {  	_ =	shalt  }
0x48: {  	_ =	shalt  }
0x49: {  	_ =	shalt  }
0x4a: {  	_ =	shalt  }
0x4b: {  	_ =	shalt  }
0x4c: {  	_ =	shalt  }
0x4d: {  	_ =	shalt  }
0x4e: {  	_ =	shalt  }
0x4f: {  	_ =	shalt  }
0x50: {  	_ =	shalt  }
0x51: {  	_ =	shalt  }
0x52: {  	_ =	shalt  }
0x53: {  	_ =	shalt  }
0x54: {  	_ =	shalt  }
0x55: {  	_ =	shalt  }
0x56: {  	_ =	shalt  }
0x57: {  	_ =	shalt  }
0x58: {  	_ =	shalt  }
0x59: {  	_ =	shalt  }
0x5a: {  	_ =	shalt  }
0x5b: {  	_ =	shalt  }
0x5c: {  	_ =	shalt  }
0x5d: {  	_ =	shalt  }
0x5e: {  	_ =	shalt  }
0x5f: {  	_ =	shalt  }
0x60: {  	_ =	shalt  }
0x61: {  	_ =	shalt  }
0x62: {  	_ =	shalt  }
0x63: {  	_ =	shalt  }
0x64: {  	_ =	shalt  }
0x65: {  	_ =	shalt  }
0x66: {  	_ =	shalt  }
0x67: {  	_ =	shalt  }
0x68: {  	_ =	shalt  }
0x69: {  	_ =	shalt  }
0x6a: {  	_ =	shalt  }
0x6b: {  	_ =	shalt  }
0x6c: {  	_ =	shalt  }
0x6d: {  	_ =	shalt  }
0x6e: {  	_ =	shalt  }
0x6f: {  	_ =	shalt  }
0x70: {  	_ =	shalt  }
0x71: {  	_ =	shalt  }
0x72: {  	_ =	shalt  }
0x73: {  	_ =	shalt  }
0x74: {  	_ =	shalt  }
0x75: {  	_ =	shalt  }
0x76: {  	_ =	shalt  }
0x77: {  	_ =	shalt  }
0x78: {  	_ =	shalt  }
0x79: {  	_ =	shalt  }
0x7a: {  	_ =	shalt  }
0x7b: {  	_ =	shalt  }
0x7c: {  	_ =	shalt  }
0x7d: {  	_ =	shalt  }
0x7e: {  	_ =	shalt  }
0x7f: {  	_ =	shalt  }
0x80: {  	_ =	shalt  }
0x81: {  	_ =	shalt  }
0x82: {  	_ =	shalt  }
0x83: {  	_ =	shalt  }
0x84: {  	_ =	shalt  }
0x85: {  	_ =	shalt  }
0x86: {  	_ =	shalt  }
0x87: {  	_ =	shalt  }
.Lfunc_end0:
.L_simem_size_0:
called_computation.2_lowered:
.L_overlay_start_0:
0x88: {  	s2 =	sld [smem:$0x3FD9]  }
0x89: {  	s3 =	sld [smem:$0x3FFE];
	_ =	sdelay $0x1  }
0x8a: {  	s1 =	srdreg.scid  }
0x8b: {  	s0 =	sand.u32 $0x1, s1  }
0x8c: {  	s16 =	sshll.u32 s0, $0xA;
	s2 =	sadd.s32 s3, s2  }
0x8d: {  	s2 =	sadd.s32 s2, s16  }
0x8e: {  	[smem:$0x3FB1] =	sst s2  }
0x8f: {  	_ = 	snop  }
0x90: {  	(tm) =	ssettm $0x1  }
0x91: {  	s17 =	sld [smem:$0x3FFB];
	_ =	sdelay $0x3  }
0x92: {  	_ =	strace s17  }
0x93: {  	s2 =	sld [smem:$0x3FFC];
	_ =	sdelay $0x3  }
0x94: {  	_ =	strace s2  }
0x95: {  	s2 =	sld [smem:$0x3FFD];
	_ =	sdelay $0x3  }
0x96: {  	_ =	strace s2  }
0x97: {  	_ =	strace $0x8FFFFFFF  }
0x98: {  	s18 =	sld [smem:$0x3FDB];
	_ =	sdelay $0x1  }
0x99: {  	s19 =	simm.s32 $_scs_section_size  }
0x9a: {  	s4 =	simm.s32 $_size__tile_overlayer_lowered;
	s5 =	simm.s32 $_tile_overlayer_lowered  }
0x9b: {  	s22 =	simm.s32 $0x1BFF;
	s21 =	sshll.u32 s5, $0x1;
	s2 =	sadd.s32 s19, s18  }
0x9c: {  	s6 =	simm.s32 $0x0;
	s20 =	sshll.u32 s4, $0x1;
	s4 =	sadd.s32 s21, s2  }
0x9d: {  	[timem:s6], [sflag:s22] =	dma.local [hbm:s4], s20  }
0x9e: {  	_ =	swait.ge [sflag:s22], s20  }
0x9f: {  	s3 =	ssub.s32 $0x0, s20;
	[sflag:s22] =	ssyncset.done $0x0  }
0xa0: {  	[sflag:s22] =	ssyncadd.s32 s3;
	_ =	sdelay $0x1  }
0xa1: {  	s23 =	simm.s32 $0x1B8B  }
0xa2: {  	_ =	swait.ge [sflag:s23], $0x1  }
0xa3: {  	[sflag:s23] =	ssyncset.done $0x0  }
0xa4: {  	s25 =	simm.s32 $0x1B8E;
	s24 =	sld [smem:$0x3FFE];
	[sflag:s23] =	ssyncadd.s32 $0xFFFFFFFF  }
0xa5: {  	s26 =	simm.s32 $execute0_lowered;
	[smem:$0x3FD2] =	sst s25  }
0xa6: {  	s4 =	sshll.u32 s26, $0x1;
	_ =	strace $0x8000004C;
	[dreg:$0x1] =	wrdreg $0xFFFFFFFF  }
0xa7: {  	s28 =	simm.s32 $_size_execute0_lowered;
	s2 =	sadd.s32 s2, s4;
	[dreg:$0x0] =	wrdreg $0x0  }
0xa8: {  	s4 =	sshll.u32 s28, $0x1;
	[dreg:$0x2] =	wrdreg s2  }
0xa9: {  	[dreg:$0x3] =	wrdreg s4  }
0xaa: {  	[dreg:$0x4] =	wrdreg $0xC0  }
0xab: {  	_ =	task [dreg:s6], $0x5FFFF  }
0xac: {  	[dreg:$0x1] =	wrdreg $0xFFFFFFFF  }
0xad: {  	[dreg:$0x0] =	wrdreg $0x60  }
0xae: {  	[dreg:$0x2] =	wrdreg s24  }
0xaf: {  	[dreg:$0x3] =	wrdreg $0x47400  }
0xb0: {  	[dreg:$0x4] =	wrdreg $0x9  }
0xb1: {  	_ =	task.clear_ibuf [dreg:s6], $0x5FFFF;
	_ =	strace $0x9000004C  }
0xb2: {  	s29 =	simm.s32 $0x9;
	_ =	strace $0x8000004E  }
0xb3: {  	_ =	swait.ge [sflag:s29], $0x1  }
0xb4: {  	[sflag:s29] =	ssyncadd.s32 $0xFFFFFFFF  }
0xb5: {  	_ =	strace $0x9000004E  }
0xb6: {  	_ =	sfence  }
0xb7: {  	s30 =	sld [smem:$0x0];
	_ =	sdelay $0x2  }
0xb8: {  	s31 =	sshll.u32 s1, $0xD;
	s1 =	sshrl.u32 s1, $0x2  }
0xb9: {  	s3 =	sand.u32 $0x4000, s31;
	s1 =	sadd.s32 s1, s30  }
0xba: {  	s0 =	sor.u32 s3, s0;
	s1 =	sshll.u32 s1, $0x11  }
0xbb: {  	s0 =	sor.u32 s1, s0  }
0xbc: {  	s0 =	sadd.s32 $0x8F2B, s0  }
0xbd: {  	[sflag:s0] =	ssyncadd.remote.s32 $0x1  }
0xbe: {  	_ =	sfence.sel $0xFFFF  }
0xbf: {  	[dreg:$0x0] =	wrdreg $0xFFFFFFFF;
	(pc) =	sbr.abs _section_cstart, $3  }
0xc0: {  	[dreg:$0x1] =	wrdreg $0xFFFFFFFF  }
0xc1: {  	_ =	task.clear_ibuf [dreg:s6], $0x2FFFF;
	_ =	strace $0x9FFFFFFF  }
0xc2: {  	(tm) =	ssettm $0x7FFFFFFF  }
0xc3: {  	_ =	shalt  }
tec
execute0_lowered:
.L_overlay_start_1:
0x0: {  	(tag) =	ssettag $0x1  }
0x1: {  	s9 =	rddreg [dreg:$0x0]  }
0x2: {  	s2 =	rddreg [dreg:$0x1];
	s4 =	srdreg.scid  }
0x3: {  	s0 =	stileid.u32;
	s3 =	simm.s32 $0x0;
	s15 =	simm.s32 $0x3  }
0x4: {  	s16 =	simm.s32 $0x1F40;
	s17 =	simm.s32 $0x3340;
	s18 =	simm.s32 $0x7D  }
0x5: {  	s19 =	simm.s32 $0xFA0;
	s20 =	simm.s32 $0x1;
	s21 =	simm.s32 $0x2  }
0x6: {  	s22 =	simm.s32 $0x32C0;
	s23 =	simm.s32 $0x4640;
	s24 =	simm.s32 $0x46C0  }
0x7: {  	s25 =	simm.s32 $0x0;
	s10 =	sand.u32 $0x1, s4;
	s11 =	smul.u32 $0x18700, s0  }
0x8: {  	[smem:$0x7FF] =	sst s3;
	s4 =	sadd.s32 $0x1DA00, s9;
	s5 =	sadd.s32 $0x4A00, s9  }
0x9: {  	s6 =	sadd.s32 $0x344400, s9;
	s7 =	sadd.s32 $0x280C00, s9;
	s31 =	sshll.u32 s0, $0x6  }
0xa: {  	s8 =	smul.u32 $0x187000, s10;
	s13 =	ssub.s32 $0x2, s10;
	s10 =	sshll.u32 s10, $0x4  }
0xb: {  	_ =	strace $0x8000004D;
	s30 =	sshrl.u32 s13, $0x1;
	s10 =	sor.u32 s0, s10  }
0xc: {  	s14 =	sadd.s32 s11, s2;
	s12 =	sadd.s32 s11, s8;
	s8 =	sadd.s32 $0x347600, s9  }
0xd: {  	s13 =	ssub.s32 s13, s30;
	s10 =	smul.u32 $0x6400, s10;
	s12 =	sshrl.u32 s12, $0x3  }
0xe: {  	s14 =	sshrl.u32 s14, $0x3;
	s13 =	smax.u32 s13, $0x1;
	s12 =	sadd.s32 s12, s9  }
0xf: {  	s9 =	sor.u32 $0x1C03, s31;
	s11 =	sadd.s32 $0x36A00, s12;
	s12 =	sadd.s32 $0x2B1A00, s12  }
.LBB2_1:
0x10: {  	[spmem:s14], [sflag:s9] =	dma.local [hbm:s6], $0x30E0  }
0x11: {  	_ =	swait.ge [sflag:s15], $0x30E0  }
0x12: {  	[sflag:s15] =	ssyncset.done $0x0  }
0x13: {  	[sflag:s15] =	ssyncadd.s32 $0xFFFFCF20  }
0x14: {  	s26 =	simm.s32 $0x0;
	[bflag:$0x0] =	sbarrier.arrive $0xFFFF  }
.LBB2_2:
0x15: {  	s28 =	smul.u32 $0x1400, s26;
	_ =	sdelay $0x1  }
0x16: {  	s28 =	sadd.s32 s10, s28  }
0x17: {  	s28 =	sshrl.u32 s28, $0x3  }
0x18: {  	s30 =	simm.s32 $0x0;
	s29 =	sadd.s32 s4, s28  }
0x19: {  	[tilespmem:s16], [sflag:$0x3] =	stream.linear.gather [hbm4b:s29+s30], $0x1400, $0x38;
	[tilespmem:$0x1CE40] =	vst v63  }
0x1a: {  	_ =	swait.ge [sflag:s15], $0x1400  }
0x1b: {  	[sflag:s15] =	ssyncset.done $0x0  }
0x1c: {  	s28 =	sadd.s32 s5, s28;
	[sflag:s15] =	ssyncadd.s32 $0xFFFFEC00  }
0x1d: {  	[tilespmem:s17], [sflag:$0x3] =	stream.linear.gather [hbm4b:s28+s30], $0x1400, $0x38;
	[tilespmem:$0x1CE40] =	vst v63  }
0x1e: {  	_ =	swait.ge [sflag:s15], $0x1400  }
0x1f: {  	[sflag:s15] =	ssyncset.done $0x0  }
0x20: {  	[sflag:s15] =	ssyncadd.s32 $0xFFFFEC00  }
0x21: {  	[tilespmem:s30], [sflag:$0x1] =	stream.indirect.gather [hbm4b:s7+s18], $0x20, s16, s18, $0xb8;
	[tilespmem:$0x1CE40] =	vst v63  }
0x22: {  	s28 =	simm.s32 $0x1FC0  }
0x23: {  	[tilespmem:s19], [sflag:$0x2] =	stream.indirect.gather [hbm4b:s7+s18], $0x20, s28, s18, $0xb8;
	[tilespmem:$0x1CE40] =	vst v63  }
0x24: {  	_ =	swait.ge [sflag:s20], $0xFA0  }
0x25: {  	[sflag:s20] =	ssyncset.done $0x0  }
0x26: {  	s28 =	simm.s32 $0x3340;
	[sflag:s20] =	ssyncadd.s32 $0xFFFFF060  }
0x27: {  	[spmem:s2] =	stream.indirect.scatter.add.f32 [tilespmem:s3], [sflag:$0x3], $0x20, s28, s18, $0xb8;
	[tilespmem:$0x1CE40] =	vst v63  }
0x28: {  	_ =	swait.ge [sflag:s15], $0xFA0  }
0x29: {  	[sflag:s15] =	ssyncset.done $0x0  }
0x2a: {  	s28 =	simm.s32 $0x2040;
	[sflag:s15] =	ssyncadd.s32 $0xFFFFF060  }
0x2b: {  	[tilespmem:s3], [sflag:$0x1] =	stream.indirect.gather [hbm4b:s7+s18], $0x20, s28, s18, $0xb8;
	[tilespmem:$0x1CE40] =	vst v63  }
0x2c: {  	_ =	swait.ge [sflag:s21], $0xFA0  }
0x2d: {  	[sflag:s21] =	ssyncset.done $0x0  }
0x2e: {  	s28 =	simm.s32 $0x33C0;
	[sflag:s21] =	ssyncadd.s32 $0xFFFFF060  }
0x2f: {  	[spmem:s2] =	stream.indirect.scatter.add.f32 [tilespmem:s19], [sflag:$0x3], $0x20, s28, s18, $0xb8;
	[tilespmem:$0x1CE40] =	vst v63  }
0x30: {  	_ =	swait.ge [sflag:s15], $0xFA0  }
0x31: {  	s29 =	simm.s32 $0x800;
	s28 =	simm.s32 $0x100;
	[sflag:s15] =	ssyncset.done $0x0  }
.LBB2_3:
0x32: {  	s30 =	sadd.s32 $0x1FC0, s28  }
0x33: {  	[sflag:s15] =	ssyncadd.s32 $0xFFFFF060;
	s31 =	smov.u32 s29;
	s0 =	sadd.s32 $0x400, s29  }
0x34: {  	[tilespmem:s19], [sflag:$0x2] =	stream.indirect.gather [hbm4b:s7+s18], $0x20, s30, s18, $0xb8;
	[tilespmem:$0x1CE40] =	vst v63  }
0x35: {  	p0 =	sne.s32 s29, $0x4800;
	_ =	swait.ge [sflag:s20], $0xFA0  }
0x36: {  	[sflag:s20] =	ssyncset.done $0x0  }
0x37: {  	s29 =	sadd.s32 $0x3340, s28;
	[sflag:s20] =	ssyncadd.s32 $0xFFFFF060  }
0x38: {  	[spmem:s2] =	stream.indirect.scatter.add.f32 [tilespmem:s3], [sflag:$0x3], $0x20, s29, s18, $0xb8;
	[tilespmem:$0x1CE40] =	vst v63  }
0x39: {  	_ =	swait.ge [sflag:s15], $0xFA0  }
0x3a: {  	[sflag:s15] =	ssyncset.done $0x0  }
0x3b: {  	s29 =	sadd.s32 $0x2040, s28;
	[sflag:s15] =	ssyncadd.s32 $0xFFFFF060  }
0x3c: {  	[tilespmem:s3], [sflag:$0x1] =	stream.indirect.gather [hbm4b:s7+s18], $0x20, s29, s18, $0xb8;
	[tilespmem:$0x1CE40] =	vst v63  }
0x3d: {  	_ =	swait.ge [sflag:s21], $0xFA0  }
.Ltmp0:
0x3e: {  	[sflag:s21] =	ssyncset.done $0x0;
	(pc) =	sbr.rel @p0 .LBB2_3-.Ltmp0, $4  }
0x3f: {  	s28 =	sadd.s32 $0x33C0, s28;
	[sflag:s21] =	ssyncadd.s32 $0xFFFFF060  }
0x40: {  	[spmem:s2] =	stream.indirect.scatter.add.f32 [tilespmem:s19], [sflag:$0x3], $0x20, s28, s18, $0xb8;
	[tilespmem:$0x1CE40] =	vst v63  }
0x41: {  	_ =	swait.ge [sflag:s15], $0xFA0  }
0x42: {  	s29 =	smov.u32 s0;
	s28 =	sshra.s32 s31, $0x2;
	[sflag:s15] =	ssyncset.done $0x0  }
0x43: {  	s0 =	sadd.s32 $0x1FC0, s28;
	[sflag:s15] =	ssyncadd.s32 $0xFFFFF060  }
0x44: {  	[tilespmem:s19], [sflag:$0x2] =	stream.indirect.gather [hbm4b:s7+s18], $0x20, s0, s18, $0xb8;
	[tilespmem:$0x1CE40] =	vst v63  }
0x45: {  	_ =	swait.ge [sflag:s20], $0xFA0  }
0x46: {  	[sflag:s20] =	ssyncset.done $0x0  }
0x47: {  	s29 =	sadd.s32 $0x3340, s28;
	[sflag:s20] =	ssyncadd.s32 $0xFFFFF060  }
0x48: {  	[spmem:s2] =	stream.indirect.scatter.add.f32 [tilespmem:s3], [sflag:$0x3], $0x20, s29, s18, $0xb8;
	[tilespmem:$0x1CE40] =	vst v63  }
0x49: {  	_ =	swait.ge [sflag:s15], $0xFA0  }
0x4a: {  	[sflag:s15] =	ssyncset.done $0x0  }
0x4b: {  	s30 =	sadd.s32 $0x2040, s28;
	[sflag:s15] =	ssyncadd.s32 $0xFFFFF060  }
0x4c: {  	[tilespmem:s3], [sflag:$0x1] =	stream.indirect.gather [hbm4b:s7+s18], $0x20, s30, s18, $0xb8;
	[tilespmem:$0x1CE40] =	vst v63  }
0x4d: {  	_ =	swait.ge [sflag:s21], $0xFA0  }
0x4e: {  	[sflag:s21] =	ssyncset.done $0x0  }
0x4f: {  	s31 =	sadd.s32 $0x33C0, s28;
	[sflag:s21] =	ssyncadd.s32 $0xFFFFF060  }
0x50: {  	[spmem:s2] =	stream.indirect.scatter.add.f32 [tilespmem:s19], [sflag:$0x3], $0x20, s31, s18, $0xb8;
	[tilespmem:$0x1CE40] =	vst v63  }
0x51: {  	_ =	swait.ge [sflag:s15], $0xFA0  }
0x52: {  	[sflag:s15] =	ssyncset.done $0x0  }
0x53: {  	[sflag:s15] =	ssyncadd.s32 $0xFFFFF060  }
0x54: {  	[tilespmem:s19], [sflag:$0x2] =	stream.indirect.gather [hbm4b:s7+s18], $0x20, s22, s18, $0xb8;
	[tilespmem:$0x1CE40] =	vst v63  }
0x55: {  	_ =	swait.ge [sflag:s20], $0xFA0  }
0x56: {  	[sflag:s20] =	ssyncset.done $0x0  }
0x57: {  	[sflag:s20] =	ssyncadd.s32 $0xFFFFF060  }
0x58: {  	[spmem:s2] =	stream.indirect.scatter.add.f32 [tilespmem:s3], [sflag:$0x3], $0x20, s23, s18, $0xb8;
	[tilespmem:$0x1CE40] =	vst v63  }
0x59: {  	_ =	swait.ge [sflag:s15], $0xFA0  }
0x5a: {  	[sflag:s15] =	ssyncset.done $0x0  }
0x5b: {  	[sflag:s15] =	ssyncadd.s32 $0xFFFFF060  }
0x5c: {  	s26 =	sadd.s32 $0x1, s26;
	_ =	swait.ge [sflag:s21], $0xFA0  }
0x5d: {  	p0 =	sne.s32 s26, $0x5;
	[sflag:s21] =	ssyncset.done $0x0  }
.Ltmp1:
0x5e: {  	[sflag:s21] =	ssyncadd.s32 $0xFFFFF060;
	(pc) =	sbr.rel @p0 .LBB2_2-.Ltmp1, $4  }
0x5f: {  	[spmem:s2] =	stream.indirect.scatter.add.f32 [tilespmem:s19], [sflag:$0x3], $0x20, s24, s18, $0xb8;
	[tilespmem:$0x1CE40] =	vst v63  }
0x60: {  	_ =	swait.ge [sflag:s15], $0xFA0  }
0x61: {  	[sflag:s15] =	ssyncset.done $0x0  }
0x62: {  	[sflag:s15] =	ssyncadd.s32 $0xFFFFF060  }
0x63: {  	[bflag:$0x0] =	sbarrier.arrive $0xFFFF  }
0x64: {  	[hbm:s11], [sflag:s9] =	dma.local [spmem:s14], $0x30E0  }
0x65: {  	_ =	swait.ge [sflag:s15], $0x30E0  }
0x66: {  	[sflag:s15] =	ssyncset.done $0x0  }
0x67: {  	[sflag:s15] =	ssyncadd.s32 $0xFFFFCF20  }
0x68: {  	[spmem:s14], [sflag:s9] =	dma.local [hbm:s6], $0x30E0  }
0x69: {  	_ =	swait.ge [sflag:s15], $0x30E0  }
0x6a: {  	[sflag:s15] =	ssyncset.done $0x0  }
0x6b: {  	[sflag:s15] =	ssyncadd.s32 $0xFFFFCF20  }
0x6c: {  	s26 =	simm.s32 $0x0;
	s28 =	simm.s32 $0x0;
	[bflag:$0x0] =	sbarrier.arrive $0xFFFF  }
.LBB2_6:
0x6d: {  	s0 =	smul.u32 $0x1400, s28;
	_ =	sdelay $0x1  }
0x6e: {  	s0 =	sadd.s32 s10, s0  }
0x6f: {  	s0 =	sshrl.u32 s0, $0x3  }
0x70: {  	s29 =	sadd.s32 s4, s0  }
0x71: {  	[tilespmem:s16], [sflag:$0x3] =	stream.linear.gather [hbm4b:s29+s26], $0x1400, $0x38;
	[tilespmem:$0x1CE40] =	vst v63  }
0x72: {  	_ =	swait.ge [sflag:s15], $0x1400  }
0x73: {  	[sflag:s15] =	ssyncset.done $0x0  }
0x74: {  	s0 =	sadd.s32 s5, s0;
	[sflag:s15] =	ssyncadd.s32 $0xFFFFEC00  }
0x75: {  	[tilespmem:s17], [sflag:$0x3] =	stream.linear.gather [hbm4b:s0+s26], $0x1400, $0x38;
	[tilespmem:$0x1CE40] =	vst v63  }
0x76: {  	_ =	swait.ge [sflag:s15], $0x1400  }
0x77: {  	[sflag:s15] =	ssyncset.done $0x0  }
0x78: {  	[sflag:s15] =	ssyncadd.s32 $0xFFFFEC00  }
0x79: {  	[tilespmem:s26], [sflag:$0x1] =	stream.indirect.gather [hbm4b:s8+s18], $0x20, s16, s18, $0xb8;
	[tilespmem:$0x1CE40] =	vst v63  }
0x7a: {  	s1 =	simm.s32 $0x1FC0  }
0x7b: {  	[tilespmem:s19], [sflag:$0x2] =	stream.indirect.gather [hbm4b:s8+s18], $0x20, s1, s18, $0xb8;
	[tilespmem:$0x1CE40] =	vst v63  }
0x7c: {  	_ =	swait.ge [sflag:s20], $0xFA0  }
0x7d: {  	[sflag:s20] =	ssyncset.done $0x0  }
0x7e: {  	s31 =	simm.s32 $0x3340;
	[sflag:s20] =	ssyncadd.s32 $0xFFFFF060  }
0x7f: {  	[spmem:s2] =	stream.indirect.scatter.add.f32 [tilespmem:s3], [sflag:$0x3], $0x20, s31, s18, $0xb8;
	[tilespmem:$0x1CE40] =	vst v63  }
0x80: {  	_ =	swait.ge [sflag:s15], $0xFA0  }
0x81: {  	[sflag:s15] =	ssyncset.done $0x0  }
0x82: {  	s1 =	simm.s32 $0x2040;
	[sflag:s15] =	ssyncadd.s32 $0xFFFFF060  }
0x83: {  	[tilespmem:s3], [sflag:$0x1] =	stream.indirect.gather [hbm4b:s8+s18], $0x20, s1, s18, $0xb8;
	[tilespmem:$0x1CE40] =	vst v63  }
0x84: {  	_ =	swait.ge [sflag:s21], $0xFA0  }
0x85: {  	[sflag:s21] =	ssyncset.done $0x0  }
0x86: {  	s31 =	simm.s32 $0x33C0;
	[sflag:s21] =	ssyncadd.s32 $0xFFFFF060  }
0x87: {  	[spmem:s2] =	stream.indirect.scatter.add.f32 [tilespmem:s19], [sflag:$0x3], $0x20, s31, s18, $0xb8;
	[tilespmem:$0x1CE40] =	vst v63  }
0x88: {  	_ =	swait.ge [sflag:s15], $0xFA0  }
0x89: {  	s30 =	simm.s32 $0x800;
	s29 =	simm.s32 $0x100;
	[sflag:s15] =	ssyncset.done $0x0  }
.LBB2_7:
0x8a: {  	s0 =	sadd.s32 $0x1FC0, s29  }
0x8b: {  	[sflag:s15] =	ssyncadd.s32 $0xFFFFF060;
	s31 =	smov.u32 s30;
	s1 =	sadd.s32 $0x400, s30  }
0x8c: {  	[tilespmem:s19], [sflag:$0x2] =	stream.indirect.gather [hbm4b:s8+s18], $0x20, s0, s18, $0xb8;
	[tilespmem:$0x1CE40] =	vst v63  }
0x8d: {  	p0 =	sne.s32 s30, $0x4800;
	_ =	swait.ge [sflag:s20], $0xFA0  }
0x8e: {  	[sflag:s20] =	ssyncset.done $0x0  }
0x8f: {  	s0 =	sadd.s32 $0x3340, s29;
	[sflag:s20] =	ssyncadd.s32 $0xFFFFF060  }
0x90: {  	[spmem:s2] =	stream.indirect.scatter.add.f32 [tilespmem:s3], [sflag:$0x3], $0x20, s0, s18, $0xb8;
	[tilespmem:$0x1CE40] =	vst v63  }
0x91: {  	_ =	swait.ge [sflag:s15], $0xFA0  }
0x92: {  	[sflag:s15] =	ssyncset.done $0x0  }
0x93: {  	s0 =	sadd.s32 $0x2040, s29;
	[sflag:s15] =	ssyncadd.s32 $0xFFFFF060  }
0x94: {  	[tilespmem:s3], [sflag:$0x1] =	stream.indirect.gather [hbm4b:s8+s18], $0x20, s0, s18, $0xb8;
	[tilespmem:$0x1CE40] =	vst v63  }
0x95: {  	_ =	swait.ge [sflag:s21], $0xFA0  }
.Ltmp2:
0x96: {  	[sflag:s21] =	ssyncset.done $0x0;
	(pc) =	sbr.rel @p0 .LBB2_7-.Ltmp2, $4  }
0x97: {  	s0 =	sadd.s32 $0x33C0, s29;
	[sflag:s21] =	ssyncadd.s32 $0xFFFFF060  }
0x98: {  	[spmem:s2] =	stream.indirect.scatter.add.f32 [tilespmem:s19], [sflag:$0x3], $0x20, s0, s18, $0xb8;
	[tilespmem:$0x1CE40] =	vst v63  }
0x99: {  	_ =	swait.ge [sflag:s15], $0xFA0  }
0x9a: {  	s30 =	smov.u32 s1;
	s29 =	sshra.s32 s31, $0x2;
	[sflag:s15] =	ssyncset.done $0x0  }
0x9b: {  	s0 =	sadd.s32 $0x1FC0, s29;
	[sflag:s15] =	ssyncadd.s32 $0xFFFFF060  }
0x9c: {  	[tilespmem:s19], [sflag:$0x2] =	stream.indirect.gather [hbm4b:s8+s18], $0x20, s0, s18, $0xb8;
	[tilespmem:$0x1CE40] =	vst v63  }
0x9d: {  	_ =	swait.ge [sflag:s20], $0xFA0  }
0x9e: {  	[sflag:s20] =	ssyncset.done $0x0  }
0x9f: {  	s1 =	sadd.s32 $0x3340, s29;
	[sflag:s20] =	ssyncadd.s32 $0xFFFFF060  }
0xa0: {  	[spmem:s2] =	stream.indirect.scatter.add.f32 [tilespmem:s3], [sflag:$0x3], $0x20, s1, s18, $0xb8;
	[tilespmem:$0x1CE40] =	vst v63  }
0xa1: {  	_ =	swait.ge [sflag:s15], $0xFA0  }
0xa2: {  	[sflag:s15] =	ssyncset.done $0x0  }
0xa3: {  	s30 =	sadd.s32 $0x2040, s29;
	[sflag:s15] =	ssyncadd.s32 $0xFFFFF060  }
0xa4: {  	[tilespmem:s3], [sflag:$0x1] =	stream.indirect.gather [hbm4b:s8+s18], $0x20, s30, s18, $0xb8;
	[tilespmem:$0x1CE40] =	vst v63  }
0xa5: {  	_ =	swait.ge [sflag:s21], $0xFA0  }
0xa6: {  	[sflag:s21] =	ssyncset.done $0x0  }
0xa7: {  	s31 =	sadd.s32 $0x33C0, s29;
	[sflag:s21] =	ssyncadd.s32 $0xFFFFF060  }
0xa8: {  	[spmem:s2] =	stream.indirect.scatter.add.f32 [tilespmem:s19], [sflag:$0x3], $0x20, s31, s18, $0xb8;
	[tilespmem:$0x1CE40] =	vst v63  }
0xa9: {  	_ =	swait.ge [sflag:s15], $0xFA0  }
0xaa: {  	[sflag:s15] =	ssyncset.done $0x0  }
0xab: {  	[sflag:s15] =	ssyncadd.s32 $0xFFFFF060  }
0xac: {  	[tilespmem:s19], [sflag:$0x2] =	stream.indirect.gather [hbm4b:s8+s18], $0x20, s22, s18, $0xb8;
	[tilespmem:$0x1CE40] =	vst v63  }
0xad: {  	_ =	swait.ge [sflag:s20], $0xFA0  }
0xae: {  	[sflag:s20] =	ssyncset.done $0x0  }
0xaf: {  	[sflag:s20] =	ssyncadd.s32 $0xFFFFF060  }
0xb0: {  	[spmem:s2] =	stream.indirect.scatter.add.f32 [tilespmem:s3], [sflag:$0x3], $0x20, s23, s18, $0xb8;
	[tilespmem:$0x1CE40] =	vst v63  }
0xb1: {  	_ =	swait.ge [sflag:s15], $0xFA0  }
0xb2: {  	[sflag:s15] =	ssyncset.done $0x0  }
0xb3: {  	[sflag:s15] =	ssyncadd.s32 $0xFFFFF060  }
0xb4: {  	s28 =	sadd.s32 $0x1, s28;
	_ =	swait.ge [sflag:s21], $0xFA0  }
0xb5: {  	p0 =	sne.s32 s28, $0x5;
	[sflag:s21] =	ssyncset.done $0x0  }
.Ltmp3:
0xb6: {  	[sflag:s21] =	ssyncadd.s32 $0xFFFFF060;
	(pc) =	sbr.rel @p0 .LBB2_6-.Ltmp3, $4  }
0xb7: {  	[spmem:s2] =	stream.indirect.scatter.add.f32 [tilespmem:s19], [sflag:$0x3], $0x20, s24, s18, $0xb8;
	[tilespmem:$0x1CE40] =	vst v63  }
0xb8: {  	_ =	swait.ge [sflag:s15], $0xFA0  }
0xb9: {  	[sflag:s15] =	ssyncset.done $0x0  }
0xba: {  	[sflag:s15] =	ssyncadd.s32 $0xFFFFF060  }
0xbb: {  	s25 =	sadd.s32 $0x1, s25  }
0xbc: {  	p0 =	sne.s32 s25, s13  }
.Ltmp4:
0xbd: {  	[bflag:$0x0] =	sbarrier.arrive $0xFFFF;
	(pc) =	sbr.rel @p0 .LBB2_1-.Ltmp4, $4  }
0xbe: {  	[hbm:s12], [sflag:s9] =	dma.local [spmem:s14], $0x30E0  }
0xbf: {  	_ =	swait.ge [sflag:s15], $0x30E0  }
0xc0: {  	[sflag:s15] =	ssyncset.done $0x0  }
0xc1: {  	[sflag:s15] =	ssyncadd.s32 $0xFFFFCF20  }
0xc2: {  	_ =	sfence.sel $0x180000  }
0xc3: {  	[bflag:$0x0] =	sbarrier.arrive $0xFFFF  }
0xc4: {  	_ =	strace $0x9000004D  }
0xc5: {  	s0 =	stileid.u32;
	[bflag:$0x2] =	sbarrier.arrive $0xFFFF  }
0xc6: {  	p0 =	sne.s32 s0, $0x0;
	s0 =	rddreg [dreg:$0x2]  }
0xc7: {  	s0 =	sadd.s32 @!p0 $0x100000, s0  }
0xc8: {  	[sflag:s0] =	ssyncadd.tile.s32 @!p0 $0x1;
	_ =	shalt  }
.Lfunc_end2:
_tile_overlayer_lowered:
.L_overlay_start_2:
0xc9: {  	(tag) =	ssettag $0x2  }
0xca: {  	s0 =	rddreg [dreg:$0x0];
	s2 =	stileid.u32  }
0xcb: {  	s1 =	rddreg [dreg:$0x1];
	p0 =	sne.s32 s2, $0x0  }
0xcc: {  	s3 =	rddreg [dreg:$0x2];
	[bflag:$0x3] =	sbarrier.arrive $0xFFFF;
	s2 =	simm.s32 @!p0 $0x1C03  }
0xcd: {  	[timem:s3], [sflag:s2] =	dma.local @!p0 [hbm:s0], s1  }
0xce: {  	s0 =	simm.s32 @!p0 $0x3  }
0xcf: {  	_ =	swait.ge @!p0 [sflag:s0], s1  }
0xd0: {  	s1 =	ssub.s32 @!p0 $0x0, s1;
	[sflag:s0] =	ssyncset.done @!p0 $0x0  }
0xd1: {  	[sflag:s0] =	ssyncadd.s32 @!p0 s1  }
0xd2: {  	[bflag:$0x3] =	sbarrier.arrive $0xFFFF  }
0xd3: {  	_ =	shalt  }

</sc_bundles>
